<compile_context>
chip_gen: v7x
topology: tpu7x:2x2x1
jax: 0.10.2.dev20260603
libtpu: 0.0.44.dev20260713+nightly
codegen_flags: <defaults>
</compile_context>

<pallas_src>
import jax
import jax.numpy as jnp
from jax import lax
from jax.experimental import pallas as pl
from jax.experimental.pallas import tpu as pltpu
from jax.experimental.pallas import tpu_sc as plsc

N = 50000
D = 128
E = 200000
NUM_REL = 3

NC = 2
NS = 16
G = 112
NBANK = 4
CP = 4
CW = 32

E_PAD = 200704
EPT = E_PAD // NS
RI = EPT // G
NB = RI
CHK = 28
NCHK = NB // CHK
N_PAD = 50176
RPT = N_PAD // NS
ZR = 112
HR = RPT // 2
TB = 1024


def _sc_body(xv, srcs, dsts, sums, cnts,
             accum, cs0, cd0, cs1, cd1, rows_a, rows_b, rows_c, rows_d, zbuf,
             sem_ga, sem_gb, sem_gc, sem_gd,
             sem_sa, sem_sb, sem_sc, sem_sd, sem_z, sem_ia, sem_ib):
    c = lax.axis_index("c")
    t = lax.axis_index("s")

    @pl.loop(0, ZR)
    def _(i):
        zbuf[i, pl.ds(0, 16)] = jnp.zeros((16,), jnp.float32)
        zbuf[i, pl.ds(16, 16)] = jnp.zeros((16,), jnp.float32)

    def zero_own_slice():
        @pl.loop(0, RPT // ZR)
        def _(k):
            pltpu.make_async_copy(
                zbuf, accum.at[pl.ds(t * RPT + k * ZR, ZR)], sem_z).start()

        @pl.loop(0, RPT // ZR)
        def _(k):
            pltpu.make_async_copy(
                zbuf, accum.at[pl.ds(t * RPT + k * ZR, ZR)], sem_z).wait()

    zero_own_slice()
    plsc.subcore_barrier()

    banks = [(rows_a, sem_ga, sem_sa), (rows_b, sem_gb, sem_sb),
             (rows_c, sem_gc, sem_sc), (rows_d, sem_gd, sem_sd)]

    def fire_g(cs, bank, lrow):
        rows, gsem, _ = banks[bank]
        pltpu.make_async_copy(xv.at[cs.at[lrow]], rows, gsem).start()

    def wait_g(cs, bank, lrow):
        rows, gsem, _ = banks[bank]
        pltpu.make_async_copy(xv.at[cs.at[lrow]], rows, gsem).wait()

    def fire_s(cd, bank, lrow):
        rows, _, ssem = banks[bank]
        pltpu.make_async_copy(rows, accum.at[cd.at[lrow]],
                              ssem).start(add=True)

    def drain_s(cd, bank, lrow):
        rows, _, ssem = banks[bank]
        pltpu.make_async_copy(rows, accum.at[cd.at[lrow]], ssem).wait()

    def idx_copies(cs, cd, isem, r, p, ck):
        return (pltpu.make_async_copy(srcs.at[r, p, t, pl.ds(ck * CHK, CHK)],
                                      cs, isem),
                pltpu.make_async_copy(dsts.at[r, t, pl.ds(ck * CHK, CHK)],
                                      cd, isem))

    def process_chunk(cs, cd):
        fire_g(cs, 0, 0)
        fire_g(cs, 1, 1)
        fire_g(cs, 2, 2)
        wait_g(cs, 0, 0)
        fire_s(cd, 0, 0)
        fire_g(cs, 3, 3)
        for i in range(1, NBANK):
            wait_g(cs, i, i)
            fire_s(cd, i, i)
            drain_s(cd, i - 1, i - 1)
            fire_g(cs, i - 1, i + 3)

        @pl.loop(1, CHK // NBANK - 1)
        def _(g):
            for i in range(NBANK):
                r_ = NBANK * g + i
                wait_g(cs, i, r_)
                fire_s(cd, i, r_)
                drain_s(cd, (i + 3) % NBANK, r_ - 1)
                fire_g(cs, (i + 3) % NBANK, r_ + 3)

        kt = CHK - NBANK
        wait_g(cs, 0, kt)
        fire_s(cd, 0, kt)
        drain_s(cd, 3, kt - 1)
        fire_g(cs, 3, kt + 3)
        for i in range(1, NBANK):
            wait_g(cs, i, kt + i)
            fire_s(cd, i, kt + i)
            drain_s(cd, i - 1, kt + i - 1)
        drain_s(cd, 3, kt + 3)

    def scatter_loop(r, p):
        for d_ in idx_copies(cs0, cd0, sem_ia, r, p, 0):
            d_.start()

        @pl.loop(0, NCHK // 2)
        def _(h):
            for d_ in idx_copies(cs0, cd0, sem_ia, r, p, 2 * h):
                d_.wait()
            for d_ in idx_copies(cs1, cd1, sem_ib, r, p, 2 * h + 1):
                d_.start()
            process_chunk(cs0, cd0)
            for d_ in idx_copies(cs1, cd1, sem_ib, r, p, 2 * h + 1):
                d_.wait()

            @pl.when(h < NCHK // 2 - 1)
            def _():
                for d_ in idx_copies(cs0, cd0, sem_ia, r, p, 2 * h + 2):
                    d_.start()

            process_chunk(cs1, cd1)

    def count_loop(r, ck_lo, ck_hi):
        @pl.loop(0, G)
        def _(i):
            rows_a[i, pl.ds(0, 16)] = jnp.ones((16,), jnp.float32)
            rows_a[i, pl.ds(16, 16)] = jnp.ones((16,), jnp.float32)

        @pl.loop(ck_lo, ck_hi)
        def _(ck):
            pltpu.sync_copy(dsts.at[r, t, pl.ds(ck * CHK, CHK)], cd0)

            @pl.loop(0, CHK)
            def _(i):
                pltpu.make_async_copy(rows_a, accum.at[cd0.at[i]],
                                      sem_sa).start(add=True)

            @pl.loop(0, CHK)
            def _(i):
                pltpu.make_async_copy(rows_a, accum.at[cd0.at[i]],
                                      sem_sa).wait()

    def wb_zero(d0, d1):
        w0 = pltpu.make_async_copy(accum.at[pl.ds(t * RPT, HR)], d0, sem_ia)
        w0.start()
        w1 = pltpu.make_async_copy(accum.at[pl.ds(t * RPT + HR, HR)], d1,
                                   sem_ib)
        w1.start()
        w0.wait()

        @pl.loop(0, HR // ZR)
        def _(k):
            pltpu.make_async_copy(
                zbuf, accum.at[pl.ds(t * RPT + k * ZR, ZR)], sem_z).start()

        w1.wait()

        @pl.loop(0, HR // ZR)
        def _(k):
            pltpu.make_async_copy(
                zbuf, accum.at[pl.ds(t * RPT + HR + k * ZR, ZR)],
                sem_z).start()

        @pl.loop(0, RPT // ZR)
        def _(k):
            pltpu.make_async_copy(
                zbuf, accum.at[pl.ds(t * RPT + k * ZR, ZR)], sem_z).wait()

    @pl.loop(0, NUM_REL * (CP // 2))
    def _(q):
        r = q // 2
        p = q % 2 + (CP // 2) * c
        po = pl.multiple_of(p * CW, CW)
        scatter_loop(r, p)
        plsc.subcore_barrier()
        wb_zero(sums.at[r, pl.ds(t * RPT, HR), pl.ds(po, CW)],
                sums.at[r, pl.ds(t * RPT + HR, HR), pl.ds(po, CW)])
        plsc.subcore_barrier()

    @pl.loop(0, 2)
    def _(q):
        solo = q == 0
        r = jnp.where(solo, jnp.where(c == 0, 0, 2), 1)
        slot = jnp.where(solo, jnp.where(c == 0, 0, 2),
                         jnp.where(c == 0, 1, 3))
        ck_lo = jnp.where(solo, 0, (NCHK // 2) * c)
        ck_hi = jnp.where(solo, NCHK, (NCHK // 2) * (c + 1))
        count_loop(r, ck_lo, ck_hi)
        plsc.subcore_barrier()
        so = pl.multiple_of(slot * CW, CW)
        wb_zero(cnts.at[pl.ds(t * RPT, HR), pl.ds(so, CW)],
                cnts.at[pl.ds(t * RPT + HR, HR), pl.ds(so, CW)])
        plsc.subcore_barrier()


_sc_call = pl.kernel(
    _sc_body,
    out_type=[
        jax.ShapeDtypeStruct((NUM_REL, N_PAD, D), jnp.float32),
        jax.ShapeDtypeStruct((N_PAD, D), jnp.float32),
    ],
    mesh=plsc.VectorSubcoreMesh(core_axis_name="c", subcore_axis_name="s"),
    scratch_types=[
        pltpu.MemorySpace.VMEM_SHARED((N_PAD, CW), jnp.float32),
        pltpu.VMEM((CHK, G), jnp.int32),
        pltpu.VMEM((CHK, G), jnp.int32),
        pltpu.VMEM((CHK, G), jnp.int32),
        pltpu.VMEM((CHK, G), jnp.int32),
        pltpu.VMEM((G, CW), jnp.float32),
        pltpu.VMEM((G, CW), jnp.float32),
        pltpu.VMEM((G, CW), jnp.float32),
        pltpu.VMEM((G, CW), jnp.float32),
        pltpu.VMEM((ZR, CW), jnp.float32),
        pltpu.SemaphoreType.DMA,
        pltpu.SemaphoreType.DMA,
        pltpu.SemaphoreType.DMA,
        pltpu.SemaphoreType.DMA,
        pltpu.SemaphoreType.DMA,
        pltpu.SemaphoreType.DMA,
        pltpu.SemaphoreType.DMA,
        pltpu.SemaphoreType.DMA,
        pltpu.SemaphoreType.DMA,
        pltpu.SemaphoreType.DMA,
        pltpu.SemaphoreType.DMA,
    ],
    compiler_params=pltpu.CompilerParams(use_tc_tiling_on_sc=False),
)


def _tc_body(sums_ref, cnts_ref, x_ref, wl_ref, wr_ref, b_ref, o_ref):
    x = x_ref[...]
    wr = wr_ref[0] + wr_ref[1] + wr_ref[2]
    bias = b_ref[0] + b_ref[1] + b_ref[2]
    acc = lax.dot_general(x, wr, (((1,), (1,)), ((), ())),
                          preferred_element_type=jnp.float32) + bias[None, :]
    cn = cnts_ref[...]
    cnt_r = [cn[:, 0:1], cn[:, CW:CW + 1] + cn[:, 3 * CW:3 * CW + 1],
             cn[:, 2 * CW:2 * CW + 1]]
    for r in range(NUM_REL):
        mean = sums_ref[r] / jnp.maximum(cnt_r[r], 1.0)
        acc = acc + lax.dot_general(mean, wl_ref[r], (((1,), (1,)), ((), ())),
                                    preferred_element_type=jnp.float32)
    o_ref[...] = acc


def _tc_call(sums, cnts, x, wl, wr, bb):
    return pl.pallas_call(
        _tc_body,
        grid=(N_PAD // TB,),
        in_specs=[
            pl.BlockSpec((NUM_REL, TB, D), lambda i: (0, i, 0)),
            pl.BlockSpec((TB, D), lambda i: (i, 0)),
            pl.BlockSpec((TB, D), lambda i: (i, 0)),
            pl.BlockSpec((NUM_REL, D, D), lambda i: (0, 0, 0)),
            pl.BlockSpec((NUM_REL, D, D), lambda i: (0, 0, 0)),
            pl.BlockSpec((NUM_REL, D), lambda i: (0, 0)),
        ],
        out_specs=pl.BlockSpec((TB, D), lambda i: (i, 0)),
        out_shape=jax.ShapeDtypeStruct((N_PAD, D), jnp.float32),
    )(sums, cnts, x, wl, wr, bb)


def kernel(x, edge_index_r0, edge_index_r1, edge_index_r2,
           W_l_r0, b_r0, W_r_r0,
           W_l_r1, b_r1, W_r_r1,
           W_l_r2, b_r2, W_r_r2):
    pad = E_PAD - E
    src_list = []
    dst_list = []
    for ei in (edge_index_r0, edge_index_r1, edge_index_r2):
        src = jnp.concatenate([ei[0], jnp.zeros((pad,), jnp.int32)])
        src_list.append((src[None, :] * CP
                         + jnp.arange(CP, dtype=jnp.int32)[:, None]
                         ).reshape(CP, NS, RI, G))
        dst = jnp.concatenate([ei[1], jnp.full((pad,), N, jnp.int32)])
        dst_list.append(dst.reshape(NS, RI, G))
    srcs = jnp.stack(src_list)
    dsts = jnp.stack(dst_list)
    xv = x.reshape(CP * N, CW)
    wl = jnp.stack([W_l_r0, W_l_r1, W_l_r2])
    wr = jnp.stack([W_r_r0, W_r_r1, W_r_r2])
    bb = jnp.stack([b_r0, b_r1, b_r2])
    sums, cnts = _sc_call(xv, srcs, dsts)
    x_pad = jnp.pad(x, ((0, N_PAD - N), (0, 0)))
    out = _tc_call(sums, cnts, x_pad, wl, wr, bb)
    return out[:N]

# --- scband reference (transcript-rebuilt; emitter-appended) ---
"""Pipeline reference for scband-rel-graph-conv-layer-12275016532442 (READ-ONLY COPY).

The authoritative reference and input builder live on the scoring server;
editing this copy changes nothing except your own understanding.
"""

import jax, jax.numpy as jnp
import numpy as np

N = 50000
D = 128
E = 200000
NUM_REL = 3


def setup_inputs(seed: int = 0) -> dict:
    key = jax.random.key(seed)
    ks = jax.random.split(key, 16)
    inp = {}
    inp["x"] = jax.random.normal(ks[0], (N, D), dtype=jnp.float32)
    for i in range(NUM_REL):
        inp[f"edge_index_r{i}"] = jax.random.randint(ks[1 + i], (2, E), 0, N, dtype=jnp.int32)
    # SAGEConv params per relation: lin_l (neighbor aggr, with bias), lin_r (root, no bias)
    for i in range(NUM_REL):
        inp[f"W_l_r{i}"] = jax.random.normal(ks[4 + 3 * i], (D, D), dtype=jnp.float32) * 0.05
        inp[f"b_r{i}"] = jnp.zeros((D,), dtype=jnp.float32)
        inp[f"W_r_r{i}"] = jax.random.normal(ks[5 + 3 * i], (D, D), dtype=jnp.float32) * 0.05
    return inp


def _sage_conv(x, edge_index, W_l, b, W_r):
    # PyG SAGEConv with mean aggregation:
    # out_i = W_l @ mean_{j in N(i)} x_j + b + W_r @ x_i
    src = edge_index[0]
    dst = edge_index[1]
    n = x.shape[0]
    msg = jnp.take(x, src, axis=0)
    aggr_sum = jax.ops.segment_sum(msg, dst, num_segments=n)
    cnt = jax.ops.segment_sum(jnp.ones((msg.shape[0],), dtype=x.dtype), dst, num_segments=n)
    aggr_mean = aggr_sum / jnp.clip(cnt, 1.0, None)[:, None]
    return aggr_mean @ W_l.T + b + x @ W_r.T


def reference(x, edge_index_r0, edge_index_r1, edge_index_r2,
              W_l_r0, b_r0, W_r_r0,
              W_l_r1, b_r1, W_r_r1,
              W_l_r2, b_r2, W_r_r2):
    # HeteroConv with default aggr='sum' over relations sharing the same dst node type.
    h = _sage_conv(x, edge_index_r0, W_l_r0, b_r0, W_r_r0)
    h = h + _sage_conv(x, edge_index_r1, W_l_r1, b_r1, W_r_r1)
    h = h + _sage_conv(x, edge_index_r2, W_l_r2, b_r2, W_r_r2)
    # dropout=0.0 and activation=None -> identity post-processing
    return h

if __name__ == "__main__":
    import jax
    _d = setup_inputs()
    print(jax.jit(kernel)(*tuple(_d.values())))

</pallas_src>

<mosaic_0001>
#map = affine_map<(d0, d1) -> (0, 0)>
#map1 = affine_map<(d0, d1) -> (0, 0, 0, 0, 0)>
#map2 = affine_map<(d0, d1) -> (0, 0, 0, 0)>
#map3 = affine_map<(d0, d1) -> (0, 0, 0)>
module attributes {stable_mosaic.version = 14 : i64} {
  func.func @_sc_body(%arg0: i32, %arg1: i32, %arg2: memref<200000x32xf32, #tpu.memory_space<hbm>>, %arg3: memref<3x4x16x112x112xi32, #tpu.memory_space<hbm>>, %arg4: memref<3x16x112x112xi32, #tpu.memory_space<hbm>>, %arg5: memref<3x50176x128xf32, #tpu.memory_space<hbm>>, %arg6: memref<50176x128xf32, #tpu.memory_space<hbm>>, %arg7: memref<50176x32xf32, #tpu.memory_space<vmem_shared>>, %arg8: memref<28x112xi32, #tpu.memory_space<vmem>>, %arg9: memref<28x112xi32, #tpu.memory_space<vmem>>, %arg10: memref<28x112xi32, #tpu.memory_space<vmem>>, %arg11: memref<28x112xi32, #tpu.memory_space<vmem>>, %arg12: memref<112x32xf32, #tpu.memory_space<vmem>>, %arg13: memref<112x32xf32, #tpu.memory_space<vmem>>, %arg14: memref<112x32xf32, #tpu.memory_space<vmem>>, %arg15: memref<112x32xf32, #tpu.memory_space<vmem>>, %arg16: memref<112x32xf32, #tpu.memory_space<vmem>>, %arg17: memref<!tpu.dma_semaphore, #tpu.memory_space<semaphore_mem>>, %arg18: memref<!tpu.dma_semaphore, #tpu.memory_space<semaphore_mem>>, %arg19: memref<!tpu.dma_semaphore, #tpu.memory_space<semaphore_mem>>, %arg20: memref<!tpu.dma_semaphore, #tpu.memory_space<semaphore_mem>>, %arg21: memref<!tpu.dma_semaphore, #tpu.memory_space<semaphore_mem>>, %arg22: memref<!tpu.dma_semaphore, #tpu.memory_space<semaphore_mem>>, %arg23: memref<!tpu.dma_semaphore, #tpu.memory_space<semaphore_mem>>, %arg24: memref<!tpu.dma_semaphore, #tpu.memory_space<semaphore_mem>>, %arg25: memref<!tpu.dma_semaphore, #tpu.memory_space<semaphore_mem>>, %arg26: memref<!tpu.dma_semaphore, #tpu.memory_space<semaphore_mem>>, %arg27: memref<!tpu.dma_semaphore, #tpu.memory_space<semaphore_mem>>) attributes {dimension_semantics = [#tpu.dimension_semantics<core_parallel>, #tpu.dimension_semantics<subcore_parallel>], iteration_bounds = array<i64: 2, 16>, scalar_prefetch = 0 : i64, scratch_operands = 21 : i64, tpu.core_type = #tpu.core_type<sc_vector_subcore>, window_params = [{transform_indices = #map}, {transform_indices = #map1}, {transform_indices = #map2}, {transform_indices = #map3}, {transform_indices = #map}]} {
    %scan3A = arith.constant 0 : i32
    %scan3A_0 = arith.constant 112 : i32
    %scan3A_1 = arith.addi %scan3A, %scan3A_0 : i32
    %scan3A_2 = arith.constant 1 : i32
    scf.for %scan3A_24 = %scan3A to %scan3A_1 step %scan3A_2  : i32 {
      %mul3A = arith.constant 1 : i32
      %mul3A_25 = arith.muli %scan3A_24, %mul3A : i32
      %add3A = arith.constant 0 : i32
      %add3A_26 = arith.addi %add3A, %mul3A_25 : i32
      %broadcast_in_dim3A = arith.constant 0.000000e+00 : f32
      %broadcast_in_dim3A_27 = vector.broadcast %broadcast_in_dim3A : f32 to vector<16xf32>
      %swap3A = arith.index_cast %add3A_26 : i32 to index
      %swap3A_28 = arith.constant 0 : index
      %swap3A_29 = tpu.vector_load %arg16[%swap3A, %swap3A_28] {strides = array<i32>} : memref<112x32xf32, #tpu.memory_space<vmem>>, vector<1x16xf32>,
      %swap3A_30 = vector.shape_cast %swap3A_29 : vector<1x16xf32> to vector<16xf32>
      %swap3A_31 = vector.shape_cast %broadcast_in_dim3A_27 : vector<16xf32> to vector<1x16xf32>
      tpu.vector_store %arg16[%swap3A, %swap3A_28], %swap3A_31 {strides = array<i32>} : memref<112x32xf32, #tpu.memory_space<vmem>>, vector<1x16xf32>,
      %broadcast_in_dim3A_32 = arith.constant 0.000000e+00 : f32
      %broadcast_in_dim3A_33 = vector.broadcast %broadcast_in_dim3A_32 : f32 to vector<16xf32>
      %swap3A_34 = arith.index_cast %add3A_26 : i32 to index
      %swap3A_35 = arith.constant 16 : index
      %swap3A_36 = tpu.vector_load %arg16[%swap3A_34, %swap3A_35] {strides = array<i32>} : memref<112x32xf32, #tpu.memory_space<vmem>>, vector<1x16xf32>,
      %swap3A_37 = vector.shape_cast %swap3A_36 : vector<1x16xf32> to vector<16xf32>
      %swap3A_38 = vector.shape_cast %broadcast_in_dim3A_33 : vector<16xf32> to vector<1x16xf32>
      tpu.vector_store %arg16[%swap3A_34, %swap3A_35], %swap3A_38 {strides = array<i32>} : memref<112x32xf32, #tpu.memory_space<vmem>>, vector<1x16xf32>,
    }
    %scan3A_3 = arith.constant 112 : i32
    %scan3A_4 = arith.constant 0 : i32
    %scan3A_5 = arith.constant 28 : i32
    %scan3A_6 = arith.addi %scan3A_4, %scan3A_5 : i32
    %scan3A_7 = arith.constant 1 : i32
    scf.for %scan3A_24 = %scan3A_4 to %scan3A_6 step %scan3A_7  : i32 {
      %mul3A = arith.constant 1 : i32
      %mul3A_25 = arith.muli %scan3A_24, %mul3A : i32
      %add3A = arith.constant 0 : i32
      %add3A_26 = arith.addi %add3A, %mul3A_25 : i32
      %mul3A_27 = arith.constant 3136 : i32
      %mul3A_28 = arith.muli %arg1, %mul3A_27 : i32
      %mul3A_29 = arith.constant 112 : i32
      %mul3A_30 = arith.muli %add3A_26, %mul3A_29 : i32
      %add3A_31 = arith.addi %mul3A_28, %mul3A_30 : i32
      %dma_start3A = arith.constant 0 : i32
      %dma_start3A_32 = tpu.memref_slice %arg7[%add3A_31, %dma_start3A] : memref<50176x32xf32, #tpu.memory_space<vmem_shared>> -> memref<112x32xf32, #tpu.memory_space<vmem_shared>>
      %dma_start3A_33 = arith.constant 0 : i32
      %dma_start3A_34 = tpu.memref_slice %arg7[%add3A_31, %dma_start3A_33] : memref<50176x32xf32, #tpu.memory_space<vmem_shared>> -> memref<112x32xf32, #tpu.memory_space<vmem_shared>>
      tpu.enqueue_dma source(%arg16 : memref<112x32xf32, #tpu.memory_space<vmem>>) target(%dma_start3A_34 : memref<112x32xf32, #tpu.memory_space<vmem_shared>>) target_semaphore(%arg25 : memref<!tpu.dma_semaphore, #tpu.memory_space<semaphore_mem>>)
    }
    %scan3A_8 = arith.constant 28 : i32
    %scan3A_9 = arith.constant 0 : i32
    %scan3A_10 = arith.constant 28 : i32
    %scan3A_11 = arith.addi %scan3A_9, %scan3A_10 : i32
    %scan3A_12 = arith.constant 1 : i32
    scf.for %scan3A_24 = %scan3A_9 to %scan3A_11 step %scan3A_12  : i32 {
      %mul3A = arith.constant 1 : i32
      %mul3A_25 = arith.muli %scan3A_24, %mul3A : i32
      %add3A = arith.constant 0 : i32
      %add3A_26 = arith.addi %add3A, %mul3A_25 : i32
      %mul3A_27 = arith.constant 3136 : i32
      %mul3A_28 = arith.muli %arg1, %mul3A_27 : i32
      %mul3A_29 = arith.constant 112 : i32
      %mul3A_30 = arith.muli %add3A_26, %mul3A_29 : i32
      %add3A_31 = arith.addi %mul3A_28, %mul3A_30 : i32
      %dma_wait3A = arith.constant 0 : i32
      %dma_wait3A_32 = tpu.memref_slice %arg7[%add3A_31, %dma_wait3A] : memref<50176x32xf32, #tpu.memory_space<vmem_shared>> -> memref<112x32xf32, #tpu.memory_space<vmem_shared>>
      %dma_wait3A_33 = arith.constant 0 : i32
      %dma_wait3A_34 = tpu.memref_slice %arg7[%add3A_31, %dma_wait3A_33] : memref<50176x32xf32, #tpu.memory_space<vmem_shared>> -> memref<112x32xf32, #tpu.memory_space<vmem_shared>>
      tpu.wait_dma2 semaphore(%arg25 : memref<!tpu.dma_semaphore, #tpu.memory_space<semaphore_mem>>) src(%arg16 : memref<112x32xf32, #tpu.memory_space<vmem>>) dst(%dma_wait3A_34 : memref<112x32xf32, #tpu.memory_space<vmem_shared>>)
    }
    %scan3A_13 = arith.constant 28 : i32
    %barrier3A = arith.constant 0 : index
    tpu.barrier barrier_id(%barrier3A)
    %scan3A_14 = arith.constant 0 : i32
    %scan3A_15 = arith.constant 6 : i32
    %scan3A_16 = arith.addi %scan3A_14, %scan3A_15 : i32
    %scan3A_17 = arith.constant 1 : i32
    scf.for %scan3A_24 = %scan3A_14 to %scan3A_16 step %scan3A_17  : i32 {
      %mul3A = arith.constant 1 : i32
      %mul3A_25 = arith.muli %scan3A_24, %mul3A : i32
      %add3A = arith.constant 0 : i32
      %add3A_26 = arith.addi %add3A, %mul3A_25 : i32
      %jit3A = arith.constant 2 : i32
      %div3A = arith.divsi %add3A_26, %jit3A : i32
      %sign3A = arith.constant 0 : i32
      %sign3A_27 = arith.cmpi sgt, %add3A_26, %sign3A : i32
      %sign3A_28 = arith.extui %sign3A_27 : i1 to i32
      %sign3A_29 = arith.constant 0 : i32
      %sign3A_30 = arith.cmpi slt, %add3A_26, %sign3A_29 : i32
      %sign3A_31 = arith.extui %sign3A_30 : i1 to i32
      %sign3A_32 = arith.subi %sign3A_28, %sign3A_31 : i32
      %sign3A_33 = arith.constant 0 : i32
      %sign3A_34 = arith.cmpi sgt, %jit3A, %sign3A_33 : i32
      %sign3A_35 = arith.extui %sign3A_34 : i1 to i32
      %sign3A_36 = arith.constant 0 : i32
      %sign3A_37 = arith.cmpi slt, %jit3A, %sign3A_36 : i32
      %sign3A_38 = arith.extui %sign3A_37 : i1 to i32
      %sign3A_39 = arith.subi %sign3A_35, %sign3A_38 : i32
      %ne3A = arith.cmpi ne, %sign3A_32, %sign3A_39 : i32
      %rem3A = arith.remsi %add3A_26, %jit3A : i32
      %ne3A_40 = arith.constant 0 : i32
      %ne3A_41 = arith.cmpi ne, %rem3A, %ne3A_40 : i32
      %and3A = arith.andi %ne3A, %ne3A_41 : i1
      %sub3A = arith.constant 1 : i32
      %sub3A_42 = arith.subi %div3A, %sub3A : i32
      %select_n3A = arith.select %and3A, %sub3A_42, %div3A : i32
      %jit3A_43 = arith.constant 2 : i32
      %eq3A = arith.constant 0 : i32
      %eq3A_44 = arith.cmpi eq, %jit3A_43, %eq3A : i32
      %jit3A_45 = arith.constant 1 : i32
      %select_n3A_46 = arith.select %eq3A_44, %jit3A_45, %jit3A_43 : i32
      %rem3A_47 = arith.remsi %add3A_26, %select_n3A_46 : i32
      %ne3A_48 = arith.constant 0 : i32
      %ne3A_49 = arith.cmpi ne, %rem3A_47, %ne3A_48 : i32
      %lt3A = arith.constant 0 : i32
      %lt3A_50 = arith.cmpi slt, %rem3A_47, %lt3A : i32
      %lt3A_51 = arith.constant 0 : i32
      %lt3A_52 = arith.cmpi slt, %select_n3A_46, %lt3A_51 : i32
      %ne3A_53 = arith.xori %lt3A_50, %lt3A_52 : i1
      %and3A_54 = arith.andi %ne3A_53, %ne3A_49 : i1
      %add3A_55 = arith.addi %rem3A_47, %select_n3A_46 : i32
      %select_n3A_56 = arith.select %and3A_54, %add3A_55, %rem3A_47 : i32
      %mul3A_57 = arith.constant 2 : i32
      %mul3A_58 = arith.muli %mul3A_57, %arg0 : i32
      %add3A_59 = arith.addi %select_n3A_56, %mul3A_58 : i32
      %mul3A_60 = arith.constant 32 : i32
      %mul3A_61 = arith.muli %add3A_59, %mul3A_60 : i32
      %multiple_of3A = tpu.assume_multiple %mul3A_61, 32 : i32
      %dma_start3A = arith.constant 0 : i32
      %dma_start3A_62 = arith.constant 0 : i32
      %dma_start3A_63 = tpu.memref_slice %arg3[%select_n3A, %add3A_59, %arg1, %dma_start3A, %dma_start3A_62] : memref<3x4x16x112x112xi32, #tpu.memory_space<hbm>> -> memref<1x1x1x28x112xi32, #tpu.memory_space<hbm>>
      %dma_start3A_64 = tpu.memref_squeeze %dma_start3A_63 : memref<1x1x1x28x112xi32, #tpu.memory_space<hbm>> -> memref<28x112xi32, #tpu.memory_space<hbm>>
      %dma_start3A_65 = arith.constant 0 : i32
      %dma_start3A_66 = arith.constant 0 : i32
      %dma_start3A_67 = tpu.memref_slice %arg3[%select_n3A, %add3A_59, %arg1, %dma_start3A_65, %dma_start3A_66] : memref<3x4x16x112x112xi32, #tpu.memory_space<hbm>> -> memref<1x1x1x28x112xi32, #tpu.memory_space<hbm>>
      %dma_start3A_68 = tpu.memref_squeeze %dma_start3A_67 : memref<1x1x1x28x112xi32, #tpu.memory_space<hbm>> -> memref<28x112xi32, #tpu.memory_space<hbm>>
      tpu.enqueue_dma source(%dma_start3A_68 : memref<28x112xi32, #tpu.memory_space<hbm>>) target(%arg8 : memref<28x112xi32, #tpu.memory_space<vmem>>) target_semaphore(%arg26 : memref<!tpu.dma_semaphore, #tpu.memory_space<semaphore_mem>>)
      %dma_start3A_69 = arith.constant 0 : i32
      %dma_start3A_70 = arith.constant 0 : i32
      %dma_start3A_71 = tpu.memref_slice %arg4[%select_n3A, %arg1, %dma_start3A_69, %dma_start3A_70] : memref<3x16x112x112xi32, #tpu.memory_space<hbm>> -> memref<1x1x28x112xi32, #tpu.memory_space<hbm>>
      %dma_start3A_72 = tpu.memref_squeeze %dma_start3A_71 : memref<1x1x28x112xi32, #tpu.memory_space<hbm>> -> memref<28x112xi32, #tpu.memory_space<hbm>>
      %dma_start3A_73 = arith.constant 0 : i32
      %dma_start3A_74 = arith.constant 0 : i32
      %dma_start3A_75 = tpu.memref_slice %arg4[%select_n3A, %arg1, %dma_start3A_73, %dma_start3A_74] : memref<3x16x112x112xi32, #tpu.memory_space<hbm>> -> memref<1x1x28x112xi32, #tpu.memory_space<hbm>>
      %dma_start3A_76 = tpu.memref_squeeze %dma_start3A_75 : memref<1x1x28x112xi32, #tpu.memory_space<hbm>> -> memref<28x112xi32, #tpu.memory_space<hbm>>
      tpu.enqueue_dma source(%dma_start3A_76 : memref<28x112xi32, #tpu.memory_space<hbm>>) target(%arg9 : memref<28x112xi32, #tpu.memory_space<vmem>>) target_semaphore(%arg26 : memref<!tpu.dma_semaphore, #tpu.memory_space<semaphore_mem>>)
      %scan3A_77 = arith.constant 0 : i32
      %scan3A_78 = arith.constant 2 : i32
      %scan3A_79 = arith.addi %scan3A_77, %scan3A_78 : i32
      %scan3A_80 = arith.constant 1 : i32
      scf.for %scan3A_126 = %scan3A_77 to %scan3A_79 step %scan3A_80  : i32 {
        %mul3A_127 = arith.constant 1 : i32
        %mul3A_128 = arith.muli %scan3A_126, %mul3A_127 : i32
        %add3A_129 = arith.constant 0 : i32
        %add3A_130 = arith.addi %add3A_129, %mul3A_128 : i32
        %mul3A_131 = arith.constant 2 : i32
        %mul3A_132 = arith.muli %mul3A_131, %add3A_130 : i32
        %mul3A_133 = arith.constant 28 : i32
        %mul3A_134 = arith.muli %mul3A_132, %mul3A_133 : i32
        %mul3A_135 = arith.constant 28 : i32
        %mul3A_136 = arith.muli %mul3A_132, %mul3A_135 : i32
        %dma_wait3A_137 = arith.constant 0 : i32
        %dma_wait3A_138 = tpu.memref_slice %arg3[%select_n3A, %add3A_59, %arg1, %mul3A_134, %dma_wait3A_137] : memref<3x4x16x112x112xi32, #tpu.memory_space<hbm>> -> memref<1x1x1x28x112xi32, #tpu.memory_space<hbm>>
        %dma_wait3A_139 = tpu.memref_squeeze %dma_wait3A_138 : memref<1x1x1x28x112xi32, #tpu.memory_space<hbm>> -> memref<28x112xi32, #tpu.memory_space<hbm>>
        %dma_wait3A_140 = arith.constant 0 : i32
        %dma_wait3A_141 = tpu.memref_slice %arg3[%select_n3A, %add3A_59, %arg1, %mul3A_134, %dma_wait3A_140] : memref<3x4x16x112x112xi32, #tpu.memory_space<hbm>> -> memref<1x1x1x28x112xi32, #tpu.memory_space<hbm>>
        %dma_wait3A_142 = tpu.memref_squeeze %dma_wait3A_141 : memref<1x1x1x28x112xi32, #tpu.memory_space<hbm>> -> memref<28x112xi32, #tpu.memory_space<hbm>>
        tpu.wait_dma2 semaphore(%arg26 : memref<!tpu.dma_semaphore, #tpu.memory_space<semaphore_mem>>) src(%dma_wait3A_142 : memref<28x112xi32, #tpu.memory_space<hbm>>) dst(%arg8 : memref<28x112xi32, #tpu.memory_space<vmem>>)
        %dma_wait3A_143 = arith.constant 0 : i32
        %dma_wait3A_144 = tpu.memref_slice %arg4[%select_n3A, %arg1, %mul3A_136, %dma_wait3A_143] : memref<3x16x112x112xi32, #tpu.memory_space<hbm>> -> memref<1x1x28x112xi32, #tpu.memory_space<hbm>>
        %dma_wait3A_145 = tpu.memref_squeeze %dma_wait3A_144 : memref<1x1x28x112xi32, #tpu.memory_space<hbm>> -> memref<28x112xi32, #tpu.memory_space<hbm>>
        %dma_wait3A_146 = arith.constant 0 : i32
        %dma_wait3A_147 = tpu.memref_slice %arg4[%select_n3A, %arg1, %mul3A_136, %dma_wait3A_146] : memref<3x16x112x112xi32, #tpu.memory_space<hbm>> -> memref<1x1x28x112xi32, #tpu.memory_space<hbm>>
        %dma_wait3A_148 = tpu.memref_squeeze %dma_wait3A_147 : memref<1x1x28x112xi32, #tpu.memory_space<hbm>> -> memref<28x112xi32, #tpu.memory_space<hbm>>
        tpu.wait_dma2 semaphore(%arg26 : memref<!tpu.dma_semaphore, #tpu.memory_space<semaphore_mem>>) src(%dma_wait3A_148 : memref<28x112xi32, #tpu.memory_space<hbm>>) dst(%arg9 : memref<28x112xi32, #tpu.memory_space<vmem>>)
        %mul3A_149 = arith.constant 2 : i32
        %mul3A_150 = arith.muli %mul3A_149, %add3A_130 : i32
        %add3A_151 = arith.constant 1 : i32
        %add3A_152 = arith.addi %mul3A_150, %add3A_151 : i32
        %mul3A_153 = arith.constant 28 : i32
        %mul3A_154 = arith.muli %add3A_152, %mul3A_153 : i32
        %mul3A_155 = arith.constant 28 : i32
        %mul3A_156 = arith.muli %add3A_152, %mul3A_155 : i32
        %dma_start3A_157 = arith.constant 0 : i32
        %dma_start3A_158 = tpu.memref_slice %arg3[%select_n3A, %add3A_59, %arg1, %mul3A_154, %dma_start3A_157] : memref<3x4x16x112x112xi32, #tpu.memory_space<hbm>> -> memref<1x1x1x28x112xi32, #tpu.memory_space<hbm>>
        %dma_start3A_159 = tpu.memref_squeeze %dma_start3A_158 : memref<1x1x1x28x112xi32, #tpu.memory_space<hbm>> -> memref<28x112xi32, #tpu.memory_space<hbm>>
        %dma_start3A_160 = arith.constant 0 : i32
        %dma_start3A_161 = tpu.memref_slice %arg3[%select_n3A, %add3A_59, %arg1, %mul3A_154, %dma_start3A_160] : memref<3x4x16x112x112xi32, #tpu.memory_space<hbm>> -> memref<1x1x1x28x112xi32, #tpu.memory_space<hbm>>
        %dma_start3A_162 = tpu.memref_squeeze %dma_start3A_161 : memref<1x1x1x28x112xi32, #tpu.memory_space<hbm>> -> memref<28x112xi32, #tpu.memory_space<hbm>>
        tpu.enqueue_dma source(%dma_start3A_162 : memref<28x112xi32, #tpu.memory_space<hbm>>) target(%arg10 : memref<28x112xi32, #tpu.memory_space<vmem>>) target_semaphore(%arg27 : memref<!tpu.dma_semaphore, #tpu.memory_space<semaphore_mem>>)
        %dma_start3A_163 = arith.constant 0 : i32
        %dma_start3A_164 = tpu.memref_slice %arg4[%select_n3A, %arg1, %mul3A_156, %dma_start3A_163] : memref<3x16x112x112xi32, #tpu.memory_space<hbm>> -> memref<1x1x28x112xi32, #tpu.memory_space<hbm>>
        %dma_start3A_165 = tpu.memref_squeeze %dma_start3A_164 : memref<1x1x28x112xi32, #tpu.memory_space<hbm>> -> memref<28x112xi32, #tpu.memory_space<hbm>>
        %dma_start3A_166 = arith.constant 0 : i32
        %dma_start3A_167 = tpu.memref_slice %arg4[%select_n3A, %arg1, %mul3A_156, %dma_start3A_166] : memref<3x16x112x112xi32, #tpu.memory_space<hbm>> -> memref<1x1x28x112xi32, #tpu.memory_space<hbm>>
        %dma_start3A_168 = tpu.memref_squeeze %dma_start3A_167 : memref<1x1x28x112xi32, #tpu.memory_space<hbm>> -> memref<28x112xi32, #tpu.memory_space<hbm>>
        tpu.enqueue_dma source(%dma_start3A_168 : memref<28x112xi32, #tpu.memory_space<hbm>>) target(%arg11 : memref<28x112xi32, #tpu.memory_space<vmem>>) target_semaphore(%arg27 : memref<!tpu.dma_semaphore, #tpu.memory_space<semaphore_mem>>)
        %dma_start3A_169 = arith.constant 0 : i32
        %dma_start3A_170 = arith.constant 0 : i32
        %dma_start3A_171 = tpu.memref_slice %arg8[%dma_start3A_169, %dma_start3A_170] : memref<28x112xi32, #tpu.memory_space<vmem>> -> memref<1x112xi32, #tpu.memory_space<vmem>>
        %dma_start3A_172 = tpu.memref_squeeze %dma_start3A_171 : memref<1x112xi32, #tpu.memory_space<vmem>> -> memref<112xi32, #tpu.memory_space<vmem>>
        %dma_start3A_173 = arith.constant 0 : i32
        %dma_start3A_174 = arith.constant 0 : i32
        %dma_start3A_175 = tpu.memref_slice %arg2[%dma_start3A_173, %dma_start3A_174] : memref<200000x32xf32, #tpu.memory_space<hbm>> -> memref<200000x32xf32, #tpu.memory_space<hbm>>
        tpu.enqueue_indirect_dma source(%dma_start3A_175 : memref<200000x32xf32, #tpu.memory_space<hbm>>) target(%arg12 : memref<112x32xf32, #tpu.memory_space<vmem>>) offsets(%dma_start3A_172 : memref<112xi32, #tpu.memory_space<vmem>>) semaphore(%arg17 : memref<!tpu.dma_semaphore, #tpu.memory_space<semaphore_mem>>)
        %dma_start3A_176 = arith.constant 1 : i32
        %dma_start3A_177 = arith.constant 0 : i32
        %dma_start3A_178 = tpu.memref_slice %arg8[%dma_start3A_176, %dma_start3A_177] : memref<28x112xi32, #tpu.memory_space<vmem>> -> memref<1x112xi32, #tpu.memory_space<vmem>>
        %dma_start3A_179 = tpu.memref_squeeze %dma_start3A_178 : memref<1x112xi32, #tpu.memory_space<vmem>> -> memref<112xi32, #tpu.memory_space<vmem>>
        %dma_start3A_180 = arith.constant 0 : i32
        %dma_start3A_181 = arith.constant 0 : i32
        %dma_start3A_182 = tpu.memref_slice %arg2[%dma_start3A_180, %dma_start3A_181] : memref<200000x32xf32, #tpu.memory_space<hbm>> -> memref<200000x32xf32, #tpu.memory_space<hbm>>
        tpu.enqueue_indirect_dma source(%dma_start3A_182 : memref<200000x32xf32, #tpu.memory_space<hbm>>) target(%arg13 : memref<112x32xf32, #tpu.memory_space<vmem>>) offsets(%dma_start3A_179 : memref<112xi32, #tpu.memory_space<vmem>>) semaphore(%arg18 : memref<!tpu.dma_semaphore, #tpu.memory_space<semaphore_mem>>)
        %dma_start3A_183 = arith.constant 2 : i32
        %dma_start3A_184 = arith.constant 0 : i32
        %dma_start3A_185 = tpu.memref_slice %arg8[%dma_start3A_183, %dma_start3A_184] : memref<28x112xi32, #tpu.memory_space<vmem>> -> memref<1x112xi32, #tpu.memory_space<vmem>>
        %dma_start3A_186 = tpu.memref_squeeze %dma_start3A_185 : memref<1x112xi32, #tpu.memory_space<vmem>> -> memref<112xi32, #tpu.memory_space<vmem>>
        %dma_start3A_187 = arith.constant 0 : i32
        %dma_start3A_188 = arith.constant 0 : i32
        %dma_start3A_189 = tpu.memref_slice %arg2[%dma_start3A_187, %dma_start3A_188] : memref<200000x32xf32, #tpu.memory_space<hbm>> -> memref<200000x32xf32, #tpu.memory_space<hbm>>
        tpu.enqueue_indirect_dma source(%dma_start3A_189 : memref<200000x32xf32, #tpu.memory_space<hbm>>) target(%arg14 : memref<112x32xf32, #tpu.memory_space<vmem>>) offsets(%dma_start3A_186 : memref<112xi32, #tpu.memory_space<vmem>>) semaphore(%arg19 : memref<!tpu.dma_semaphore, #tpu.memory_space<semaphore_mem>>)
        %dma_wait3A_190 = arith.constant 0 : i32
        %dma_wait3A_191 = arith.constant 0 : i32
        %dma_wait3A_192 = tpu.memref_slice %arg8[%dma_wait3A_190, %dma_wait3A_191] : memref<28x112xi32, #tpu.memory_space<vmem>> -> memref<1x112xi32, #tpu.memory_space<vmem>>
        %dma_wait3A_193 = tpu.memref_squeeze %dma_wait3A_192 : memref<1x112xi32, #tpu.memory_space<vmem>> -> memref<112xi32, #tpu.memory_space<vmem>>
        %dma_wait3A_194 = arith.constant 0 : i32
        %dma_wait3A_195 = arith.constant 0 : i32
        %dma_wait3A_196 = tpu.memref_slice %arg2[%dma_wait3A_194, %dma_wait3A_195] : memref<200000x32xf32, #tpu.memory_space<hbm>> -> memref<200000x32xf32, #tpu.memory_space<hbm>>
        tpu.wait_indirect_dma semaphore(%arg17 : memref<!tpu.dma_semaphore, #tpu.memory_space<semaphore_mem>>) src(%dma_wait3A_196 : memref<200000x32xf32, #tpu.memory_space<hbm>>) dst(%arg12 : memref<112x32xf32, #tpu.memory_space<vmem>>)
        %dma_start3A_197 = arith.constant 0 : i32
        %dma_start3A_198 = arith.constant 0 : i32
        %dma_start3A_199 = tpu.memref_slice %arg9[%dma_start3A_197, %dma_start3A_198] : memref<28x112xi32, #tpu.memory_space<vmem>> -> memref<1x112xi32, #tpu.memory_space<vmem>>
        %dma_start3A_200 = tpu.memref_squeeze %dma_start3A_199 : memref<1x112xi32, #tpu.memory_space<vmem>> -> memref<112xi32, #tpu.memory_space<vmem>>
        %dma_start3A_201 = arith.constant 0 : i32
        %dma_start3A_202 = arith.constant 0 : i32
        %dma_start3A_203 = tpu.memref_slice %arg7[%dma_start3A_201, %dma_start3A_202] : memref<50176x32xf32, #tpu.memory_space<vmem_shared>> -> memref<50176x32xf32, #tpu.memory_space<vmem_shared>>
        tpu.enqueue_indirect_dma source(%arg12 : memref<112x32xf32, #tpu.memory_space<vmem>>) target(%dma_start3A_203 : memref<50176x32xf32, #tpu.memory_space<vmem_shared>>) offsets(%dma_start3A_200 : memref<112xi32, #tpu.memory_space<vmem>>) semaphore(%arg21 : memref<!tpu.dma_semaphore, #tpu.memory_space<semaphore_mem>>) {add = true}
        %dma_start3A_204 = arith.constant 3 : i32
        %dma_start3A_205 = arith.constant 0 : i32
        %dma_start3A_206 = tpu.memref_slice %arg8[%dma_start3A_204, %dma_start3A_205] : memref<28x112xi32, #tpu.memory_space<vmem>> -> memref<1x112xi32, #tpu.memory_space<vmem>>
        %dma_start3A_207 = tpu.memref_squeeze %dma_start3A_206 : memref<1x112xi32, #tpu.memory_space<vmem>> -> memref<112xi32, #tpu.memory_space<vmem>>
        %dma_start3A_208 = arith.constant 0 : i32
        %dma_start3A_209 = arith.constant 0 : i32
        %dma_start3A_210 = tpu.memref_slice %arg2[%dma_start3A_208, %dma_start3A_209] : memref<200000x32xf32, #tpu.memory_space<hbm>> -> memref<200000x32xf32, #tpu.memory_space<hbm>>
        tpu.enqueue_indirect_dma source(%dma_start3A_210 : memref<200000x32xf32, #tpu.memory_space<hbm>>) target(%arg15 : memref<112x32xf32, #tpu.memory_space<vmem>>) offsets(%dma_start3A_207 : memref<112xi32, #tpu.memory_space<vmem>>) semaphore(%arg20 : memref<!tpu.dma_semaphore, #tpu.memory_space<semaphore_mem>>)
        %dma_wait3A_211 = arith.constant 1 : i32
        %dma_wait3A_212 = arith.constant 0 : i32
        %dma_wait3A_213 = tpu.memref_slice %arg8[%dma_wait3A_211, %dma_wait3A_212] : memref<28x112xi32, #tpu.memory_space<vmem>> -> memref<1x112xi32, #tpu.memory_space<vmem>>
        %dma_wait3A_214 = tpu.memref_squeeze %dma_wait3A_213 : memref<1x112xi32, #tpu.memory_space<vmem>> -> memref<112xi32, #tpu.memory_space<vmem>>
        %dma_wait3A_215 = arith.constant 0 : i32
        %dma_wait3A_216 = arith.constant 0 : i32
        %dma_wait3A_217 = tpu.memref_slice %arg2[%dma_wait3A_215, %dma_wait3A_216] : memref<200000x32xf32, #tpu.memory_space<hbm>> -> memref<200000x32xf32, #tpu.memory_space<hbm>>
        tpu.wait_indirect_dma semaphore(%arg18 : memref<!tpu.dma_semaphore, #tpu.memory_space<semaphore_mem>>) src(%dma_wait3A_217 : memref<200000x32xf32, #tpu.memory_space<hbm>>) dst(%arg13 : memref<112x32xf32, #tpu.memory_space<vmem>>)
        %dma_start3A_218 = arith.constant 1 : i32
        %dma_start3A_219 = arith.constant 0 : i32
        %dma_start3A_220 = tpu.memref_slice %arg9[%dma_start3A_218, %dma_start3A_219] : memref<28x112xi32, #tpu.memory_space<vmem>> -> memref<1x112xi32, #tpu.memory_space<vmem>>
        %dma_start3A_221 = tpu.memref_squeeze %dma_start3A_220 : memref<1x112xi32, #tpu.memory_space<vmem>> -> memref<112xi32, #tpu.memory_space<vmem>>
        %dma_start3A_222 = arith.constant 0 : i32
        %dma_start3A_223 = arith.constant 0 : i32
        %dma_start3A_224 = tpu.memref_slice %arg7[%dma_start3A_222, %dma_start3A_223] : memref<50176x32xf32, #tpu.memory_space<vmem_shared>> -> memref<50176x32xf32, #tpu.memory_space<vmem_shared>>
        tpu.enqueue_indirect_dma source(%arg13 : memref<112x32xf32, #tpu.memory_space<vmem>>) target(%dma_start3A_224 : memref<50176x32xf32, #tpu.memory_space<vmem_shared>>) offsets(%dma_start3A_221 : memref<112xi32, #tpu.memory_space<vmem>>) semaphore(%arg22 : memref<!tpu.dma_semaphore, #tpu.memory_space<semaphore_mem>>) {add = true}
        %dma_wait3A_225 = arith.constant 0 : i32
        %dma_wait3A_226 = arith.constant 0 : i32
        %dma_wait3A_227 = tpu.memref_slice %arg9[%dma_wait3A_225, %dma_wait3A_226] : memref<28x112xi32, #tpu.memory_space<vmem>> -> memref<1x112xi32, #tpu.memory_space<vmem>>
        %dma_wait3A_228 = tpu.memref_squeeze %dma_wait3A_227 : memref<1x112xi32, #tpu.memory_space<vmem>> -> memref<112xi32, #tpu.memory_space<vmem>>
        %dma_wait3A_229 = arith.constant 0 : i32
        %dma_wait3A_230 = arith.constant 0 : i32
        %dma_wait3A_231 = tpu.memref_slice %arg7[%dma_wait3A_229, %dma_wait3A_230] : memref<50176x32xf32, #tpu.memory_space<vmem_shared>> -> memref<50176x32xf32, #tpu.memory_space<vmem_shared>>
        tpu.wait_indirect_dma semaphore(%arg21 : memref<!tpu.dma_semaphore, #tpu.memory_space<semaphore_mem>>) src(%arg12 : memref<112x32xf32, #tpu.memory_space<vmem>>) dst(%dma_wait3A_231 : memref<50176x32xf32, #tpu.memory_space<vmem_shared>>)
        %dma_start3A_232 = arith.constant 4 : i32
        %dma_start3A_233 = arith.constant 0 : i32
        %dma_start3A_234 = tpu.memref_slice %arg8[%dma_start3A_232, %dma_start3A_233] : memref<28x112xi32, #tpu.memory_space<vmem>> -> memref<1x112xi32, #tpu.memory_space<vmem>>
        %dma_start3A_235 = tpu.memref_squeeze %dma_start3A_234 : memref<1x112xi32, #tpu.memory_space<vmem>> -> memref<112xi32, #tpu.memory_space<vmem>>
        %dma_start3A_236 = arith.constant 0 : i32
        %dma_start3A_237 = arith.constant 0 : i32
        %dma_start3A_238 = tpu.memref_slice %arg2[%dma_start3A_236, %dma_start3A_237] : memref<200000x32xf32, #tpu.memory_space<hbm>> -> memref<200000x32xf32, #tpu.memory_space<hbm>>
        tpu.enqueue_indirect_dma source(%dma_start3A_238 : memref<200000x32xf32, #tpu.memory_space<hbm>>) target(%arg12 : memref<112x32xf32, #tpu.memory_space<vmem>>) offsets(%dma_start3A_235 : memref<112xi32, #tpu.memory_space<vmem>>) semaphore(%arg17 : memref<!tpu.dma_semaphore, #tpu.memory_space<semaphore_mem>>)
        %dma_wait3A_239 = arith.constant 2 : i32
        %dma_wait3A_240 = arith.constant 0 : i32
        %dma_wait3A_241 = tpu.memref_slice %arg8[%dma_wait3A_239, %dma_wait3A_240] : memref<28x112xi32, #tpu.memory_space<vmem>> -> memref<1x112xi32, #tpu.memory_space<vmem>>
        %dma_wait3A_242 = tpu.memref_squeeze %dma_wait3A_241 : memref<1x112xi32, #tpu.memory_space<vmem>> -> memref<112xi32, #tpu.memory_space<vmem>>
        %dma_wait3A_243 = arith.constant 0 : i32
        %dma_wait3A_244 = arith.constant 0 : i32
        %dma_wait3A_245 = tpu.memref_slice %arg2[%dma_wait3A_243, %dma_wait3A_244] : memref<200000x32xf32, #tpu.memory_space<hbm>> -> memref<200000x32xf32, #tpu.memory_space<hbm>>
        tpu.wait_indirect_dma semaphore(%arg19 : memref<!tpu.dma_semaphore, #tpu.memory_space<semaphore_mem>>) src(%dma_wait3A_245 : memref<200000x32xf32, #tpu.memory_space<hbm>>) dst(%arg14 : memref<112x32xf32, #tpu.memory_space<vmem>>)
        %dma_start3A_246 = arith.constant 2 : i32
        %dma_start3A_247 = arith.constant 0 : i32
        %dma_start3A_248 = tpu.memref_slice %arg9[%dma_start3A_246, %dma_start3A_247] : memref<28x112xi32, #tpu.memory_space<vmem>> -> memref<1x112xi32, #tpu.memory_space<vmem>>
        %dma_start3A_249 = tpu.memref_squeeze %dma_start3A_248 : memref<1x112xi32, #tpu.memory_space<vmem>> -> memref<112xi32, #tpu.memory_space<vmem>>
        %dma_start3A_250 = arith.constant 0 : i32
        %dma_start3A_251 = arith.constant 0 : i32
        %dma_start3A_252 = tpu.memref_slice %arg7[%dma_start3A_250, %dma_start3A_251] : memref<50176x32xf32, #tpu.memory_space<vmem_shared>> -> memref<50176x32xf32, #tpu.memory_space<vmem_shared>>
        tpu.enqueue_indirect_dma source(%arg14 : memref<112x32xf32, #tpu.memory_space<vmem>>) target(%dma_start3A_252 : memref<50176x32xf32, #tpu.memory_space<vmem_shared>>) offsets(%dma_start3A_249 : memref<112xi32, #tpu.memory_space<vmem>>) semaphore(%arg23 : memref<!tpu.dma_semaphore, #tpu.memory_space<semaphore_mem>>) {add = true}
        %dma_wait3A_253 = arith.constant 1 : i32
        %dma_wait3A_254 = arith.constant 0 : i32
        %dma_wait3A_255 = tpu.memref_slice %arg9[%dma_wait3A_253, %dma_wait3A_254] : memref<28x112xi32, #tpu.memory_space<vmem>> -> memref<1x112xi32, #tpu.memory_space<vmem>>
        %dma_wait3A_256 = tpu.memref_squeeze %dma_wait3A_255 : memref<1x112xi32, #tpu.memory_space<vmem>> -> memref<112xi32, #tpu.memory_space<vmem>>
        %dma_wait3A_257 = arith.constant 0 : i32
        %dma_wait3A_258 = arith.constant 0 : i32
        %dma_wait3A_259 = tpu.memref_slice %arg7[%dma_wait3A_257, %dma_wait3A_258] : memref<50176x32xf32, #tpu.memory_space<vmem_shared>> -> memref<50176x32xf32, #tpu.memory_space<vmem_shared>>
        tpu.wait_indirect_dma semaphore(%arg22 : memref<!tpu.dma_semaphore, #tpu.memory_space<semaphore_mem>>) src(%arg13 : memref<112x32xf32, #tpu.memory_space<vmem>>) dst(%dma_wait3A_259 : memref<50176x32xf32, #tpu.memory_space<vmem_shared>>)
        %dma_start3A_260 = arith.constant 5 : i32
        %dma_start3A_261 = arith.constant 0 : i32
        %dma_start3A_262 = tpu.memref_slice %arg8[%dma_start3A_260, %dma_start3A_261] : memref<28x112xi32, #tpu.memory_space<vmem>> -> memref<1x112xi32, #tpu.memory_space<vmem>>
        %dma_start3A_263 = tpu.memref_squeeze %dma_start3A_262 : memref<1x112xi32, #tpu.memory_space<vmem>> -> memref<112xi32, #tpu.memory_space<vmem>>
        %dma_start3A_264 = arith.constant 0 : i32
        %dma_start3A_265 = arith.constant 0 : i32
        %dma_start3A_266 = tpu.memref_slice %arg2[%dma_start3A_264, %dma_start3A_265] : memref<200000x32xf32, #tpu.memory_space<hbm>> -> memref<200000x32xf32, #tpu.memory_space<hbm>>
        tpu.enqueue_indirect_dma source(%dma_start3A_266 : memref<200000x32xf32, #tpu.memory_space<hbm>>) target(%arg13 : memref<112x32xf32, #tpu.memory_space<vmem>>) offsets(%dma_start3A_263 : memref<112xi32, #tpu.memory_space<vmem>>) semaphore(%arg18 : memref<!tpu.dma_semaphore, #tpu.memory_space<semaphore_mem>>)
        %dma_wait3A_267 = arith.constant 3 : i32
        %dma_wait3A_268 = arith.constant 0 : i32
        %dma_wait3A_269 = tpu.memref_slice %arg8[%dma_wait3A_267, %dma_wait3A_268] : memref<28x112xi32, #tpu.memory_space<vmem>> -> memref<1x112xi32, #tpu.memory_space<vmem>>
        %dma_wait3A_270 = tpu.memref_squeeze %dma_wait3A_269 : memref<1x112xi32, #tpu.memory_space<vmem>> -> memref<112xi32, #tpu.memory_space<vmem>>
        %dma_wait3A_271 = arith.constant 0 : i32
        %dma_wait3A_272 = arith.constant 0 : i32
        %dma_wait3A_273 = tpu.memref_slice %arg2[%dma_wait3A_271, %dma_wait3A_272] : memref<200000x32xf32, #tpu.memory_space<hbm>> -> memref<200000x32xf32, #tpu.memory_space<hbm>>
        tpu.wait_indirect_dma semaphore(%arg20 : memref<!tpu.dma_semaphore, #tpu.memory_space<semaphore_mem>>) src(%dma_wait3A_273 : memref<200000x32xf32, #tpu.memory_space<hbm>>) dst(%arg15 : memref<112x32xf32, #tpu.memory_space<vmem>>)
        %dma_start3A_274 = arith.constant 3 : i32
        %dma_start3A_275 = arith.constant 0 : i32
        %dma_start3A_276 = tpu.memref_slice %arg9[%dma_start3A_274, %dma_start3A_275] : memref<28x112xi32, #tpu.memory_space<vmem>> -> memref<1x112xi32, #tpu.memory_space<vmem>>
        %dma_start3A_277 = tpu.memref_squeeze %dma_start3A_276 : memref<1x112xi32, #tpu.memory_space<vmem>> -> memref<112xi32, #tpu.memory_space<vmem>>
        %dma_start3A_278 = arith.constant 0 : i32
        %dma_start3A_279 = arith.constant 0 : i32
        %dma_start3A_280 = tpu.memref_slice %arg7[%dma_start3A_278, %dma_start3A_279] : memref<50176x32xf32, #tpu.memory_space<vmem_shared>> -> memref<50176x32xf32, #tpu.memory_space<vmem_shared>>
        tpu.enqueue_indirect_dma source(%arg15 : memref<112x32xf32, #tpu.memory_space<vmem>>) target(%dma_start3A_280 : memref<50176x32xf32, #tpu.memory_space<vmem_shared>>) offsets(%dma_start3A_277 : memref<112xi32, #tpu.memory_space<vmem>>) semaphore(%arg24 : memref<!tpu.dma_semaphore, #tpu.memory_space<semaphore_mem>>) {add = true}
        %dma_wait3A_281 = arith.constant 2 : i32
        %dma_wait3A_282 = arith.constant 0 : i32
        %dma_wait3A_283 = tpu.memref_slice %arg9[%dma_wait3A_281, %dma_wait3A_282] : memref<28x112xi32, #tpu.memory_space<vmem>> -> memref<1x112xi32, #tpu.memory_space<vmem>>
        %dma_wait3A_284 = tpu.memref_squeeze %dma_wait3A_283 : memref<1x112xi32, #tpu.memory_space<vmem>> -> memref<112xi32, #tpu.memory_space<vmem>>
        %dma_wait3A_285 = arith.constant 0 : i32
        %dma_wait3A_286 = arith.constant 0 : i32
        %dma_wait3A_287 = tpu.memref_slice %arg7[%dma_wait3A_285, %dma_wait3A_286] : memref<50176x32xf32, #tpu.memory_space<vmem_shared>> -> memref<50176x32xf32, #tpu.memory_space<vmem_shared>>
        tpu.wait_indirect_dma semaphore(%arg23 : memref<!tpu.dma_semaphore, #tpu.memory_space<semaphore_mem>>) src(%arg14 : memref<112x32xf32, #tpu.memory_space<vmem>>) dst(%dma_wait3A_287 : memref<50176x32xf32, #tpu.memory_space<vmem_shared>>)
        %dma_start3A_288 = arith.constant 6 : i32
        %dma_start3A_289 = arith.constant 0 : i32
        %dma_start3A_290 = tpu.memref_slice %arg8[%dma_start3A_288, %dma_start3A_289] : memref<28x112xi32, #tpu.memory_space<vmem>> -> memref<1x112xi32, #tpu.memory_space<vmem>>
        %dma_start3A_291 = tpu.memref_squeeze %dma_start3A_290 : memref<1x112xi32, #tpu.memory_space<vmem>> -> memref<112xi32, #tpu.memory_space<vmem>>
        %dma_start3A_292 = arith.constant 0 : i32
        %dma_start3A_293 = arith.constant 0 : i32
        %dma_start3A_294 = tpu.memref_slice %arg2[%dma_start3A_292, %dma_start3A_293] : memref<200000x32xf32, #tpu.memory_space<hbm>> -> memref<200000x32xf32, #tpu.memory_space<hbm>>
        tpu.enqueue_indirect_dma source(%dma_start3A_294 : memref<200000x32xf32, #tpu.memory_space<hbm>>) target(%arg14 : memref<112x32xf32, #tpu.memory_space<vmem>>) offsets(%dma_start3A_291 : memref<112xi32, #tpu.memory_space<vmem>>) semaphore(%arg19 : memref<!tpu.dma_semaphore, #tpu.memory_space<semaphore_mem>>)
        %scan3A_295 = arith.constant 0 : i32
        %scan3A_296 = arith.constant 5 : i32
        %scan3A_297 = arith.addi %scan3A_295, %scan3A_296 : i32
        %scan3A_298 = arith.constant 1 : i32
        scf.for %scan3A_650 = %scan3A_295 to %scan3A_297 step %scan3A_298  : i32 {
          %mul3A_651 = arith.constant 1 : i32
          %mul3A_652 = arith.muli %scan3A_650, %mul3A_651 : i32
          %add3A_653 = arith.constant 1 : i32
          %add3A_654 = arith.addi %add3A_653, %mul3A_652 : i32
          %mul3A_655 = arith.constant 4 : i32
          %mul3A_656 = arith.muli %mul3A_655, %add3A_654 : i32
          %add3A_657 = arith.constant 0 : i32
          %add3A_658 = arith.addi %mul3A_656, %add3A_657 : i32
          %dma_wait3A_659 = arith.constant 0 : i32
          %dma_wait3A_660 = tpu.memref_slice %arg8[%add3A_658, %dma_wait3A_659] : memref<28x112xi32, #tpu.memory_space<vmem>> -> memref<1x112xi32, #tpu.memory_space<vmem>>
          %dma_wait3A_661 = tpu.memref_squeeze %dma_wait3A_660 : memref<1x112xi32, #tpu.memory_space<vmem>> -> memref<112xi32, #tpu.memory_space<vmem>>
          %dma_wait3A_662 = arith.constant 0 : i32
          %dma_wait3A_663 = arith.constant 0 : i32
          %dma_wait3A_664 = tpu.memref_slice %arg2[%dma_wait3A_662, %dma_wait3A_663] : memref<200000x32xf32, #tpu.memory_space<hbm>> -> memref<200000x32xf32, #tpu.memory_space<hbm>>
          tpu.wait_indirect_dma semaphore(%arg17 : memref<!tpu.dma_semaphore, #tpu.memory_space<semaphore_mem>>) src(%dma_wait3A_664 : memref<200000x32xf32, #tpu.memory_space<hbm>>) dst(%arg12 : memref<112x32xf32, #tpu.memory_space<vmem>>)
          %dma_start3A_665 = arith.constant 0 : i32
          %dma_start3A_666 = tpu.memref_slice %arg9[%add3A_658, %dma_start3A_665] : memref<28x112xi32, #tpu.memory_space<vmem>> -> memref<1x112xi32, #tpu.memory_space<vmem>>
          %dma_start3A_667 = tpu.memref_squeeze %dma_start3A_666 : memref<1x112xi32, #tpu.memory_space<vmem>> -> memref<112xi32, #tpu.memory_space<vmem>>
          %dma_start3A_668 = arith.constant 0 : i32
          %dma_start3A_669 = arith.constant 0 : i32
          %dma_start3A_670 = tpu.memref_slice %arg7[%dma_start3A_668, %dma_start3A_669] : memref<50176x32xf32, #tpu.memory_space<vmem_shared>> -> memref<50176x32xf32, #tpu.memory_space<vmem_shared>>
          tpu.enqueue_indirect_dma source(%arg12 : memref<112x32xf32, #tpu.memory_space<vmem>>) target(%dma_start3A_670 : memref<50176x32xf32, #tpu.memory_space<vmem_shared>>) offsets(%dma_start3A_667 : memref<112xi32, #tpu.memory_space<vmem>>) semaphore(%arg21 : memref<!tpu.dma_semaphore, #tpu.memory_space<semaphore_mem>>) {add = true}
          %sub3A_671 = arith.constant 1 : i32
          %sub3A_672 = arith.subi %add3A_658, %sub3A_671 : i32
          %dma_wait3A_673 = arith.constant 0 : i32
          %dma_wait3A_674 = tpu.memref_slice %arg9[%sub3A_672, %dma_wait3A_673] : memref<28x112xi32, #tpu.memory_space<vmem>> -> memref<1x112xi32, #tpu.memory_space<vmem>>
          %dma_wait3A_675 = tpu.memref_squeeze %dma_wait3A_674 : memref<1x112xi32, #tpu.memory_space<vmem>> -> memref<112xi32, #tpu.memory_space<vmem>>
          %dma_wait3A_676 = arith.constant 0 : i32
          %dma_wait3A_677 = arith.constant 0 : i32
          %dma_wait3A_678 = tpu.memref_slice %arg7[%dma_wait3A_676, %dma_wait3A_677] : memref<50176x32xf32, #tpu.memory_space<vmem_shared>> -> memref<50176x32xf32, #tpu.memory_space<vmem_shared>>
          tpu.wait_indirect_dma semaphore(%arg24 : memref<!tpu.dma_semaphore, #tpu.memory_space<semaphore_mem>>) src(%arg15 : memref<112x32xf32, #tpu.memory_space<vmem>>) dst(%dma_wait3A_678 : memref<50176x32xf32, #tpu.memory_space<vmem_shared>>)
          %add3A_679 = arith.constant 3 : i32
          %add3A_680 = arith.addi %add3A_658, %add3A_679 : i32
          %dma_start3A_681 = arith.constant 0 : i32
          %dma_start3A_682 = tpu.memref_slice %arg8[%add3A_680, %dma_start3A_681] : memref<28x112xi32, #tpu.memory_space<vmem>> -> memref<1x112xi32, #tpu.memory_space<vmem>>
          %dma_start3A_683 = tpu.memref_squeeze %dma_start3A_682 : memref<1x112xi32, #tpu.memory_space<vmem>> -> memref<112xi32, #tpu.memory_space<vmem>>
          %dma_start3A_684 = arith.constant 0 : i32
          %dma_start3A_685 = arith.constant 0 : i32
          %dma_start3A_686 = tpu.memref_slice %arg2[%dma_start3A_684, %dma_start3A_685] : memref<200000x32xf32, #tpu.memory_space<hbm>> -> memref<200000x32xf32, #tpu.memory_space<hbm>>
          tpu.enqueue_indirect_dma source(%dma_start3A_686 : memref<200000x32xf32, #tpu.memory_space<hbm>>) target(%arg15 : memref<112x32xf32, #tpu.memory_space<vmem>>) offsets(%dma_start3A_683 : memref<112xi32, #tpu.memory_space<vmem>>) semaphore(%arg20 : memref<!tpu.dma_semaphore, #tpu.memory_space<semaphore_mem>>)
          %mul3A_687 = arith.constant 4 : i32
          %mul3A_688 = arith.muli %mul3A_687, %add3A_654 : i32
          %add3A_689 = arith.constant 1 : i32
          %add3A_690 = arith.addi %mul3A_688, %add3A_689 : i32
          %dma_wait3A_691 = arith.constant 0 : i32
          %dma_wait3A_692 = tpu.memref_slice %arg8[%add3A_690, %dma_wait3A_691] : memref<28x112xi32, #tpu.memory_space<vmem>> -> memref<1x112xi32, #tpu.memory_space<vmem>>
          %dma_wait3A_693 = tpu.memref_squeeze %dma_wait3A_692 : memref<1x112xi32, #tpu.memory_space<vmem>> -> memref<112xi32, #tpu.memory_space<vmem>>
          %dma_wait3A_694 = arith.constant 0 : i32
          %dma_wait3A_695 = arith.constant 0 : i32
          %dma_wait3A_696 = tpu.memref_slice %arg2[%dma_wait3A_694, %dma_wait3A_695] : memref<200000x32xf32, #tpu.memory_space<hbm>> -> memref<200000x32xf32, #tpu.memory_space<hbm>>
          tpu.wait_indirect_dma semaphore(%arg18 : memref<!tpu.dma_semaphore, #tpu.memory_space<semaphore_mem>>) src(%dma_wait3A_696 : memref<200000x32xf32, #tpu.memory_space<hbm>>) dst(%arg13 : memref<112x32xf32, #tpu.memory_space<vmem>>)
          %dma_start3A_697 = arith.constant 0 : i32
          %dma_start3A_698 = tpu.memref_slice %arg9[%add3A_690, %dma_start3A_697] : memref<28x112xi32, #tpu.memory_space<vmem>> -> memref<1x112xi32, #tpu.memory_space<vmem>>
          %dma_start3A_699 = tpu.memref_squeeze %dma_start3A_698 : memref<1x112xi32, #tpu.memory_space<vmem>> -> memref<112xi32, #tpu.memory_space<vmem>>
          %dma_start3A_700 = arith.constant 0 : i32
          %dma_start3A_701 = arith.constant 0 : i32
          %dma_start3A_702 = tpu.memref_slice %arg7[%dma_start3A_700, %dma_start3A_701] : memref<50176x32xf32, #tpu.memory_space<vmem_shared>> -> memref<50176x32xf32, #tpu.memory_space<vmem_shared>>
          tpu.enqueue_indirect_dma source(%arg13 : memref<112x32xf32, #tpu.memory_space<vmem>>) target(%dma_start3A_702 : memref<50176x32xf32, #tpu.memory_space<vmem_shared>>) offsets(%dma_start3A_699 : memref<112xi32, #tpu.memory_space<vmem>>) semaphore(%arg22 : memref<!tpu.dma_semaphore, #tpu.memory_space<semaphore_mem>>) {add = true}
          %sub3A_703 = arith.constant 1 : i32
          %sub3A_704 = arith.subi %add3A_690, %sub3A_703 : i32
          %dma_wait3A_705 = arith.constant 0 : i32
          %dma_wait3A_706 = tpu.memref_slice %arg9[%sub3A_704, %dma_wait3A_705] : memref<28x112xi32, #tpu.memory_space<vmem>> -> memref<1x112xi32, #tpu.memory_space<vmem>>
          %dma_wait3A_707 = tpu.memref_squeeze %dma_wait3A_706 : memref<1x112xi32, #tpu.memory_space<vmem>> -> memref<112xi32, #tpu.memory_space<vmem>>
          %dma_wait3A_708 = arith.constant 0 : i32
          %dma_wait3A_709 = arith.constant 0 : i32
          %dma_wait3A_710 = tpu.memref_slice %arg7[%dma_wait3A_708, %dma_wait3A_709] : memref<50176x32xf32, #tpu.memory_space<vmem_shared>> -> memref<50176x32xf32, #tpu.memory_space<vmem_shared>>
          tpu.wait_indirect_dma semaphore(%arg21 : memref<!tpu.dma_semaphore, #tpu.memory_space<semaphore_mem>>) src(%arg12 : memref<112x32xf32, #tpu.memory_space<vmem>>) dst(%dma_wait3A_710 : memref<50176x32xf32, #tpu.memory_space<vmem_shared>>)
          %add3A_711 = arith.constant 3 : i32
          %add3A_712 = arith.addi %add3A_690, %add3A_711 : i32
          %dma_start3A_713 = arith.constant 0 : i32
          %dma_start3A_714 = tpu.memref_slice %arg8[%add3A_712, %dma_start3A_713] : memref<28x112xi32, #tpu.memory_space<vmem>> -> memref<1x112xi32, #tpu.memory_space<vmem>>
          %dma_start3A_715 = tpu.memref_squeeze %dma_start3A_714 : memref<1x112xi32, #tpu.memory_space<vmem>> -> memref<112xi32, #tpu.memory_space<vmem>>
          %dma_start3A_716 = arith.constant 0 : i32
          %dma_start3A_717 = arith.constant 0 : i32
          %dma_start3A_718 = tpu.memref_slice %arg2[%dma_start3A_716, %dma_start3A_717] : memref<200000x32xf32, #tpu.memory_space<hbm>> -> memref<200000x32xf32, #tpu.memory_space<hbm>>
          tpu.enqueue_indirect_dma source(%dma_start3A_718 : memref<200000x32xf32, #tpu.memory_space<hbm>>) target(%arg12 : memref<112x32xf32, #tpu.memory_space<vmem>>) offsets(%dma_start3A_715 : memref<112xi32, #tpu.memory_space<vmem>>) semaphore(%arg17 : memref<!tpu.dma_semaphore, #tpu.memory_space<semaphore_mem>>)
          %mul3A_719 = arith.constant 4 : i32
          %mul3A_720 = arith.muli %mul3A_719, %add3A_654 : i32
          %add3A_721 = arith.constant 2 : i32
          %add3A_722 = arith.addi %mul3A_720, %add3A_721 : i32
          %dma_wait3A_723 = arith.constant 0 : i32
          %dma_wait3A_724 = tpu.memref_slice %arg8[%add3A_722, %dma_wait3A_723] : memref<28x112xi32, #tpu.memory_space<vmem>> -> memref<1x112xi32, #tpu.memory_space<vmem>>
          %dma_wait3A_725 = tpu.memref_squeeze %dma_wait3A_724 : memref<1x112xi32, #tpu.memory_space<vmem>> -> memref<112xi32, #tpu.memory_space<vmem>>
          %dma_wait3A_726 = arith.constant 0 : i32
          %dma_wait3A_727 = arith.constant 0 : i32
          %dma_wait3A_728 = tpu.memref_slice %arg2[%dma_wait3A_726, %dma_wait3A_727] : memref<200000x32xf32, #tpu.memory_space<hbm>> -> memref<200000x32xf32, #tpu.memory_space<hbm>>
          tpu.wait_indirect_dma semaphore(%arg19 : memref<!tpu.dma_semaphore, #tpu.memory_space<semaphore_mem>>) src(%dma_wait3A_728 : memref<200000x32xf32, #tpu.memory_space<hbm>>) dst(%arg14 : memref<112x32xf32, #tpu.memory_space<vmem>>)
          %dma_start3A_729 = arith.constant 0 : i32
          %dma_start3A_730 = tpu.memref_slice %arg9[%add3A_722, %dma_start3A_729] : memref<28x112xi32, #tpu.memory_space<vmem>> -> memref<1x112xi32, #tpu.memory_space<vmem>>
          %dma_start3A_731 = tpu.memref_squeeze %dma_start3A_730 : memref<1x112xi32, #tpu.memory_space<vmem>> -> memref<112xi32, #tpu.memory_space<vmem>>
          %dma_start3A_732 = arith.constant 0 : i32
          %dma_start3A_733 = arith.constant 0 : i32
          %dma_start3A_734 = tpu.memref_slice %arg7[%dma_start3A_732, %dma_start3A_733] : memref<50176x32xf32, #tpu.memory_space<vmem_shared>> -> memref<50176x32xf32, #tpu.memory_space<vmem_shared>>
          tpu.enqueue_indirect_dma source(%arg14 : memref<112x32xf32, #tpu.memory_space<vmem>>) target(%dma_start3A_734 : memref<50176x32xf32, #tpu.memory_space<vmem_shared>>) offsets(%dma_start3A_731 : memref<112xi32, #tpu.memory_space<vmem>>) semaphore(%arg23 : memref<!tpu.dma_semaphore, #tpu.memory_space<semaphore_mem>>) {add = true}
          %sub3A_735 = arith.constant 1 : i32
          %sub3A_736 = arith.subi %add3A_722, %sub3A_735 : i32
          %dma_wait3A_737 = arith.constant 0 : i32
          %dma_wait3A_738 = tpu.memref_slice %arg9[%sub3A_736, %dma_wait3A_737] : memref<28x112xi32, #tpu.memory_space<vmem>> -> memref<1x112xi32, #tpu.memory_space<vmem>>
          %dma_wait3A_739 = tpu.memref_squeeze %dma_wait3A_738 : memref<1x112xi32, #tpu.memory_space<vmem>> -> memref<112xi32, #tpu.memory_space<vmem>>
          %dma_wait3A_740 = arith.constant 0 : i32
          %dma_wait3A_741 = arith.constant 0 : i32
          %dma_wait3A_742 = tpu.memref_slice %arg7[%dma_wait3A_740, %dma_wait3A_741] : memref<50176x32xf32, #tpu.memory_space<vmem_shared>> -> memref<50176x32xf32, #tpu.memory_space<vmem_shared>>
          tpu.wait_indirect_dma semaphore(%arg22 : memref<!tpu.dma_semaphore, #tpu.memory_space<semaphore_mem>>) src(%arg13 : memref<112x32xf32, #tpu.memory_space<vmem>>) dst(%dma_wait3A_742 : memref<50176x32xf32, #tpu.memory_space<vmem_shared>>)
          %add3A_743 = arith.constant 3 : i32
          %add3A_744 = arith.addi %add3A_722, %add3A_743 : i32
          %dma_start3A_745 = arith.constant 0 : i32
          %dma_start3A_746 = tpu.memref_slice %arg8[%add3A_744, %dma_start3A_745] : memref<28x112xi32, #tpu.memory_space<vmem>> -> memref<1x112xi32, #tpu.memory_space<vmem>>
          %dma_start3A_747 = tpu.memref_squeeze %dma_start3A_746 : memref<1x112xi32, #tpu.memory_space<vmem>> -> memref<112xi32, #tpu.memory_space<vmem>>
          %dma_start3A_748 = arith.constant 0 : i32
          %dma_start3A_749 = arith.constant 0 : i32
          %dma_start3A_750 = tpu.memref_slice %arg2[%dma_start3A_748, %dma_start3A_749] : memref<200000x32xf32, #tpu.memory_space<hbm>> -> memref<200000x32xf32, #tpu.memory_space<hbm>>
          tpu.enqueue_indirect_dma source(%dma_start3A_750 : memref<200000x32xf32, #tpu.memory_space<hbm>>) target(%arg13 : memref<112x32xf32, #tpu.memory_space<vmem>>) offsets(%dma_start3A_747 : memref<112xi32, #tpu.memory_space<vmem>>) semaphore(%arg18 : memref<!tpu.dma_semaphore, #tpu.memory_space<semaphore_mem>>)
          %mul3A_751 = arith.constant 4 : i32
          %mul3A_752 = arith.muli %mul3A_751, %add3A_654 : i32
          %add3A_753 = arith.constant 3 : i32
          %add3A_754 = arith.addi %mul3A_752, %add3A_753 : i32
          %dma_wait3A_755 = arith.constant 0 : i32
          %dma_wait3A_756 = tpu.memref_slice %arg8[%add3A_754, %dma_wait3A_755] : memref<28x112xi32, #tpu.memory_space<vmem>> -> memref<1x112xi32, #tpu.memory_space<vmem>>
          %dma_wait3A_757 = tpu.memref_squeeze %dma_wait3A_756 : memref<1x112xi32, #tpu.memory_space<vmem>> -> memref<112xi32, #tpu.memory_space<vmem>>
          %dma_wait3A_758 = arith.constant 0 : i32
          %dma_wait3A_759 = arith.constant 0 : i32
          %dma_wait3A_760 = tpu.memref_slice %arg2[%dma_wait3A_758, %dma_wait3A_759] : memref<200000x32xf32, #tpu.memory_space<hbm>> -> memref<200000x32xf32, #tpu.memory_space<hbm>>
          tpu.wait_indirect_dma semaphore(%arg20 : memref<!tpu.dma_semaphore, #tpu.memory_space<semaphore_mem>>) src(%dma_wait3A_760 : memref<200000x32xf32, #tpu.memory_space<hbm>>) dst(%arg15 : memref<112x32xf32, #tpu.memory_space<vmem>>)
          %dma_start3A_761 = arith.constant 0 : i32
          %dma_start3A_762 = tpu.memref_slice %arg9[%add3A_754, %dma_start3A_761] : memref<28x112xi32, #tpu.memory_space<vmem>> -> memref<1x112xi32, #tpu.memory_space<vmem>>
          %dma_start3A_763 = tpu.memref_squeeze %dma_start3A_762 : memref<1x112xi32, #tpu.memory_space<vmem>> -> memref<112xi32, #tpu.memory_space<vmem>>
          %dma_start3A_764 = arith.constant 0 : i32
          %dma_start3A_765 = arith.constant 0 : i32
          %dma_start3A_766 = tpu.memref_slice %arg7[%dma_start3A_764, %dma_start3A_765] : memref<50176x32xf32, #tpu.memory_space<vmem_shared>> -> memref<50176x32xf32, #tpu.memory_space<vmem_shared>>
          tpu.enqueue_indirect_dma source(%arg15 : memref<112x32xf32, #tpu.memory_space<vmem>>) target(%dma_start3A_766 : memref<50176x32xf32, #tpu.memory_space<vmem_shared>>) offsets(%dma_start3A_763 : memref<112xi32, #tpu.memory_space<vmem>>) semaphore(%arg24 : memref<!tpu.dma_semaphore, #tpu.memory_space<semaphore_mem>>) {add = true}
          %sub3A_767 = arith.constant 1 : i32
          %sub3A_768 = arith.subi %add3A_754, %sub3A_767 : i32
          %dma_wait3A_769 = arith.constant 0 : i32
          %dma_wait3A_770 = tpu.memref_slice %arg9[%sub3A_768, %dma_wait3A_769] : memref<28x112xi32, #tpu.memory_space<vmem>> -> memref<1x112xi32, #tpu.memory_space<vmem>>
          %dma_wait3A_771 = tpu.memref_squeeze %dma_wait3A_770 : memref<1x112xi32, #tpu.memory_space<vmem>> -> memref<112xi32, #tpu.memory_space<vmem>>
          %dma_wait3A_772 = arith.constant 0 : i32
          %dma_wait3A_773 = arith.constant 0 : i32
          %dma_wait3A_774 = tpu.memref_slice %arg7[%dma_wait3A_772, %dma_wait3A_773] : memref<50176x32xf32, #tpu.memory_space<vmem_shared>> -> memref<50176x32xf32, #tpu.memory_space<vmem_shared>>
          tpu.wait_indirect_dma semaphore(%arg23 : memref<!tpu.dma_semaphore, #tpu.memory_space<semaphore_mem>>) src(%arg14 : memref<112x32xf32, #tpu.memory_space<vmem>>) dst(%dma_wait3A_774 : memref<50176x32xf32, #tpu.memory_space<vmem_shared>>)
          %add3A_775 = arith.constant 3 : i32
          %add3A_776 = arith.addi %add3A_754, %add3A_775 : i32
          %dma_start3A_777 = arith.constant 0 : i32
          %dma_start3A_778 = tpu.memref_slice %arg8[%add3A_776, %dma_start3A_777] : memref<28x112xi32, #tpu.memory_space<vmem>> -> memref<1x112xi32, #tpu.memory_space<vmem>>
          %dma_start3A_779 = tpu.memref_squeeze %dma_start3A_778 : memref<1x112xi32, #tpu.memory_space<vmem>> -> memref<112xi32, #tpu.memory_space<vmem>>
          %dma_start3A_780 = arith.constant 0 : i32
          %dma_start3A_781 = arith.constant 0 : i32
          %dma_start3A_782 = tpu.memref_slice %arg2[%dma_start3A_780, %dma_start3A_781] : memref<200000x32xf32, #tpu.memory_space<hbm>> -> memref<200000x32xf32, #tpu.memory_space<hbm>>
          tpu.enqueue_indirect_dma source(%dma_start3A_782 : memref<200000x32xf32, #tpu.memory_space<hbm>>) target(%arg14 : memref<112x32xf32, #tpu.memory_space<vmem>>) offsets(%dma_start3A_779 : memref<112xi32, #tpu.memory_space<vmem>>) semaphore(%arg19 : memref<!tpu.dma_semaphore, #tpu.memory_space<semaphore_mem>>)
        }
        %scan3A_299 = arith.constant 5 : i32
        %dma_wait3A_300 = arith.constant 24 : i32
        %dma_wait3A_301 = arith.constant 0 : i32
        %dma_wait3A_302 = tpu.memref_slice %arg8[%dma_wait3A_300, %dma_wait3A_301] : memref<28x112xi32, #tpu.memory_space<vmem>> -> memref<1x112xi32, #tpu.memory_space<vmem>>
        %dma_wait3A_303 = tpu.memref_squeeze %dma_wait3A_302 : memref<1x112xi32, #tpu.memory_space<vmem>> -> memref<112xi32, #tpu.memory_space<vmem>>
        %dma_wait3A_304 = arith.constant 0 : i32
        %dma_wait3A_305 = arith.constant 0 : i32
        %dma_wait3A_306 = tpu.memref_slice %arg2[%dma_wait3A_304, %dma_wait3A_305] : memref<200000x32xf32, #tpu.memory_space<hbm>> -> memref<200000x32xf32, #tpu.memory_space<hbm>>
        tpu.wait_indirect_dma semaphore(%arg17 : memref<!tpu.dma_semaphore, #tpu.memory_space<semaphore_mem>>) src(%dma_wait3A_306 : memref<200000x32xf32, #tpu.memory_space<hbm>>) dst(%arg12 : memref<112x32xf32, #tpu.memory_space<vmem>>)
        %dma_start3A_307 = arith.constant 24 : i32
        %dma_start3A_308 = arith.constant 0 : i32
        %dma_start3A_309 = tpu.memref_slice %arg9[%dma_start3A_307, %dma_start3A_308] : memref<28x112xi32, #tpu.memory_space<vmem>> -> memref<1x112xi32, #tpu.memory_space<vmem>>
        %dma_start3A_310 = tpu.memref_squeeze %dma_start3A_309 : memref<1x112xi32, #tpu.memory_space<vmem>> -> memref<112xi32, #tpu.memory_space<vmem>>
        %dma_start3A_311 = arith.constant 0 : i32
        %dma_start3A_312 = arith.constant 0 : i32
        %dma_start3A_313 = tpu.memref_slice %arg7[%dma_start3A_311, %dma_start3A_312] : memref<50176x32xf32, #tpu.memory_space<vmem_shared>> -> memref<50176x32xf32, #tpu.memory_space<vmem_shared>>
        tpu.enqueue_indirect_dma source(%arg12 : memref<112x32xf32, #tpu.memory_space<vmem>>) target(%dma_start3A_313 : memref<50176x32xf32, #tpu.memory_space<vmem_shared>>) offsets(%dma_start3A_310 : memref<112xi32, #tpu.memory_space<vmem>>) semaphore(%arg21 : memref<!tpu.dma_semaphore, #tpu.memory_space<semaphore_mem>>) {add = true}
        %dma_wait3A_314 = arith.constant 23 : i32
        %dma_wait3A_315 = arith.constant 0 : i32
        %dma_wait3A_316 = tpu.memref_slice %arg9[%dma_wait3A_314, %dma_wait3A_315] : memref<28x112xi32, #tpu.memory_space<vmem>> -> memref<1x112xi32, #tpu.memory_space<vmem>>
        %dma_wait3A_317 = tpu.memref_squeeze %dma_wait3A_316 : memref<1x112xi32, #tpu.memory_space<vmem>> -> memref<112xi32, #tpu.memory_space<vmem>>
        %dma_wait3A_318 = arith.constant 0 : i32
        %dma_wait3A_319 = arith.constant 0 : i32
        %dma_wait3A_320 = tpu.memref_slice %arg7[%dma_wait3A_318, %dma_wait3A_319] : memref<50176x32xf32, #tpu.memory_space<vmem_shared>> -> memref<50176x32xf32, #tpu.memory_space<vmem_shared>>
        tpu.wait_indirect_dma semaphore(%arg24 : memref<!tpu.dma_semaphore, #tpu.memory_space<semaphore_mem>>) src(%arg15 : memref<112x32xf32, #tpu.memory_space<vmem>>) dst(%dma_wait3A_320 : memref<50176x32xf32, #tpu.memory_space<vmem_shared>>)
        %dma_start3A_321 = arith.constant 27 : i32
        %dma_start3A_322 = arith.constant 0 : i32
        %dma_start3A_323 = tpu.memref_slice %arg8[%dma_start3A_321, %dma_start3A_322] : memref<28x112xi32, #tpu.memory_space<vmem>> -> memref<1x112xi32, #tpu.memory_space<vmem>>
        %dma_start3A_324 = tpu.memref_squeeze %dma_start3A_323 : memref<1x112xi32, #tpu.memory_space<vmem>> -> memref<112xi32, #tpu.memory_space<vmem>>
        %dma_start3A_325 = arith.constant 0 : i32
        %dma_start3A_326 = arith.constant 0 : i32
        %dma_start3A_327 = tpu.memref_slice %arg2[%dma_start3A_325, %dma_start3A_326] : memref<200000x32xf32, #tpu.memory_space<hbm>> -> memref<200000x32xf32, #tpu.memory_space<hbm>>
        tpu.enqueue_indirect_dma source(%dma_start3A_327 : memref<200000x32xf32, #tpu.memory_space<hbm>>) target(%arg15 : memref<112x32xf32, #tpu.memory_space<vmem>>) offsets(%dma_start3A_324 : memref<112xi32, #tpu.memory_space<vmem>>) semaphore(%arg20 : memref<!tpu.dma_semaphore, #tpu.memory_space<semaphore_mem>>)
        %dma_wait3A_328 = arith.constant 25 : i32
        %dma_wait3A_329 = arith.constant 0 : i32
        %dma_wait3A_330 = tpu.memref_slice %arg8[%dma_wait3A_328, %dma_wait3A_329] : memref<28x112xi32, #tpu.memory_space<vmem>> -> memref<1x112xi32, #tpu.memory_space<vmem>>
        %dma_wait3A_331 = tpu.memref_squeeze %dma_wait3A_330 : memref<1x112xi32, #tpu.memory_space<vmem>> -> memref<112xi32, #tpu.memory_space<vmem>>
        %dma_wait3A_332 = arith.constant 0 : i32
        %dma_wait3A_333 = arith.constant 0 : i32
        %dma_wait3A_334 = tpu.memref_slice %arg2[%dma_wait3A_332, %dma_wait3A_333] : memref<200000x32xf32, #tpu.memory_space<hbm>> -> memref<200000x32xf32, #tpu.memory_space<hbm>>
        tpu.wait_indirect_dma semaphore(%arg18 : memref<!tpu.dma_semaphore, #tpu.memory_space<semaphore_mem>>) src(%dma_wait3A_334 : memref<200000x32xf32, #tpu.memory_space<hbm>>) dst(%arg13 : memref<112x32xf32, #tpu.memory_space<vmem>>)
        %dma_start3A_335 = arith.constant 25 : i32
        %dma_start3A_336 = arith.constant 0 : i32
        %dma_start3A_337 = tpu.memref_slice %arg9[%dma_start3A_335, %dma_start3A_336] : memref<28x112xi32, #tpu.memory_space<vmem>> -> memref<1x112xi32, #tpu.memory_space<vmem>>
        %dma_start3A_338 = tpu.memref_squeeze %dma_start3A_337 : memref<1x112xi32, #tpu.memory_space<vmem>> -> memref<112xi32, #tpu.memory_space<vmem>>
        %dma_start3A_339 = arith.constant 0 : i32
        %dma_start3A_340 = arith.constant 0 : i32
        %dma_start3A_341 = tpu.memref_slice %arg7[%dma_start3A_339, %dma_start3A_340] : memref<50176x32xf32, #tpu.memory_space<vmem_shared>> -> memref<50176x32xf32, #tpu.memory_space<vmem_shared>>
        tpu.enqueue_indirect_dma source(%arg13 : memref<112x32xf32, #tpu.memory_space<vmem>>) target(%dma_start3A_341 : memref<50176x32xf32, #tpu.memory_space<vmem_shared>>) offsets(%dma_start3A_338 : memref<112xi32, #tpu.memory_space<vmem>>) semaphore(%arg22 : memref<!tpu.dma_semaphore, #tpu.memory_space<semaphore_mem>>) {add = true}
        %dma_wait3A_342 = arith.constant 24 : i32
        %dma_wait3A_343 = arith.constant 0 : i32
        %dma_wait3A_344 = tpu.memref_slice %arg9[%dma_wait3A_342, %dma_wait3A_343] : memref<28x112xi32, #tpu.memory_space<vmem>> -> memref<1x112xi32, #tpu.memory_space<vmem>>
        %dma_wait3A_345 = tpu.memref_squeeze %dma_wait3A_344 : memref<1x112xi32, #tpu.memory_space<vmem>> -> memref<112xi32, #tpu.memory_space<vmem>>
        %dma_wait3A_346 = arith.constant 0 : i32
        %dma_wait3A_347 = arith.constant 0 : i32
        %dma_wait3A_348 = tpu.memref_slice %arg7[%dma_wait3A_346, %dma_wait3A_347] : memref<50176x32xf32, #tpu.memory_space<vmem_shared>> -> memref<50176x32xf32, #tpu.memory_space<vmem_shared>>
        tpu.wait_indirect_dma semaphore(%arg21 : memref<!tpu.dma_semaphore, #tpu.memory_space<semaphore_mem>>) src(%arg12 : memref<112x32xf32, #tpu.memory_space<vmem>>) dst(%dma_wait3A_348 : memref<50176x32xf32, #tpu.memory_space<vmem_shared>>)
        %dma_wait3A_349 = arith.constant 26 : i32
        %dma_wait3A_350 = arith.constant 0 : i32
        %dma_wait3A_351 = tpu.memref_slice %arg8[%dma_wait3A_349, %dma_wait3A_350] : memref<28x112xi32, #tpu.memory_space<vmem>> -> memref<1x112xi32, #tpu.memory_space<vmem>>
        %dma_wait3A_352 = tpu.memref_squeeze %dma_wait3A_351 : memref<1x112xi32, #tpu.memory_space<vmem>> -> memref<112xi32, #tpu.memory_space<vmem>>
        %dma_wait3A_353 = arith.constant 0 : i32
        %dma_wait3A_354 = arith.constant 0 : i32
        %dma_wait3A_355 = tpu.memref_slice %arg2[%dma_wait3A_353, %dma_wait3A_354] : memref<200000x32xf32, #tpu.memory_space<hbm>> -> memref<200000x32xf32, #tpu.memory_space<hbm>>
        tpu.wait_indirect_dma semaphore(%arg19 : memref<!tpu.dma_semaphore, #tpu.memory_space<semaphore_mem>>) src(%dma_wait3A_355 : memref<200000x32xf32, #tpu.memory_space<hbm>>) dst(%arg14 : memref<112x32xf32, #tpu.memory_space<vmem>>)
        %dma_start3A_356 = arith.constant 26 : i32
        %dma_start3A_357 = arith.constant 0 : i32
        %dma_start3A_358 = tpu.memref_slice %arg9[%dma_start3A_356, %dma_start3A_357] : memref<28x112xi32, #tpu.memory_space<vmem>> -> memref<1x112xi32, #tpu.memory_space<vmem>>
        %dma_start3A_359 = tpu.memref_squeeze %dma_start3A_358 : memref<1x112xi32, #tpu.memory_space<vmem>> -> memref<112xi32, #tpu.memory_space<vmem>>
        %dma_start3A_360 = arith.constant 0 : i32
        %dma_start3A_361 = arith.constant 0 : i32
        %dma_start3A_362 = tpu.memref_slice %arg7[%dma_start3A_360, %dma_start3A_361] : memref<50176x32xf32, #tpu.memory_space<vmem_shared>> -> memref<50176x32xf32, #tpu.memory_space<vmem_shared>>
        tpu.enqueue_indirect_dma source(%arg14 : memref<112x32xf32, #tpu.memory_space<vmem>>) target(%dma_start3A_362 : memref<50176x32xf32, #tpu.memory_space<vmem_shared>>) offsets(%dma_start3A_359 : memref<112xi32, #tpu.memory_space<vmem>>) semaphore(%arg23 : memref<!tpu.dma_semaphore, #tpu.memory_space<semaphore_mem>>) {add = true}
        %dma_wait3A_363 = arith.constant 25 : i32
        %dma_wait3A_364 = arith.constant 0 : i32
        %dma_wait3A_365 = tpu.memref_slice %arg9[%dma_wait3A_363, %dma_wait3A_364] : memref<28x112xi32, #tpu.memory_space<vmem>> -> memref<1x112xi32, #tpu.memory_space<vmem>>
        %dma_wait3A_366 = tpu.memref_squeeze %dma_wait3A_365 : memref<1x112xi32, #tpu.memory_space<vmem>> -> memref<112xi32, #tpu.memory_space<vmem>>
        %dma_wait3A_367 = arith.constant 0 : i32
        %dma_wait3A_368 = arith.constant 0 : i32
        %dma_wait3A_369 = tpu.memref_slice %arg7[%dma_wait3A_367, %dma_wait3A_368] : memref<50176x32xf32, #tpu.memory_space<vmem_shared>> -> memref<50176x32xf32, #tpu.memory_space<vmem_shared>>
        tpu.wait_indirect_dma semaphore(%arg22 : memref<!tpu.dma_semaphore, #tpu.memory_space<semaphore_mem>>) src(%arg13 : memref<112x32xf32, #tpu.memory_space<vmem>>) dst(%dma_wait3A_369 : memref<50176x32xf32, #tpu.memory_space<vmem_shared>>)
        %dma_wait3A_370 = arith.constant 27 : i32
        %dma_wait3A_371 = arith.constant 0 : i32
        %dma_wait3A_372 = tpu.memref_slice %arg8[%dma_wait3A_370, %dma_wait3A_371] : memref<28x112xi32, #tpu.memory_space<vmem>> -> memref<1x112xi32, #tpu.memory_space<vmem>>
        %dma_wait3A_373 = tpu.memref_squeeze %dma_wait3A_372 : memref<1x112xi32, #tpu.memory_space<vmem>> -> memref<112xi32, #tpu.memory_space<vmem>>
        %dma_wait3A_374 = arith.constant 0 : i32
        %dma_wait3A_375 = arith.constant 0 : i32
        %dma_wait3A_376 = tpu.memref_slice %arg2[%dma_wait3A_374, %dma_wait3A_375] : memref<200000x32xf32, #tpu.memory_space<hbm>> -> memref<200000x32xf32, #tpu.memory_space<hbm>>
        tpu.wait_indirect_dma semaphore(%arg20 : memref<!tpu.dma_semaphore, #tpu.memory_space<semaphore_mem>>) src(%dma_wait3A_376 : memref<200000x32xf32, #tpu.memory_space<hbm>>) dst(%arg15 : memref<112x32xf32, #tpu.memory_space<vmem>>)
        %dma_start3A_377 = arith.constant 27 : i32
        %dma_start3A_378 = arith.constant 0 : i32
        %dma_start3A_379 = tpu.memref_slice %arg9[%dma_start3A_377, %dma_start3A_378] : memref<28x112xi32, #tpu.memory_space<vmem>> -> memref<1x112xi32, #tpu.memory_space<vmem>>
        %dma_start3A_380 = tpu.memref_squeeze %dma_start3A_379 : memref<1x112xi32, #tpu.memory_space<vmem>> -> memref<112xi32, #tpu.memory_space<vmem>>
        %dma_start3A_381 = arith.constant 0 : i32
        %dma_start3A_382 = arith.constant 0 : i32
        %dma_start3A_383 = tpu.memref_slice %arg7[%dma_start3A_381, %dma_start3A_382] : memref<50176x32xf32, #tpu.memory_space<vmem_shared>> -> memref<50176x32xf32, #tpu.memory_space<vmem_shared>>
        tpu.enqueue_indirect_dma source(%arg15 : memref<112x32xf32, #tpu.memory_space<vmem>>) target(%dma_start3A_383 : memref<50176x32xf32, #tpu.memory_space<vmem_shared>>) offsets(%dma_start3A_380 : memref<112xi32, #tpu.memory_space<vmem>>) semaphore(%arg24 : memref<!tpu.dma_semaphore, #tpu.memory_space<semaphore_mem>>) {add = true}
        %dma_wait3A_384 = arith.constant 26 : i32
        %dma_wait3A_385 = arith.constant 0 : i32
        %dma_wait3A_386 = tpu.memref_slice %arg9[%dma_wait3A_384, %dma_wait3A_385] : memref<28x112xi32, #tpu.memory_space<vmem>> -> memref<1x112xi32, #tpu.memory_space<vmem>>
        %dma_wait3A_387 = tpu.memref_squeeze %dma_wait3A_386 : memref<1x112xi32, #tpu.memory_space<vmem>> -> memref<112xi32, #tpu.memory_space<vmem>>
        %dma_wait3A_388 = arith.constant 0 : i32
        %dma_wait3A_389 = arith.constant 0 : i32
        %dma_wait3A_390 = tpu.memref_slice %arg7[%dma_wait3A_388, %dma_wait3A_389] : memref<50176x32xf32, #tpu.memory_space<vmem_shared>> -> memref<50176x32xf32, #tpu.memory_space<vmem_shared>>
        tpu.wait_indirect_dma semaphore(%arg23 : memref<!tpu.dma_semaphore, #tpu.memory_space<semaphore_mem>>) src(%arg14 : memref<112x32xf32, #tpu.memory_space<vmem>>) dst(%dma_wait3A_390 : memref<50176x32xf32, #tpu.memory_space<vmem_shared>>)
        %dma_wait3A_391 = arith.constant 27 : i32
        %dma_wait3A_392 = arith.constant 0 : i32
        %dma_wait3A_393 = tpu.memref_slice %arg9[%dma_wait3A_391, %dma_wait3A_392] : memref<28x112xi32, #tpu.memory_space<vmem>> -> memref<1x112xi32, #tpu.memory_space<vmem>>
        %dma_wait3A_394 = tpu.memref_squeeze %dma_wait3A_393 : memref<1x112xi32, #tpu.memory_space<vmem>> -> memref<112xi32, #tpu.memory_space<vmem>>
        %dma_wait3A_395 = arith.constant 0 : i32
        %dma_wait3A_396 = arith.constant 0 : i32
        %dma_wait3A_397 = tpu.memref_slice %arg7[%dma_wait3A_395, %dma_wait3A_396] : memref<50176x32xf32, #tpu.memory_space<vmem_shared>> -> memref<50176x32xf32, #tpu.memory_space<vmem_shared>>
        tpu.wait_indirect_dma semaphore(%arg24 : memref<!tpu.dma_semaphore, #tpu.memory_space<semaphore_mem>>) src(%arg15 : memref<112x32xf32, #tpu.memory_space<vmem>>) dst(%dma_wait3A_397 : memref<50176x32xf32, #tpu.memory_space<vmem_shared>>)
        %mul3A_398 = arith.constant 2 : i32
        %mul3A_399 = arith.muli %mul3A_398, %add3A_130 : i32
        %add3A_400 = arith.constant 1 : i32
        %add3A_401 = arith.addi %mul3A_399, %add3A_400 : i32
        %mul3A_402 = arith.constant 28 : i32
        %mul3A_403 = arith.muli %add3A_401, %mul3A_402 : i32
        %mul3A_404 = arith.constant 28 : i32
        %mul3A_405 = arith.muli %add3A_401, %mul3A_404 : i32
        %dma_wait3A_406 = arith.constant 0 : i32
        %dma_wait3A_407 = tpu.memref_slice %arg3[%select_n3A, %add3A_59, %arg1, %mul3A_403, %dma_wait3A_406] : memref<3x4x16x112x112xi32, #tpu.memory_space<hbm>> -> memref<1x1x1x28x112xi32, #tpu.memory_space<hbm>>
        %dma_wait3A_408 = tpu.memref_squeeze %dma_wait3A_407 : memref<1x1x1x28x112xi32, #tpu.memory_space<hbm>> -> memref<28x112xi32, #tpu.memory_space<hbm>>
        %dma_wait3A_409 = arith.constant 0 : i32
        %dma_wait3A_410 = tpu.memref_slice %arg3[%select_n3A, %add3A_59, %arg1, %mul3A_403, %dma_wait3A_409] : memref<3x4x16x112x112xi32, #tpu.memory_space<hbm>> -> memref<1x1x1x28x112xi32, #tpu.memory_space<hbm>>
        %dma_wait3A_411 = tpu.memref_squeeze %dma_wait3A_410 : memref<1x1x1x28x112xi32, #tpu.memory_space<hbm>> -> memref<28x112xi32, #tpu.memory_space<hbm>>
        tpu.wait_dma2 semaphore(%arg27 : memref<!tpu.dma_semaphore, #tpu.memory_space<semaphore_mem>>) src(%dma_wait3A_411 : memref<28x112xi32, #tpu.memory_space<hbm>>) dst(%arg10 : memref<28x112xi32, #tpu.memory_space<vmem>>)
        %dma_wait3A_412 = arith.constant 0 : i32
        %dma_wait3A_413 = tpu.memref_slice %arg4[%select_n3A, %arg1, %mul3A_405, %dma_wait3A_412] : memref<3x16x112x112xi32, #tpu.memory_space<hbm>> -> memref<1x1x28x112xi32, #tpu.memory_space<hbm>>
        %dma_wait3A_414 = tpu.memref_squeeze %dma_wait3A_413 : memref<1x1x28x112xi32, #tpu.memory_space<hbm>> -> memref<28x112xi32, #tpu.memory_space<hbm>>
        %dma_wait3A_415 = arith.constant 0 : i32
        %dma_wait3A_416 = tpu.memref_slice %arg4[%select_n3A, %arg1, %mul3A_405, %dma_wait3A_415] : memref<3x16x112x112xi32, #tpu.memory_space<hbm>> -> memref<1x1x28x112xi32, #tpu.memory_space<hbm>>
        %dma_wait3A_417 = tpu.memref_squeeze %dma_wait3A_416 : memref<1x1x28x112xi32, #tpu.memory_space<hbm>> -> memref<28x112xi32, #tpu.memory_space<hbm>>
        tpu.wait_dma2 semaphore(%arg27 : memref<!tpu.dma_semaphore, #tpu.memory_space<semaphore_mem>>) src(%dma_wait3A_417 : memref<28x112xi32, #tpu.memory_space<hbm>>) dst(%arg11 : memref<28x112xi32, #tpu.memory_space<vmem>>)
        %lt3A_418 = arith.constant 1 : i32
        %lt3A_419 = arith.cmpi slt, %add3A_130, %lt3A_418 : i32
        %convert_element_type3A = arith.extui %lt3A_419 : i1 to i32
        %cond3A = arith.constant 0 : i32
        %cond3A_420 = arith.cmpi ne, %convert_element_type3A, %cond3A : i32
        scf.if %cond3A_420 {
          %mul3A_650 = arith.constant 2 : i32
          %mul3A_651 = arith.muli %mul3A_650, %add3A_130 : i32
          %add3A_652 = arith.constant 2 : i32
          %add3A_653 = arith.addi %mul3A_651, %add3A_652 : i32
          %mul3A_654 = arith.constant 28 : i32
          %mul3A_655 = arith.muli %add3A_653, %mul3A_654 : i32
          %mul3A_656 = arith.constant 28 : i32
          %mul3A_657 = arith.muli %add3A_653, %mul3A_656 : i32
          %dma_start3A_658 = arith.constant 0 : i32
          %dma_start3A_659 = tpu.memref_slice %arg3[%select_n3A, %add3A_59, %arg1, %mul3A_655, %dma_start3A_658] : memref<3x4x16x112x112xi32, #tpu.memory_space<hbm>> -> memref<1x1x1x28x112xi32, #tpu.memory_space<hbm>>
          %dma_start3A_660 = tpu.memref_squeeze %dma_start3A_659 : memref<1x1x1x28x112xi32, #tpu.memory_space<hbm>> -> memref<28x112xi32, #tpu.memory_space<hbm>>
          %dma_start3A_661 = arith.constant 0 : i32
          %dma_start3A_662 = tpu.memref_slice %arg3[%select_n3A, %add3A_59, %arg1, %mul3A_655, %dma_start3A_661] : memref<3x4x16x112x112xi32, #tpu.memory_space<hbm>> -> memref<1x1x1x28x112xi32, #tpu.memory_space<hbm>>
          %dma_start3A_663 = tpu.memref_squeeze %dma_start3A_662 : memref<1x1x1x28x112xi32, #tpu.memory_space<hbm>> -> memref<28x112xi32, #tpu.memory_space<hbm>>
          tpu.enqueue_dma source(%dma_start3A_663 : memref<28x112xi32, #tpu.memory_space<hbm>>) target(%arg8 : memref<28x112xi32, #tpu.memory_space<vmem>>) target_semaphore(%arg26 : memref<!tpu.dma_semaphore, #tpu.memory_space<semaphore_mem>>)
          %dma_start3A_664 = arith.constant 0 : i32
          %dma_start3A_665 = tpu.memref_slice %arg4[%select_n3A, %arg1, %mul3A_657, %dma_start3A_664] : memref<3x16x112x112xi32, #tpu.memory_space<hbm>> -> memref<1x1x28x112xi32, #tpu.memory_space<hbm>>
          %dma_start3A_666 = tpu.memref_squeeze %dma_start3A_665 : memref<1x1x28x112xi32, #tpu.memory_space<hbm>> -> memref<28x112xi32, #tpu.memory_space<hbm>>
          %dma_start3A_667 = arith.constant 0 : i32
          %dma_start3A_668 = tpu.memref_slice %arg4[%select_n3A, %arg1, %mul3A_657, %dma_start3A_667] : memref<3x16x112x112xi32, #tpu.memory_space<hbm>> -> memref<1x1x28x112xi32, #tpu.memory_space<hbm>>
          %dma_start3A_669 = tpu.memref_squeeze %dma_start3A_668 : memref<1x1x28x112xi32, #tpu.memory_space<hbm>> -> memref<28x112xi32, #tpu.memory_space<hbm>>
          tpu.enqueue_dma source(%dma_start3A_669 : memref<28x112xi32, #tpu.memory_space<hbm>>) target(%arg9 : memref<28x112xi32, #tpu.memory_space<vmem>>) target_semaphore(%arg26 : memref<!tpu.dma_semaphore, #tpu.memory_space<semaphore_mem>>)
        } else {
        }
        %dma_start3A_421 = arith.constant 0 : i32
        %dma_start3A_422 = arith.constant 0 : i32
        %dma_start3A_423 = tpu.memref_slice %arg10[%dma_start3A_421, %dma_start3A_422] : memref<28x112xi32, #tpu.memory_space<vmem>> -> memref<1x112xi32, #tpu.memory_space<vmem>>
        %dma_start3A_424 = tpu.memref_squeeze %dma_start3A_423 : memref<1x112xi32, #tpu.memory_space<vmem>> -> memref<112xi32, #tpu.memory_space<vmem>>
        %dma_start3A_425 = arith.constant 0 : i32
        %dma_start3A_426 = arith.constant 0 : i32
        %dma_start3A_427 = tpu.memref_slice %arg2[%dma_start3A_425, %dma_start3A_426] : memref<200000x32xf32, #tpu.memory_space<hbm>> -> memref<200000x32xf32, #tpu.memory_space<hbm>>
        tpu.enqueue_indirect_dma source(%dma_start3A_427 : memref<200000x32xf32, #tpu.memory_space<hbm>>) target(%arg12 : memref<112x32xf32, #tpu.memory_space<vmem>>) offsets(%dma_start3A_424 : memref<112xi32, #tpu.memory_space<vmem>>) semaphore(%arg17 : memref<!tpu.dma_semaphore, #tpu.memory_space<semaphore_mem>>)
        %dma_start3A_428 = arith.constant 1 : i32
        %dma_start3A_429 = arith.constant 0 : i32
        %dma_start3A_430 = tpu.memref_slice %arg10[%dma_start3A_428, %dma_start3A_429] : memref<28x112xi32, #tpu.memory_space<vmem>> -> memref<1x112xi32, #tpu.memory_space<vmem>>
        %dma_start3A_431 = tpu.memref_squeeze %dma_start3A_430 : memref<1x112xi32, #tpu.memory_space<vmem>> -> memref<112xi32, #tpu.memory_space<vmem>>
        %dma_start3A_432 = arith.constant 0 : i32
        %dma_start3A_433 = arith.constant 0 : i32
        %dma_start3A_434 = tpu.memref_slice %arg2[%dma_start3A_432, %dma_start3A_433] : memref<200000x32xf32, #tpu.memory_space<hbm>> -> memref<200000x32xf32, #tpu.memory_space<hbm>>
        tpu.enqueue_indirect_dma source(%dma_start3A_434 : memref<200000x32xf32, #tpu.memory_space<hbm>>) target(%arg13 : memref<112x32xf32, #tpu.memory_space<vmem>>) offsets(%dma_start3A_431 : memref<112xi32, #tpu.memory_space<vmem>>) semaphore(%arg18 : memref<!tpu.dma_semaphore, #tpu.memory_space<semaphore_mem>>)
        %dma_start3A_435 = arith.constant 2 : i32
        %dma_start3A_436 = arith.constant 0 : i32
        %dma_start3A_437 = tpu.memref_slice %arg10[%dma_start3A_435, %dma_start3A_436] : memref<28x112xi32, #tpu.memory_space<vmem>> -> memref<1x112xi32, #tpu.memory_space<vmem>>
        %dma_start3A_438 = tpu.memref_squeeze %dma_start3A_437 : memref<1x112xi32, #tpu.memory_space<vmem>> -> memref<112xi32, #tpu.memory_space<vmem>>
        %dma_start3A_439 = arith.constant 0 : i32
        %dma_start3A_440 = arith.constant 0 : i32
        %dma_start3A_441 = tpu.memref_slice %arg2[%dma_start3A_439, %dma_start3A_440] : memref<200000x32xf32, #tpu.memory_space<hbm>> -> memref<200000x32xf32, #tpu.memory_space<hbm>>
        tpu.enqueue_indirect_dma source(%dma_start3A_441 : memref<200000x32xf32, #tpu.memory_space<hbm>>) target(%arg14 : memref<112x32xf32, #tpu.memory_space<vmem>>) offsets(%dma_start3A_438 : memref<112xi32, #tpu.memory_space<vmem>>) semaphore(%arg19 : memref<!tpu.dma_semaphore, #tpu.memory_space<semaphore_mem>>)
        %dma_wait3A_442 = arith.constant 0 : i32
        %dma_wait3A_443 = arith.constant 0 : i32
        %dma_wait3A_444 = tpu.memref_slice %arg10[%dma_wait3A_442, %dma_wait3A_443] : memref<28x112xi32, #tpu.memory_space<vmem>> -> memref<1x112xi32, #tpu.memory_space<vmem>>
        %dma_wait3A_445 = tpu.memref_squeeze %dma_wait3A_444 : memref<1x112xi32, #tpu.memory_space<vmem>> -> memref<112xi32, #tpu.memory_space<vmem>>
        %dma_wait3A_446 = arith.constant 0 : i32
        %dma_wait3A_447 = arith.constant 0 : i32
        %dma_wait3A_448 = tpu.memref_slice %arg2[%dma_wait3A_446, %dma_wait3A_447] : memref<200000x32xf32, #tpu.memory_space<hbm>> -> memref<200000x32xf32, #tpu.memory_space<hbm>>
        tpu.wait_indirect_dma semaphore(%arg17 : memref<!tpu.dma_semaphore, #tpu.memory_space<semaphore_mem>>) src(%dma_wait3A_448 : memref<200000x32xf32, #tpu.memory_space<hbm>>) dst(%arg12 : memref<112x32xf32, #tpu.memory_space<vmem>>)
        %dma_start3A_449 = arith.constant 0 : i32
        %dma_start3A_450 = arith.constant 0 : i32
        %dma_start3A_451 = tpu.memref_slice %arg11[%dma_start3A_449, %dma_start3A_450] : memref<28x112xi32, #tpu.memory_space<vmem>> -> memref<1x112xi32, #tpu.memory_space<vmem>>
        %dma_start3A_452 = tpu.memref_squeeze %dma_start3A_451 : memref<1x112xi32, #tpu.memory_space<vmem>> -> memref<112xi32, #tpu.memory_space<vmem>>
        %dma_start3A_453 = arith.constant 0 : i32
        %dma_start3A_454 = arith.constant 0 : i32
        %dma_start3A_455 = tpu.memref_slice %arg7[%dma_start3A_453, %dma_start3A_454] : memref<50176x32xf32, #tpu.memory_space<vmem_shared>> -> memref<50176x32xf32, #tpu.memory_space<vmem_shared>>
        tpu.enqueue_indirect_dma source(%arg12 : memref<112x32xf32, #tpu.memory_space<vmem>>) target(%dma_start3A_455 : memref<50176x32xf32, #tpu.memory_space<vmem_shared>>) offsets(%dma_start3A_452 : memref<112xi32, #tpu.memory_space<vmem>>) semaphore(%arg21 : memref<!tpu.dma_semaphore, #tpu.memory_space<semaphore_mem>>) {add = true}
        %dma_start3A_456 = arith.constant 3 : i32
        %dma_start3A_457 = arith.constant 0 : i32
        %dma_start3A_458 = tpu.memref_slice %arg10[%dma_start3A_456, %dma_start3A_457] : memref<28x112xi32, #tpu.memory_space<vmem>> -> memref<1x112xi32, #tpu.memory_space<vmem>>
        %dma_start3A_459 = tpu.memref_squeeze %dma_start3A_458 : memref<1x112xi32, #tpu.memory_space<vmem>> -> memref<112xi32, #tpu.memory_space<vmem>>
        %dma_start3A_460 = arith.constant 0 : i32
        %dma_start3A_461 = arith.constant 0 : i32
        %dma_start3A_462 = tpu.memref_slice %arg2[%dma_start3A_460, %dma_start3A_461] : memref<200000x32xf32, #tpu.memory_space<hbm>> -> memref<200000x32xf32, #tpu.memory_space<hbm>>
        tpu.enqueue_indirect_dma source(%dma_start3A_462 : memref<200000x32xf32, #tpu.memory_space<hbm>>) target(%arg15 : memref<112x32xf32, #tpu.memory_space<vmem>>) offsets(%dma_start3A_459 : memref<112xi32, #tpu.memory_space<vmem>>) semaphore(%arg20 : memref<!tpu.dma_semaphore, #tpu.memory_space<semaphore_mem>>)
        %dma_wait3A_463 = arith.constant 1 : i32
        %dma_wait3A_464 = arith.constant 0 : i32
        %dma_wait3A_465 = tpu.memref_slice %arg10[%dma_wait3A_463, %dma_wait3A_464] : memref<28x112xi32, #tpu.memory_space<vmem>> -> memref<1x112xi32, #tpu.memory_space<vmem>>
        %dma_wait3A_466 = tpu.memref_squeeze %dma_wait3A_465 : memref<1x112xi32, #tpu.memory_space<vmem>> -> memref<112xi32, #tpu.memory_space<vmem>>
        %dma_wait3A_467 = arith.constant 0 : i32
        %dma_wait3A_468 = arith.constant 0 : i32
        %dma_wait3A_469 = tpu.memref_slice %arg2[%dma_wait3A_467, %dma_wait3A_468] : memref<200000x32xf32, #tpu.memory_space<hbm>> -> memref<200000x32xf32, #tpu.memory_space<hbm>>
        tpu.wait_indirect_dma semaphore(%arg18 : memref<!tpu.dma_semaphore, #tpu.memory_space<semaphore_mem>>) src(%dma_wait3A_469 : memref<200000x32xf32, #tpu.memory_space<hbm>>) dst(%arg13 : memref<112x32xf32, #tpu.memory_space<vmem>>)
        %dma_start3A_470 = arith.constant 1 : i32
        %dma_start3A_471 = arith.constant 0 : i32
        %dma_start3A_472 = tpu.memref_slice %arg11[%dma_start3A_470, %dma_start3A_471] : memref<28x112xi32, #tpu.memory_space<vmem>> -> memref<1x112xi32, #tpu.memory_space<vmem>>
        %dma_start3A_473 = tpu.memref_squeeze %dma_start3A_472 : memref<1x112xi32, #tpu.memory_space<vmem>> -> memref<112xi32, #tpu.memory_space<vmem>>
        %dma_start3A_474 = arith.constant 0 : i32
        %dma_start3A_475 = arith.constant 0 : i32
        %dma_start3A_476 = tpu.memref_slice %arg7[%dma_start3A_474, %dma_start3A_475] : memref<50176x32xf32, #tpu.memory_space<vmem_shared>> -> memref<50176x32xf32, #tpu.memory_space<vmem_shared>>
        tpu.enqueue_indirect_dma source(%arg13 : memref<112x32xf32, #tpu.memory_space<vmem>>) target(%dma_start3A_476 : memref<50176x32xf32, #tpu.memory_space<vmem_shared>>) offsets(%dma_start3A_473 : memref<112xi32, #tpu.memory_space<vmem>>) semaphore(%arg22 : memref<!tpu.dma_semaphore, #tpu.memory_space<semaphore_mem>>) {add = true}
        %dma_wait3A_477 = arith.constant 0 : i32
        %dma_wait3A_478 = arith.constant 0 : i32
        %dma_wait3A_479 = tpu.memref_slice %arg11[%dma_wait3A_477, %dma_wait3A_478] : memref<28x112xi32, #tpu.memory_space<vmem>> -> memref<1x112xi32, #tpu.memory_space<vmem>>
        %dma_wait3A_480 = tpu.memref_squeeze %dma_wait3A_479 : memref<1x112xi32, #tpu.memory_space<vmem>> -> memref<112xi32, #tpu.memory_space<vmem>>
        %dma_wait3A_481 = arith.constant 0 : i32
        %dma_wait3A_482 = arith.constant 0 : i32
        %dma_wait3A_483 = tpu.memref_slice %arg7[%dma_wait3A_481, %dma_wait3A_482] : memref<50176x32xf32, #tpu.memory_space<vmem_shared>> -> memref<50176x32xf32, #tpu.memory_space<vmem_shared>>
        tpu.wait_indirect_dma semaphore(%arg21 : memref<!tpu.dma_semaphore, #tpu.memory_space<semaphore_mem>>) src(%arg12 : memref<112x32xf32, #tpu.memory_space<vmem>>) dst(%dma_wait3A_483 : memref<50176x32xf32, #tpu.memory_space<vmem_shared>>)
        %dma_start3A_484 = arith.constant 4 : i32
        %dma_start3A_485 = arith.constant 0 : i32
        %dma_start3A_486 = tpu.memref_slice %arg10[%dma_start3A_484, %dma_start3A_485] : memref<28x112xi32, #tpu.memory_space<vmem>> -> memref<1x112xi32, #tpu.memory_space<vmem>>
        %dma_start3A_487 = tpu.memref_squeeze %dma_start3A_486 : memref<1x112xi32, #tpu.memory_space<vmem>> -> memref<112xi32, #tpu.memory_space<vmem>>
        %dma_start3A_488 = arith.constant 0 : i32
        %dma_start3A_489 = arith.constant 0 : i32
        %dma_start3A_490 = tpu.memref_slice %arg2[%dma_start3A_488, %dma_start3A_489] : memref<200000x32xf32, #tpu.memory_space<hbm>> -> memref<200000x32xf32, #tpu.memory_space<hbm>>
        tpu.enqueue_indirect_dma source(%dma_start3A_490 : memref<200000x32xf32, #tpu.memory_space<hbm>>) target(%arg12 : memref<112x32xf32, #tpu.memory_space<vmem>>) offsets(%dma_start3A_487 : memref<112xi32, #tpu.memory_space<vmem>>) semaphore(%arg17 : memref<!tpu.dma_semaphore, #tpu.memory_space<semaphore_mem>>)
        %dma_wait3A_491 = arith.constant 2 : i32
        %dma_wait3A_492 = arith.constant 0 : i32
        %dma_wait3A_493 = tpu.memref_slice %arg10[%dma_wait3A_491, %dma_wait3A_492] : memref<28x112xi32, #tpu.memory_space<vmem>> -> memref<1x112xi32, #tpu.memory_space<vmem>>
        %dma_wait3A_494 = tpu.memref_squeeze %dma_wait3A_493 : memref<1x112xi32, #tpu.memory_space<vmem>> -> memref<112xi32, #tpu.memory_space<vmem>>
        %dma_wait3A_495 = arith.constant 0 : i32
        %dma_wait3A_496 = arith.constant 0 : i32
        %dma_wait3A_497 = tpu.memref_slice %arg2[%dma_wait3A_495, %dma_wait3A_496] : memref<200000x32xf32, #tpu.memory_space<hbm>> -> memref<200000x32xf32, #tpu.memory_space<hbm>>
        tpu.wait_indirect_dma semaphore(%arg19 : memref<!tpu.dma_semaphore, #tpu.memory_space<semaphore_mem>>) src(%dma_wait3A_497 : memref<200000x32xf32, #tpu.memory_space<hbm>>) dst(%arg14 : memref<112x32xf32, #tpu.memory_space<vmem>>)
        %dma_start3A_498 = arith.constant 2 : i32
        %dma_start3A_499 = arith.constant 0 : i32
        %dma_start3A_500 = tpu.memref_slice %arg11[%dma_start3A_498, %dma_start3A_499] : memref<28x112xi32, #tpu.memory_space<vmem>> -> memref<1x112xi32, #tpu.memory_space<vmem>>
        %dma_start3A_501 = tpu.memref_squeeze %dma_start3A_500 : memref<1x112xi32, #tpu.memory_space<vmem>> -> memref<112xi32, #tpu.memory_space<vmem>>
        %dma_start3A_502 = arith.constant 0 : i32
        %dma_start3A_503 = arith.constant 0 : i32
        %dma_start3A_504 = tpu.memref_slice %arg7[%dma_start3A_502, %dma_start3A_503] : memref<50176x32xf32, #tpu.memory_space<vmem_shared>> -> memref<50176x32xf32, #tpu.memory_space<vmem_shared>>
        tpu.enqueue_indirect_dma source(%arg14 : memref<112x32xf32, #tpu.memory_space<vmem>>) target(%dma_start3A_504 : memref<50176x32xf32, #tpu.memory_space<vmem_shared>>) offsets(%dma_start3A_501 : memref<112xi32, #tpu.memory_space<vmem>>) semaphore(%arg23 : memref<!tpu.dma_semaphore, #tpu.memory_space<semaphore_mem>>) {add = true}
        %dma_wait3A_505 = arith.constant 1 : i32
        %dma_wait3A_506 = arith.constant 0 : i32
        %dma_wait3A_507 = tpu.memref_slice %arg11[%dma_wait3A_505, %dma_wait3A_506] : memref<28x112xi32, #tpu.memory_space<vmem>> -> memref<1x112xi32, #tpu.memory_space<vmem>>
        %dma_wait3A_508 = tpu.memref_squeeze %dma_wait3A_507 : memref<1x112xi32, #tpu.memory_space<vmem>> -> memref<112xi32, #tpu.memory_space<vmem>>
        %dma_wait3A_509 = arith.constant 0 : i32
        %dma_wait3A_510 = arith.constant 0 : i32
        %dma_wait3A_511 = tpu.memref_slice %arg7[%dma_wait3A_509, %dma_wait3A_510] : memref<50176x32xf32, #tpu.memory_space<vmem_shared>> -> memref<50176x32xf32, #tpu.memory_space<vmem_shared>>
        tpu.wait_indirect_dma semaphore(%arg22 : memref<!tpu.dma_semaphore, #tpu.memory_space<semaphore_mem>>) src(%arg13 : memref<112x32xf32, #tpu.memory_space<vmem>>) dst(%dma_wait3A_511 : memref<50176x32xf32, #tpu.memory_space<vmem_shared>>)
        %dma_start3A_512 = arith.constant 5 : i32
        %dma_start3A_513 = arith.constant 0 : i32
        %dma_start3A_514 = tpu.memref_slice %arg10[%dma_start3A_512, %dma_start3A_513] : memref<28x112xi32, #tpu.memory_space<vmem>> -> memref<1x112xi32, #tpu.memory_space<vmem>>
        %dma_start3A_515 = tpu.memref_squeeze %dma_start3A_514 : memref<1x112xi32, #tpu.memory_space<vmem>> -> memref<112xi32, #tpu.memory_space<vmem>>
        %dma_start3A_516 = arith.constant 0 : i32
        %dma_start3A_517 = arith.constant 0 : i32
        %dma_start3A_518 = tpu.memref_slice %arg2[%dma_start3A_516, %dma_start3A_517] : memref<200000x32xf32, #tpu.memory_space<hbm>> -> memref<200000x32xf32, #tpu.memory_space<hbm>>
        tpu.enqueue_indirect_dma source(%dma_start3A_518 : memref<200000x32xf32, #tpu.memory_space<hbm>>) target(%arg13 : memref<112x32xf32, #tpu.memory_space<vmem>>) offsets(%dma_start3A_515 : memref<112xi32, #tpu.memory_space<vmem>>) semaphore(%arg18 : memref<!tpu.dma_semaphore, #tpu.memory_space<semaphore_mem>>)
        %dma_wait3A_519 = arith.constant 3 : i32
        %dma_wait3A_520 = arith.constant 0 : i32
        %dma_wait3A_521 = tpu.memref_slice %arg10[%dma_wait3A_519, %dma_wait3A_520] : memref<28x112xi32, #tpu.memory_space<vmem>> -> memref<1x112xi32, #tpu.memory_space<vmem>>
        %dma_wait3A_522 = tpu.memref_squeeze %dma_wait3A_521 : memref<1x112xi32, #tpu.memory_space<vmem>> -> memref<112xi32, #tpu.memory_space<vmem>>
        %dma_wait3A_523 = arith.constant 0 : i32
        %dma_wait3A_524 = arith.constant 0 : i32
        %dma_wait3A_525 = tpu.memref_slice %arg2[%dma_wait3A_523, %dma_wait3A_524] : memref<200000x32xf32, #tpu.memory_space<hbm>> -> memref<200000x32xf32, #tpu.memory_space<hbm>>
        tpu.wait_indirect_dma semaphore(%arg20 : memref<!tpu.dma_semaphore, #tpu.memory_space<semaphore_mem>>) src(%dma_wait3A_525 : memref<200000x32xf32, #tpu.memory_space<hbm>>) dst(%arg15 : memref<112x32xf32, #tpu.memory_space<vmem>>)
        %dma_start3A_526 = arith.constant 3 : i32
        %dma_start3A_527 = arith.constant 0 : i32
        %dma_start3A_528 = tpu.memref_slice %arg11[%dma_start3A_526, %dma_start3A_527] : memref<28x112xi32, #tpu.memory_space<vmem>> -> memref<1x112xi32, #tpu.memory_space<vmem>>
        %dma_start3A_529 = tpu.memref_squeeze %dma_start3A_528 : memref<1x112xi32, #tpu.memory_space<vmem>> -> memref<112xi32, #tpu.memory_space<vmem>>
        %dma_start3A_530 = arith.constant 0 : i32
        %dma_start3A_531 = arith.constant 0 : i32
        %dma_start3A_532 = tpu.memref_slice %arg7[%dma_start3A_530, %dma_start3A_531] : memref<50176x32xf32, #tpu.memory_space<vmem_shared>> -> memref<50176x32xf32, #tpu.memory_space<vmem_shared>>
        tpu.enqueue_indirect_dma source(%arg15 : memref<112x32xf32, #tpu.memory_space<vmem>>) target(%dma_start3A_532 : memref<50176x32xf32, #tpu.memory_space<vmem_shared>>) offsets(%dma_start3A_529 : memref<112xi32, #tpu.memory_space<vmem>>) semaphore(%arg24 : memref<!tpu.dma_semaphore, #tpu.memory_space<semaphore_mem>>) {add = true}
        %dma_wait3A_533 = arith.constant 2 : i32
        %dma_wait3A_534 = arith.constant 0 : i32
        %dma_wait3A_535 = tpu.memref_slice %arg11[%dma_wait3A_533, %dma_wait3A_534] : memref<28x112xi32, #tpu.memory_space<vmem>> -> memref<1x112xi32, #tpu.memory_space<vmem>>
        %dma_wait3A_536 = tpu.memref_squeeze %dma_wait3A_535 : memref<1x112xi32, #tpu.memory_space<vmem>> -> memref<112xi32, #tpu.memory_space<vmem>>
        %dma_wait3A_537 = arith.constant 0 : i32
        %dma_wait3A_538 = arith.constant 0 : i32
        %dma_wait3A_539 = tpu.memref_slice %arg7[%dma_wait3A_537, %dma_wait3A_538] : memref<50176x32xf32, #tpu.memory_space<vmem_shared>> -> memref<50176x32xf32, #tpu.memory_space<vmem_shared>>
        tpu.wait_indirect_dma semaphore(%arg23 : memref<!tpu.dma_semaphore, #tpu.memory_space<semaphore_mem>>) src(%arg14 : memref<112x32xf32, #tpu.memory_space<vmem>>) dst(%dma_wait3A_539 : memref<50176x32xf32, #tpu.memory_space<vmem_shared>>)
        %dma_start3A_540 = arith.constant 6 : i32
        %dma_start3A_541 = arith.constant 0 : i32
        %dma_start3A_542 = tpu.memref_slice %arg10[%dma_start3A_540, %dma_start3A_541] : memref<28x112xi32, #tpu.memory_space<vmem>> -> memref<1x112xi32, #tpu.memory_space<vmem>>
        %dma_start3A_543 = tpu.memref_squeeze %dma_start3A_542 : memref<1x112xi32, #tpu.memory_space<vmem>> -> memref<112xi32, #tpu.memory_space<vmem>>
        %dma_start3A_544 = arith.constant 0 : i32
        %dma_start3A_545 = arith.constant 0 : i32
        %dma_start3A_546 = tpu.memref_slice %arg2[%dma_start3A_544, %dma_start3A_545] : memref<200000x32xf32, #tpu.memory_space<hbm>> -> memref<200000x32xf32, #tpu.memory_space<hbm>>
        tpu.enqueue_indirect_dma source(%dma_start3A_546 : memref<200000x32xf32, #tpu.memory_space<hbm>>) target(%arg14 : memref<112x32xf32, #tpu.memory_space<vmem>>) offsets(%dma_start3A_543 : memref<112xi32, #tpu.memory_space<vmem>>) semaphore(%arg19 : memref<!tpu.dma_semaphore, #tpu.memory_space<semaphore_mem>>)
        %scan3A_547 = arith.constant 0 : i32
        %scan3A_548 = arith.constant 5 : i32
        %scan3A_549 = arith.addi %scan3A_547, %scan3A_548 : i32
        %scan3A_550 = arith.constant 1 : i32
        scf.for %scan3A_650 = %scan3A_547 to %scan3A_549 step %scan3A_550  : i32 {
          %mul3A_651 = arith.constant 1 : i32
          %mul3A_652 = arith.muli %scan3A_650, %mul3A_651 : i32
          %add3A_653 = arith.constant 1 : i32
          %add3A_654 = arith.addi %add3A_653, %mul3A_652 : i32
          %mul3A_655 = arith.constant 4 : i32
          %mul3A_656 = arith.muli %mul3A_655, %add3A_654 : i32
          %add3A_657 = arith.constant 0 : i32
          %add3A_658 = arith.addi %mul3A_656, %add3A_657 : i32
          %dma_wait3A_659 = arith.constant 0 : i32
          %dma_wait3A_660 = tpu.memref_slice %arg10[%add3A_658, %dma_wait3A_659] : memref<28x112xi32, #tpu.memory_space<vmem>> -> memref<1x112xi32, #tpu.memory_space<vmem>>
          %dma_wait3A_661 = tpu.memref_squeeze %dma_wait3A_660 : memref<1x112xi32, #tpu.memory_space<vmem>> -> memref<112xi32, #tpu.memory_space<vmem>>
          %dma_wait3A_662 = arith.constant 0 : i32
          %dma_wait3A_663 = arith.constant 0 : i32
          %dma_wait3A_664 = tpu.memref_slice %arg2[%dma_wait3A_662, %dma_wait3A_663] : memref<200000x32xf32, #tpu.memory_space<hbm>> -> memref<200000x32xf32, #tpu.memory_space<hbm>>
          tpu.wait_indirect_dma semaphore(%arg17 : memref<!tpu.dma_semaphore, #tpu.memory_space<semaphore_mem>>) src(%dma_wait3A_664 : memref<200000x32xf32, #tpu.memory_space<hbm>>) dst(%arg12 : memref<112x32xf32, #tpu.memory_space<vmem>>)
          %dma_start3A_665 = arith.constant 0 : i32
          %dma_start3A_666 = tpu.memref_slice %arg11[%add3A_658, %dma_start3A_665] : memref<28x112xi32, #tpu.memory_space<vmem>> -> memref<1x112xi32, #tpu.memory_space<vmem>>
          %dma_start3A_667 = tpu.memref_squeeze %dma_start3A_666 : memref<1x112xi32, #tpu.memory_space<vmem>> -> memref<112xi32, #tpu.memory_space<vmem>>
          %dma_start3A_668 = arith.constant 0 : i32
          %dma_start3A_669 = arith.constant 0 : i32
          %dma_start3A_670 = tpu.memref_slice %arg7[%dma_start3A_668, %dma_start3A_669] : memref<50176x32xf32, #tpu.memory_space<vmem_shared>> -> memref<50176x32xf32, #tpu.memory_space<vmem_shared>>
          tpu.enqueue_indirect_dma source(%arg12 : memref<112x32xf32, #tpu.memory_space<vmem>>) target(%dma_start3A_670 : memref<50176x32xf32, #tpu.memory_space<vmem_shared>>) offsets(%dma_start3A_667 : memref<112xi32, #tpu.memory_space<vmem>>) semaphore(%arg21 : memref<!tpu.dma_semaphore, #tpu.memory_space<semaphore_mem>>) {add = true}
          %sub3A_671 = arith.constant 1 : i32
          %sub3A_672 = arith.subi %add3A_658, %sub3A_671 : i32
          %dma_wait3A_673 = arith.constant 0 : i32
          %dma_wait3A_674 = tpu.memref_slice %arg11[%sub3A_672, %dma_wait3A_673] : memref<28x112xi32, #tpu.memory_space<vmem>> -> memref<1x112xi32, #tpu.memory_space<vmem>>
          %dma_wait3A_675 = tpu.memref_squeeze %dma_wait3A_674 : memref<1x112xi32, #tpu.memory_space<vmem>> -> memref<112xi32, #tpu.memory_space<vmem>>
          %dma_wait3A_676 = arith.constant 0 : i32
          %dma_wait3A_677 = arith.constant 0 : i32
          %dma_wait3A_678 = tpu.memref_slice %arg7[%dma_wait3A_676, %dma_wait3A_677] : memref<50176x32xf32, #tpu.memory_space<vmem_shared>> -> memref<50176x32xf32, #tpu.memory_space<vmem_shared>>
          tpu.wait_indirect_dma semaphore(%arg24 : memref<!tpu.dma_semaphore, #tpu.memory_space<semaphore_mem>>) src(%arg15 : memref<112x32xf32, #tpu.memory_space<vmem>>) dst(%dma_wait3A_678 : memref<50176x32xf32, #tpu.memory_space<vmem_shared>>)
          %add3A_679 = arith.constant 3 : i32
          %add3A_680 = arith.addi %add3A_658, %add3A_679 : i32
          %dma_start3A_681 = arith.constant 0 : i32
          %dma_start3A_682 = tpu.memref_slice %arg10[%add3A_680, %dma_start3A_681] : memref<28x112xi32, #tpu.memory_space<vmem>> -> memref<1x112xi32, #tpu.memory_space<vmem>>
          %dma_start3A_683 = tpu.memref_squeeze %dma_start3A_682 : memref<1x112xi32, #tpu.memory_space<vmem>> -> memref<112xi32, #tpu.memory_space<vmem>>
          %dma_start3A_684 = arith.constant 0 : i32
          %dma_start3A_685 = arith.constant 0 : i32
          %dma_start3A_686 = tpu.memref_slice %arg2[%dma_start3A_684, %dma_start3A_685] : memref<200000x32xf32, #tpu.memory_space<hbm>> -> memref<200000x32xf32, #tpu.memory_space<hbm>>
          tpu.enqueue_indirect_dma source(%dma_start3A_686 : memref<200000x32xf32, #tpu.memory_space<hbm>>) target(%arg15 : memref<112x32xf32, #tpu.memory_space<vmem>>) offsets(%dma_start3A_683 : memref<112xi32, #tpu.memory_space<vmem>>) semaphore(%arg20 : memref<!tpu.dma_semaphore, #tpu.memory_space<semaphore_mem>>)
          %mul3A_687 = arith.constant 4 : i32
          %mul3A_688 = arith.muli %mul3A_687, %add3A_654 : i32
          %add3A_689 = arith.constant 1 : i32
          %add3A_690 = arith.addi %mul3A_688, %add3A_689 : i32
          %dma_wait3A_691 = arith.constant 0 : i32
          %dma_wait3A_692 = tpu.memref_slice %arg10[%add3A_690, %dma_wait3A_691] : memref<28x112xi32, #tpu.memory_space<vmem>> -> memref<1x112xi32, #tpu.memory_space<vmem>>
          %dma_wait3A_693 = tpu.memref_squeeze %dma_wait3A_692 : memref<1x112xi32, #tpu.memory_space<vmem>> -> memref<112xi32, #tpu.memory_space<vmem>>
          %dma_wait3A_694 = arith.constant 0 : i32
          %dma_wait3A_695 = arith.constant 0 : i32
          %dma_wait3A_696 = tpu.memref_slice %arg2[%dma_wait3A_694, %dma_wait3A_695] : memref<200000x32xf32, #tpu.memory_space<hbm>> -> memref<200000x32xf32, #tpu.memory_space<hbm>>
          tpu.wait_indirect_dma semaphore(%arg18 : memref<!tpu.dma_semaphore, #tpu.memory_space<semaphore_mem>>) src(%dma_wait3A_696 : memref<200000x32xf32, #tpu.memory_space<hbm>>) dst(%arg13 : memref<112x32xf32, #tpu.memory_space<vmem>>)
          %dma_start3A_697 = arith.constant 0 : i32
          %dma_start3A_698 = tpu.memref_slice %arg11[%add3A_690, %dma_start3A_697] : memref<28x112xi32, #tpu.memory_space<vmem>> -> memref<1x112xi32, #tpu.memory_space<vmem>>
          %dma_start3A_699 = tpu.memref_squeeze %dma_start3A_698 : memref<1x112xi32, #tpu.memory_space<vmem>> -> memref<112xi32, #tpu.memory_space<vmem>>
          %dma_start3A_700 = arith.constant 0 : i32
          %dma_start3A_701 = arith.constant 0 : i32
          %dma_start3A_702 = tpu.memref_slice %arg7[%dma_start3A_700, %dma_start3A_701] : memref<50176x32xf32, #tpu.memory_space<vmem_shared>> -> memref<50176x32xf32, #tpu.memory_space<vmem_shared>>
          tpu.enqueue_indirect_dma source(%arg13 : memref<112x32xf32, #tpu.memory_space<vmem>>) target(%dma_start3A_702 : memref<50176x32xf32, #tpu.memory_space<vmem_shared>>) offsets(%dma_start3A_699 : memref<112xi32, #tpu.memory_space<vmem>>) semaphore(%arg22 : memref<!tpu.dma_semaphore, #tpu.memory_space<semaphore_mem>>) {add = true}
          %sub3A_703 = arith.constant 1 : i32
          %sub3A_704 = arith.subi %add3A_690, %sub3A_703 : i32
          %dma_wait3A_705 = arith.constant 0 : i32
          %dma_wait3A_706 = tpu.memref_slice %arg11[%sub3A_704, %dma_wait3A_705] : memref<28x112xi32, #tpu.memory_space<vmem>> -> memref<1x112xi32, #tpu.memory_space<vmem>>
          %dma_wait3A_707 = tpu.memref_squeeze %dma_wait3A_706 : memref<1x112xi32, #tpu.memory_space<vmem>> -> memref<112xi32, #tpu.memory_space<vmem>>
          %dma_wait3A_708 = arith.constant 0 : i32
          %dma_wait3A_709 = arith.constant 0 : i32
          %dma_wait3A_710 = tpu.memref_slice %arg7[%dma_wait3A_708, %dma_wait3A_709] : memref<50176x32xf32, #tpu.memory_space<vmem_shared>> -> memref<50176x32xf32, #tpu.memory_space<vmem_shared>>
          tpu.wait_indirect_dma semaphore(%arg21 : memref<!tpu.dma_semaphore, #tpu.memory_space<semaphore_mem>>) src(%arg12 : memref<112x32xf32, #tpu.memory_space<vmem>>) dst(%dma_wait3A_710 : memref<50176x32xf32, #tpu.memory_space<vmem_shared>>)
          %add3A_711 = arith.constant 3 : i32
          %add3A_712 = arith.addi %add3A_690, %add3A_711 : i32
          %dma_start3A_713 = arith.constant 0 : i32
          %dma_start3A_714 = tpu.memref_slice %arg10[%add3A_712, %dma_start3A_713] : memref<28x112xi32, #tpu.memory_space<vmem>> -> memref<1x112xi32, #tpu.memory_space<vmem>>
          %dma_start3A_715 = tpu.memref_squeeze %dma_start3A_714 : memref<1x112xi32, #tpu.memory_space<vmem>> -> memref<112xi32, #tpu.memory_space<vmem>>
          %dma_start3A_716 = arith.constant 0 : i32
          %dma_start3A_717 = arith.constant 0 : i32
          %dma_start3A_718 = tpu.memref_slice %arg2[%dma_start3A_716, %dma_start3A_717] : memref<200000x32xf32, #tpu.memory_space<hbm>> -> memref<200000x32xf32, #tpu.memory_space<hbm>>
          tpu.enqueue_indirect_dma source(%dma_start3A_718 : memref<200000x32xf32, #tpu.memory_space<hbm>>) target(%arg12 : memref<112x32xf32, #tpu.memory_space<vmem>>) offsets(%dma_start3A_715 : memref<112xi32, #tpu.memory_space<vmem>>) semaphore(%arg17 : memref<!tpu.dma_semaphore, #tpu.memory_space<semaphore_mem>>)
          %mul3A_719 = arith.constant 4 : i32
          %mul3A_720 = arith.muli %mul3A_719, %add3A_654 : i32
          %add3A_721 = arith.constant 2 : i32
          %add3A_722 = arith.addi %mul3A_720, %add3A_721 : i32
          %dma_wait3A_723 = arith.constant 0 : i32
          %dma_wait3A_724 = tpu.memref_slice %arg10[%add3A_722, %dma_wait3A_723] : memref<28x112xi32, #tpu.memory_space<vmem>> -> memref<1x112xi32, #tpu.memory_space<vmem>>
          %dma_wait3A_725 = tpu.memref_squeeze %dma_wait3A_724 : memref<1x112xi32, #tpu.memory_space<vmem>> -> memref<112xi32, #tpu.memory_space<vmem>>
          %dma_wait3A_726 = arith.constant 0 : i32
          %dma_wait3A_727 = arith.constant 0 : i32
          %dma_wait3A_728 = tpu.memref_slice %arg2[%dma_wait3A_726, %dma_wait3A_727] : memref<200000x32xf32, #tpu.memory_space<hbm>> -> memref<200000x32xf32, #tpu.memory_space<hbm>>
          tpu.wait_indirect_dma semaphore(%arg19 : memref<!tpu.dma_semaphore, #tpu.memory_space<semaphore_mem>>) src(%dma_wait3A_728 : memref<200000x32xf32, #tpu.memory_space<hbm>>) dst(%arg14 : memref<112x32xf32, #tpu.memory_space<vmem>>)
          %dma_start3A_729 = arith.constant 0 : i32
          %dma_start3A_730 = tpu.memref_slice %arg11[%add3A_722, %dma_start3A_729] : memref<28x112xi32, #tpu.memory_space<vmem>> -> memref<1x112xi32, #tpu.memory_space<vmem>>
          %dma_start3A_731 = tpu.memref_squeeze %dma_start3A_730 : memref<1x112xi32, #tpu.memory_space<vmem>> -> memref<112xi32, #tpu.memory_space<vmem>>
          %dma_start3A_732 = arith.constant 0 : i32
          %dma_start3A_733 = arith.constant 0 : i32
          %dma_start3A_734 = tpu.memref_slice %arg7[%dma_start3A_732, %dma_start3A_733] : memref<50176x32xf32, #tpu.memory_space<vmem_shared>> -> memref<50176x32xf32, #tpu.memory_space<vmem_shared>>
          tpu.enqueue_indirect_dma source(%arg14 : memref<112x32xf32, #tpu.memory_space<vmem>>) target(%dma_start3A_734 : memref<50176x32xf32, #tpu.memory_space<vmem_shared>>) offsets(%dma_start3A_731 : memref<112xi32, #tpu.memory_space<vmem>>) semaphore(%arg23 : memref<!tpu.dma_semaphore, #tpu.memory_space<semaphore_mem>>) {add = true}
          %sub3A_735 = arith.constant 1 : i32
          %sub3A_736 = arith.subi %add3A_722, %sub3A_735 : i32
          %dma_wait3A_737 = arith.constant 0 : i32
          %dma_wait3A_738 = tpu.memref_slice %arg11[%sub3A_736, %dma_wait3A_737] : memref<28x112xi32, #tpu.memory_space<vmem>> -> memref<1x112xi32, #tpu.memory_space<vmem>>
          %dma_wait3A_739 = tpu.memref_squeeze %dma_wait3A_738 : memref<1x112xi32, #tpu.memory_space<vmem>> -> memref<112xi32, #tpu.memory_space<vmem>>
          %dma_wait3A_740 = arith.constant 0 : i32
          %dma_wait3A_741 = arith.constant 0 : i32
          %dma_wait3A_742 = tpu.memref_slice %arg7[%dma_wait3A_740, %dma_wait3A_741] : memref<50176x32xf32, #tpu.memory_space<vmem_shared>> -> memref<50176x32xf32, #tpu.memory_space<vmem_shared>>
          tpu.wait_indirect_dma semaphore(%arg22 : memref<!tpu.dma_semaphore, #tpu.memory_space<semaphore_mem>>) src(%arg13 : memref<112x32xf32, #tpu.memory_space<vmem>>) dst(%dma_wait3A_742 : memref<50176x32xf32, #tpu.memory_space<vmem_shared>>)
          %add3A_743 = arith.constant 3 : i32
          %add3A_744 = arith.addi %add3A_722, %add3A_743 : i32
          %dma_start3A_745 = arith.constant 0 : i32
          %dma_start3A_746 = tpu.memref_slice %arg10[%add3A_744, %dma_start3A_745] : memref<28x112xi32, #tpu.memory_space<vmem>> -> memref<1x112xi32, #tpu.memory_space<vmem>>
          %dma_start3A_747 = tpu.memref_squeeze %dma_start3A_746 : memref<1x112xi32, #tpu.memory_space<vmem>> -> memref<112xi32, #tpu.memory_space<vmem>>
          %dma_start3A_748 = arith.constant 0 : i32
          %dma_start3A_749 = arith.constant 0 : i32
          %dma_start3A_750 = tpu.memref_slice %arg2[%dma_start3A_748, %dma_start3A_749] : memref<200000x32xf32, #tpu.memory_space<hbm>> -> memref<200000x32xf32, #tpu.memory_space<hbm>>
          tpu.enqueue_indirect_dma source(%dma_start3A_750 : memref<200000x32xf32, #tpu.memory_space<hbm>>) target(%arg13 : memref<112x32xf32, #tpu.memory_space<vmem>>) offsets(%dma_start3A_747 : memref<112xi32, #tpu.memory_space<vmem>>) semaphore(%arg18 : memref<!tpu.dma_semaphore, #tpu.memory_space<semaphore_mem>>)
          %mul3A_751 = arith.constant 4 : i32
          %mul3A_752 = arith.muli %mul3A_751, %add3A_654 : i32
          %add3A_753 = arith.constant 3 : i32
          %add3A_754 = arith.addi %mul3A_752, %add3A_753 : i32
          %dma_wait3A_755 = arith.constant 0 : i32
          %dma_wait3A_756 = tpu.memref_slice %arg10[%add3A_754, %dma_wait3A_755] : memref<28x112xi32, #tpu.memory_space<vmem>> -> memref<1x112xi32, #tpu.memory_space<vmem>>
          %dma_wait3A_757 = tpu.memref_squeeze %dma_wait3A_756 : memref<1x112xi32, #tpu.memory_space<vmem>> -> memref<112xi32, #tpu.memory_space<vmem>>
          %dma_wait3A_758 = arith.constant 0 : i32
          %dma_wait3A_759 = arith.constant 0 : i32
          %dma_wait3A_760 = tpu.memref_slice %arg2[%dma_wait3A_758, %dma_wait3A_759] : memref<200000x32xf32, #tpu.memory_space<hbm>> -> memref<200000x32xf32, #tpu.memory_space<hbm>>
          tpu.wait_indirect_dma semaphore(%arg20 : memref<!tpu.dma_semaphore, #tpu.memory_space<semaphore_mem>>) src(%dma_wait3A_760 : memref<200000x32xf32, #tpu.memory_space<hbm>>) dst(%arg15 : memref<112x32xf32, #tpu.memory_space<vmem>>)
          %dma_start3A_761 = arith.constant 0 : i32
          %dma_start3A_762 = tpu.memref_slice %arg11[%add3A_754, %dma_start3A_761] : memref<28x112xi32, #tpu.memory_space<vmem>> -> memref<1x112xi32, #tpu.memory_space<vmem>>
          %dma_start3A_763 = tpu.memref_squeeze %dma_start3A_762 : memref<1x112xi32, #tpu.memory_space<vmem>> -> memref<112xi32, #tpu.memory_space<vmem>>
          %dma_start3A_764 = arith.constant 0 : i32
          %dma_start3A_765 = arith.constant 0 : i32
          %dma_start3A_766 = tpu.memref_slice %arg7[%dma_start3A_764, %dma_start3A_765] : memref<50176x32xf32, #tpu.memory_space<vmem_shared>> -> memref<50176x32xf32, #tpu.memory_space<vmem_shared>>
          tpu.enqueue_indirect_dma source(%arg15 : memref<112x32xf32, #tpu.memory_space<vmem>>) target(%dma_start3A_766 : memref<50176x32xf32, #tpu.memory_space<vmem_shared>>) offsets(%dma_start3A_763 : memref<112xi32, #tpu.memory_space<vmem>>) semaphore(%arg24 : memref<!tpu.dma_semaphore, #tpu.memory_space<semaphore_mem>>) {add = true}
          %sub3A_767 = arith.constant 1 : i32
          %sub3A_768 = arith.subi %add3A_754, %sub3A_767 : i32
          %dma_wait3A_769 = arith.constant 0 : i32
          %dma_wait3A_770 = tpu.memref_slice %arg11[%sub3A_768, %dma_wait3A_769] : memref<28x112xi32, #tpu.memory_space<vmem>> -> memref<1x112xi32, #tpu.memory_space<vmem>>
          %dma_wait3A_771 = tpu.memref_squeeze %dma_wait3A_770 : memref<1x112xi32, #tpu.memory_space<vmem>> -> memref<112xi32, #tpu.memory_space<vmem>>
          %dma_wait3A_772 = arith.constant 0 : i32
          %dma_wait3A_773 = arith.constant 0 : i32
          %dma_wait3A_774 = tpu.memref_slice %arg7[%dma_wait3A_772, %dma_wait3A_773] : memref<50176x32xf32, #tpu.memory_space<vmem_shared>> -> memref<50176x32xf32, #tpu.memory_space<vmem_shared>>
          tpu.wait_indirect_dma semaphore(%arg23 : memref<!tpu.dma_semaphore, #tpu.memory_space<semaphore_mem>>) src(%arg14 : memref<112x32xf32, #tpu.memory_space<vmem>>) dst(%dma_wait3A_774 : memref<50176x32xf32, #tpu.memory_space<vmem_shared>>)
          %add3A_775 = arith.constant 3 : i32
          %add3A_776 = arith.addi %add3A_754, %add3A_775 : i32
          %dma_start3A_777 = arith.constant 0 : i32
          %dma_start3A_778 = tpu.memref_slice %arg10[%add3A_776, %dma_start3A_777] : memref<28x112xi32, #tpu.memory_space<vmem>> -> memref<1x112xi32, #tpu.memory_space<vmem>>
          %dma_start3A_779 = tpu.memref_squeeze %dma_start3A_778 : memref<1x112xi32, #tpu.memory_space<vmem>> -> memref<112xi32, #tpu.memory_space<vmem>>
          %dma_start3A_780 = arith.constant 0 : i32
          %dma_start3A_781 = arith.constant 0 : i32
          %dma_start3A_782 = tpu.memref_slice %arg2[%dma_start3A_780, %dma_start3A_781] : memref<200000x32xf32, #tpu.memory_space<hbm>> -> memref<200000x32xf32, #tpu.memory_space<hbm>>
          tpu.enqueue_indirect_dma source(%dma_start3A_782 : memref<200000x32xf32, #tpu.memory_space<hbm>>) target(%arg14 : memref<112x32xf32, #tpu.memory_space<vmem>>) offsets(%dma_start3A_779 : memref<112xi32, #tpu.memory_space<vmem>>) semaphore(%arg19 : memref<!tpu.dma_semaphore, #tpu.memory_space<semaphore_mem>>)
        }
        %scan3A_551 = arith.constant 5 : i32
        %dma_wait3A_552 = arith.constant 24 : i32
        %dma_wait3A_553 = arith.constant 0 : i32
        %dma_wait3A_554 = tpu.memref_slice %arg10[%dma_wait3A_552, %dma_wait3A_553] : memref<28x112xi32, #tpu.memory_space<vmem>> -> memref<1x112xi32, #tpu.memory_space<vmem>>
        %dma_wait3A_555 = tpu.memref_squeeze %dma_wait3A_554 : memref<1x112xi32, #tpu.memory_space<vmem>> -> memref<112xi32, #tpu.memory_space<vmem>>
        %dma_wait3A_556 = arith.constant 0 : i32
        %dma_wait3A_557 = arith.constant 0 : i32
        %dma_wait3A_558 = tpu.memref_slice %arg2[%dma_wait3A_556, %dma_wait3A_557] : memref<200000x32xf32, #tpu.memory_space<hbm>> -> memref<200000x32xf32, #tpu.memory_space<hbm>>
        tpu.wait_indirect_dma semaphore(%arg17 : memref<!tpu.dma_semaphore, #tpu.memory_space<semaphore_mem>>) src(%dma_wait3A_558 : memref<200000x32xf32, #tpu.memory_space<hbm>>) dst(%arg12 : memref<112x32xf32, #tpu.memory_space<vmem>>)
        %dma_start3A_559 = arith.constant 24 : i32
        %dma_start3A_560 = arith.constant 0 : i32
        %dma_start3A_561 = tpu.memref_slice %arg11[%dma_start3A_559, %dma_start3A_560] : memref<28x112xi32, #tpu.memory_space<vmem>> -> memref<1x112xi32, #tpu.memory_space<vmem>>
        %dma_start3A_562 = tpu.memref_squeeze %dma_start3A_561 : memref<1x112xi32, #tpu.memory_space<vmem>> -> memref<112xi32, #tpu.memory_space<vmem>>
        %dma_start3A_563 = arith.constant 0 : i32
        %dma_start3A_564 = arith.constant 0 : i32
        %dma_start3A_565 = tpu.memref_slice %arg7[%dma_start3A_563, %dma_start3A_564] : memref<50176x32xf32, #tpu.memory_space<vmem_shared>> -> memref<50176x32xf32, #tpu.memory_space<vmem_shared>>
        tpu.enqueue_indirect_dma source(%arg12 : memref<112x32xf32, #tpu.memory_space<vmem>>) target(%dma_start3A_565 : memref<50176x32xf32, #tpu.memory_space<vmem_shared>>) offsets(%dma_start3A_562 : memref<112xi32, #tpu.memory_space<vmem>>) semaphore(%arg21 : memref<!tpu.dma_semaphore, #tpu.memory_space<semaphore_mem>>) {add = true}
        %dma_wait3A_566 = arith.constant 23 : i32
        %dma_wait3A_567 = arith.constant 0 : i32
        %dma_wait3A_568 = tpu.memref_slice %arg11[%dma_wait3A_566, %dma_wait3A_567] : memref<28x112xi32, #tpu.memory_space<vmem>> -> memref<1x112xi32, #tpu.memory_space<vmem>>
        %dma_wait3A_569 = tpu.memref_squeeze %dma_wait3A_568 : memref<1x112xi32, #tpu.memory_space<vmem>> -> memref<112xi32, #tpu.memory_space<vmem>>
        %dma_wait3A_570 = arith.constant 0 : i32
        %dma_wait3A_571 = arith.constant 0 : i32
        %dma_wait3A_572 = tpu.memref_slice %arg7[%dma_wait3A_570, %dma_wait3A_571] : memref<50176x32xf32, #tpu.memory_space<vmem_shared>> -> memref<50176x32xf32, #tpu.memory_space<vmem_shared>>
        tpu.wait_indirect_dma semaphore(%arg24 : memref<!tpu.dma_semaphore, #tpu.memory_space<semaphore_mem>>) src(%arg15 : memref<112x32xf32, #tpu.memory_space<vmem>>) dst(%dma_wait3A_572 : memref<50176x32xf32, #tpu.memory_space<vmem_shared>>)
        %dma_start3A_573 = arith.constant 27 : i32
        %dma_start3A_574 = arith.constant 0 : i32
        %dma_start3A_575 = tpu.memref_slice %arg10[%dma_start3A_573, %dma_start3A_574] : memref<28x112xi32, #tpu.memory_space<vmem>> -> memref<1x112xi32, #tpu.memory_space<vmem>>
        %dma_start3A_576 = tpu.memref_squeeze %dma_start3A_575 : memref<1x112xi32, #tpu.memory_space<vmem>> -> memref<112xi32, #tpu.memory_space<vmem>>
        %dma_start3A_577 = arith.constant 0 : i32
        %dma_start3A_578 = arith.constant 0 : i32
        %dma_start3A_579 = tpu.memref_slice %arg2[%dma_start3A_577, %dma_start3A_578] : memref<200000x32xf32, #tpu.memory_space<hbm>> -> memref<200000x32xf32, #tpu.memory_space<hbm>>
        tpu.enqueue_indirect_dma source(%dma_start3A_579 : memref<200000x32xf32, #tpu.memory_space<hbm>>) target(%arg15 : memref<112x32xf32, #tpu.memory_space<vmem>>) offsets(%dma_start3A_576 : memref<112xi32, #tpu.memory_space<vmem>>) semaphore(%arg20 : memref<!tpu.dma_semaphore, #tpu.memory_space<semaphore_mem>>)
        %dma_wait3A_580 = arith.constant 25 : i32
        %dma_wait3A_581 = arith.constant 0 : i32
        %dma_wait3A_582 = tpu.memref_slice %arg10[%dma_wait3A_580, %dma_wait3A_581] : memref<28x112xi32, #tpu.memory_space<vmem>> -> memref<1x112xi32, #tpu.memory_space<vmem>>
        %dma_wait3A_583 = tpu.memref_squeeze %dma_wait3A_582 : memref<1x112xi32, #tpu.memory_space<vmem>> -> memref<112xi32, #tpu.memory_space<vmem>>
        %dma_wait3A_584 = arith.constant 0 : i32
        %dma_wait3A_585 = arith.constant 0 : i32
        %dma_wait3A_586 = tpu.memref_slice %arg2[%dma_wait3A_584, %dma_wait3A_585] : memref<200000x32xf32, #tpu.memory_space<hbm>> -> memref<200000x32xf32, #tpu.memory_space<hbm>>
        tpu.wait_indirect_dma semaphore(%arg18 : memref<!tpu.dma_semaphore, #tpu.memory_space<semaphore_mem>>) src(%dma_wait3A_586 : memref<200000x32xf32, #tpu.memory_space<hbm>>) dst(%arg13 : memref<112x32xf32, #tpu.memory_space<vmem>>)
        %dma_start3A_587 = arith.constant 25 : i32
        %dma_start3A_588 = arith.constant 0 : i32
        %dma_start3A_589 = tpu.memref_slice %arg11[%dma_start3A_587, %dma_start3A_588] : memref<28x112xi32, #tpu.memory_space<vmem>> -> memref<1x112xi32, #tpu.memory_space<vmem>>
        %dma_start3A_590 = tpu.memref_squeeze %dma_start3A_589 : memref<1x112xi32, #tpu.memory_space<vmem>> -> memref<112xi32, #tpu.memory_space<vmem>>
        %dma_start3A_591 = arith.constant 0 : i32
        %dma_start3A_592 = arith.constant 0 : i32
        %dma_start3A_593 = tpu.memref_slice %arg7[%dma_start3A_591, %dma_start3A_592] : memref<50176x32xf32, #tpu.memory_space<vmem_shared>> -> memref<50176x32xf32, #tpu.memory_space<vmem_shared>>
        tpu.enqueue_indirect_dma source(%arg13 : memref<112x32xf32, #tpu.memory_space<vmem>>) target(%dma_start3A_593 : memref<50176x32xf32, #tpu.memory_space<vmem_shared>>) offsets(%dma_start3A_590 : memref<112xi32, #tpu.memory_space<vmem>>) semaphore(%arg22 : memref<!tpu.dma_semaphore, #tpu.memory_space<semaphore_mem>>) {add = true}
        %dma_wait3A_594 = arith.constant 24 : i32
        %dma_wait3A_595 = arith.constant 0 : i32
        %dma_wait3A_596 = tpu.memref_slice %arg11[%dma_wait3A_594, %dma_wait3A_595] : memref<28x112xi32, #tpu.memory_space<vmem>> -> memref<1x112xi32, #tpu.memory_space<vmem>>
        %dma_wait3A_597 = tpu.memref_squeeze %dma_wait3A_596 : memref<1x112xi32, #tpu.memory_space<vmem>> -> memref<112xi32, #tpu.memory_space<vmem>>
        %dma_wait3A_598 = arith.constant 0 : i32
        %dma_wait3A_599 = arith.constant 0 : i32
        %dma_wait3A_600 = tpu.memref_slice %arg7[%dma_wait3A_598, %dma_wait3A_599] : memref<50176x32xf32, #tpu.memory_space<vmem_shared>> -> memref<50176x32xf32, #tpu.memory_space<vmem_shared>>
        tpu.wait_indirect_dma semaphore(%arg21 : memref<!tpu.dma_semaphore, #tpu.memory_space<semaphore_mem>>) src(%arg12 : memref<112x32xf32, #tpu.memory_space<vmem>>) dst(%dma_wait3A_600 : memref<50176x32xf32, #tpu.memory_space<vmem_shared>>)
        %dma_wait3A_601 = arith.constant 26 : i32
        %dma_wait3A_602 = arith.constant 0 : i32
        %dma_wait3A_603 = tpu.memref_slice %arg10[%dma_wait3A_601, %dma_wait3A_602] : memref<28x112xi32, #tpu.memory_space<vmem>> -> memref<1x112xi32, #tpu.memory_space<vmem>>
        %dma_wait3A_604 = tpu.memref_squeeze %dma_wait3A_603 : memref<1x112xi32, #tpu.memory_space<vmem>> -> memref<112xi32, #tpu.memory_space<vmem>>
        %dma_wait3A_605 = arith.constant 0 : i32
        %dma_wait3A_606 = arith.constant 0 : i32
        %dma_wait3A_607 = tpu.memref_slice %arg2[%dma_wait3A_605, %dma_wait3A_606] : memref<200000x32xf32, #tpu.memory_space<hbm>> -> memref<200000x32xf32, #tpu.memory_space<hbm>>
        tpu.wait_indirect_dma semaphore(%arg19 : memref<!tpu.dma_semaphore, #tpu.memory_space<semaphore_mem>>) src(%dma_wait3A_607 : memref<200000x32xf32, #tpu.memory_space<hbm>>) dst(%arg14 : memref<112x32xf32, #tpu.memory_space<vmem>>)
        %dma_start3A_608 = arith.constant 26 : i32
        %dma_start3A_609 = arith.constant 0 : i32
        %dma_start3A_610 = tpu.memref_slice %arg11[%dma_start3A_608, %dma_start3A_609] : memref<28x112xi32, #tpu.memory_space<vmem>> -> memref<1x112xi32, #tpu.memory_space<vmem>>
        %dma_start3A_611 = tpu.memref_squeeze %dma_start3A_610 : memref<1x112xi32, #tpu.memory_space<vmem>> -> memref<112xi32, #tpu.memory_space<vmem>>
        %dma_start3A_612 = arith.constant 0 : i32
        %dma_start3A_613 = arith.constant 0 : i32
        %dma_start3A_614 = tpu.memref_slice %arg7[%dma_start3A_612, %dma_start3A_613] : memref<50176x32xf32, #tpu.memory_space<vmem_shared>> -> memref<50176x32xf32, #tpu.memory_space<vmem_shared>>
        tpu.enqueue_indirect_dma source(%arg14 : memref<112x32xf32, #tpu.memory_space<vmem>>) target(%dma_start3A_614 : memref<50176x32xf32, #tpu.memory_space<vmem_shared>>) offsets(%dma_start3A_611 : memref<112xi32, #tpu.memory_space<vmem>>) semaphore(%arg23 : memref<!tpu.dma_semaphore, #tpu.memory_space<semaphore_mem>>) {add = true}
        %dma_wait3A_615 = arith.constant 25 : i32
        %dma_wait3A_616 = arith.constant 0 : i32
        %dma_wait3A_617 = tpu.memref_slice %arg11[%dma_wait3A_615, %dma_wait3A_616] : memref<28x112xi32, #tpu.memory_space<vmem>> -> memref<1x112xi32, #tpu.memory_space<vmem>>
        %dma_wait3A_618 = tpu.memref_squeeze %dma_wait3A_617 : memref<1x112xi32, #tpu.memory_space<vmem>> -> memref<112xi32, #tpu.memory_space<vmem>>
        %dma_wait3A_619 = arith.constant 0 : i32
        %dma_wait3A_620 = arith.constant 0 : i32
        %dma_wait3A_621 = tpu.memref_slice %arg7[%dma_wait3A_619, %dma_wait3A_620] : memref<50176x32xf32, #tpu.memory_space<vmem_shared>> -> memref<50176x32xf32, #tpu.memory_space<vmem_shared>>
        tpu.wait_indirect_dma semaphore(%arg22 : memref<!tpu.dma_semaphore, #tpu.memory_space<semaphore_mem>>) src(%arg13 : memref<112x32xf32, #tpu.memory_space<vmem>>) dst(%dma_wait3A_621 : memref<50176x32xf32, #tpu.memory_space<vmem_shared>>)
        %dma_wait3A_622 = arith.constant 27 : i32
        %dma_wait3A_623 = arith.constant 0 : i32
        %dma_wait3A_624 = tpu.memref_slice %arg10[%dma_wait3A_622, %dma_wait3A_623] : memref<28x112xi32, #tpu.memory_space<vmem>> -> memref<1x112xi32, #tpu.memory_space<vmem>>
        %dma_wait3A_625 = tpu.memref_squeeze %dma_wait3A_624 : memref<1x112xi32, #tpu.memory_space<vmem>> -> memref<112xi32, #tpu.memory_space<vmem>>
        %dma_wait3A_626 = arith.constant 0 : i32
        %dma_wait3A_627 = arith.constant 0 : i32
        %dma_wait3A_628 = tpu.memref_slice %arg2[%dma_wait3A_626, %dma_wait3A_627] : memref<200000x32xf32, #tpu.memory_space<hbm>> -> memref<200000x32xf32, #tpu.memory_space<hbm>>
        tpu.wait_indirect_dma semaphore(%arg20 : memref<!tpu.dma_semaphore, #tpu.memory_space<semaphore_mem>>) src(%dma_wait3A_628 : memref<200000x32xf32, #tpu.memory_space<hbm>>) dst(%arg15 : memref<112x32xf32, #tpu.memory_space<vmem>>)
        %dma_start3A_629 = arith.constant 27 : i32
        %dma_start3A_630 = arith.constant 0 : i32
        %dma_start3A_631 = tpu.memref_slice %arg11[%dma_start3A_629, %dma_start3A_630] : memref<28x112xi32, #tpu.memory_space<vmem>> -> memref<1x112xi32, #tpu.memory_space<vmem>>
        %dma_start3A_632 = tpu.memref_squeeze %dma_start3A_631 : memref<1x112xi32, #tpu.memory_space<vmem>> -> memref<112xi32, #tpu.memory_space<vmem>>
        %dma_start3A_633 = arith.constant 0 : i32
        %dma_start3A_634 = arith.constant 0 : i32
        %dma_start3A_635 = tpu.memref_slice %arg7[%dma_start3A_633, %dma_start3A_634] : memref<50176x32xf32, #tpu.memory_space<vmem_shared>> -> memref<50176x32xf32, #tpu.memory_space<vmem_shared>>
        tpu.enqueue_indirect_dma source(%arg15 : memref<112x32xf32, #tpu.memory_space<vmem>>) target(%dma_start3A_635 : memref<50176x32xf32, #tpu.memory_space<vmem_shared>>) offsets(%dma_start3A_632 : memref<112xi32, #tpu.memory_space<vmem>>) semaphore(%arg24 : memref<!tpu.dma_semaphore, #tpu.memory_space<semaphore_mem>>) {add = true}
        %dma_wait3A_636 = arith.constant 26 : i32
        %dma_wait3A_637 = arith.constant 0 : i32
        %dma_wait3A_638 = tpu.memref_slice %arg11[%dma_wait3A_636, %dma_wait3A_637] : memref<28x112xi32, #tpu.memory_space<vmem>> -> memref<1x112xi32, #tpu.memory_space<vmem>>
        %dma_wait3A_639 = tpu.memref_squeeze %dma_wait3A_638 : memref<1x112xi32, #tpu.memory_space<vmem>> -> memref<112xi32, #tpu.memory_space<vmem>>
        %dma_wait3A_640 = arith.constant 0 : i32
        %dma_wait3A_641 = arith.constant 0 : i32
        %dma_wait3A_642 = tpu.memref_slice %arg7[%dma_wait3A_640, %dma_wait3A_641] : memref<50176x32xf32, #tpu.memory_space<vmem_shared>> -> memref<50176x32xf32, #tpu.memory_space<vmem_shared>>
        tpu.wait_indirect_dma semaphore(%arg23 : memref<!tpu.dma_semaphore, #tpu.memory_space<semaphore_mem>>) src(%arg14 : memref<112x32xf32, #tpu.memory_space<vmem>>) dst(%dma_wait3A_642 : memref<50176x32xf32, #tpu.memory_space<vmem_shared>>)
        %dma_wait3A_643 = arith.constant 27 : i32
        %dma_wait3A_644 = arith.constant 0 : i32
        %dma_wait3A_645 = tpu.memref_slice %arg11[%dma_wait3A_643, %dma_wait3A_644] : memref<28x112xi32, #tpu.memory_space<vmem>> -> memref<1x112xi32, #tpu.memory_space<vmem>>
        %dma_wait3A_646 = tpu.memref_squeeze %dma_wait3A_645 : memref<1x112xi32, #tpu.memory_space<vmem>> -> memref<112xi32, #tpu.memory_space<vmem>>
        %dma_wait3A_647 = arith.constant 0 : i32
        %dma_wait3A_648 = arith.constant 0 : i32
        %dma_wait3A_649 = tpu.memref_slice %arg7[%dma_wait3A_647, %dma_wait3A_648] : memref<50176x32xf32, #tpu.memory_space<vmem_shared>> -> memref<50176x32xf32, #tpu.memory_space<vmem_shared>>
        tpu.wait_indirect_dma semaphore(%arg24 : memref<!tpu.dma_semaphore, #tpu.memory_space<semaphore_mem>>) src(%arg15 : memref<112x32xf32, #tpu.memory_space<vmem>>) dst(%dma_wait3A_649 : memref<50176x32xf32, #tpu.memory_space<vmem_shared>>)
      }
      %scan3A_81 = arith.constant 2 : i32
      %barrier3A_82 = arith.constant 0 : index
      tpu.barrier barrier_id(%barrier3A_82)
      %mul3A_83 = arith.constant 3136 : i32
      %mul3A_84 = arith.muli %arg1, %mul3A_83 : i32
      %mul3A_85 = arith.constant 3136 : i32
      %mul3A_86 = arith.muli %arg1, %mul3A_85 : i32
      %add3A_87 = arith.constant 1568 : i32
      %add3A_88 = arith.addi %mul3A_86, %add3A_87 : i32
      %mul3A_89 = arith.constant 3136 : i32
      %mul3A_90 = arith.muli %arg1, %mul3A_89 : i32
      %dma_start3A_91 = tpu.memref_slice %arg5[%select_n3A, %mul3A_84, %multiple_of3A] : memref<3x50176x128xf32, #tpu.memory_space<hbm>> -> memref<1x1568x32xf32, #tpu.memory_space<hbm>>
      %dma_start3A_92 = tpu.memref_squeeze %dma_start3A_91 : memref<1x1568x32xf32, #tpu.memory_space<hbm>> -> memref<1568x32xf32, #tpu.memory_space<hbm>>
      %dma_start3A_93 = arith.constant 0 : i32
      %dma_start3A_94 = tpu.memref_slice %arg7[%mul3A_90, %dma_start3A_93] : memref<50176x32xf32, #tpu.memory_space<vmem_shared>> -> memref<1568x32xf32, #tpu.memory_space<vmem_shared>>
      tpu.enqueue_dma source(%dma_start3A_94 : memref<1568x32xf32, #tpu.memory_space<vmem_shared>>) target(%dma_start3A_92 : memref<1568x32xf32, #tpu.memory_space<hbm>>) target_semaphore(%arg26 : memref<!tpu.dma_semaphore, #tpu.memory_space<semaphore_mem>>)
      %mul3A_95 = arith.constant 3136 : i32
      %mul3A_96 = arith.muli %arg1, %mul3A_95 : i32
      %add3A_97 = arith.constant 1568 : i32
      %add3A_98 = arith.addi %mul3A_96, %add3A_97 : i32
      %dma_start3A_99 = tpu.memref_slice %arg5[%select_n3A, %add3A_88, %multiple_of3A] : memref<3x50176x128xf32, #tpu.memory_space<hbm>> -> memref<1x1568x32xf32, #tpu.memory_space<hbm>>
      %dma_start3A_100 = tpu.memref_squeeze %dma_start3A_99 : memref<1x1568x32xf32, #tpu.memory_space<hbm>> -> memref<1568x32xf32, #tpu.memory_space<hbm>>
      %dma_start3A_101 = arith.constant 0 : i32
      %dma_start3A_102 = tpu.memref_slice %arg7[%add3A_98, %dma_start3A_101] : memref<50176x32xf32, #tpu.memory_space<vmem_shared>> -> memref<1568x32xf32, #tpu.memory_space<vmem_shared>>
      tpu.enqueue_dma source(%dma_start3A_102 : memref<1568x32xf32, #tpu.memory_space<vmem_shared>>) target(%dma_start3A_100 : memref<1568x32xf32, #tpu.memory_space<hbm>>) target_semaphore(%arg27 : memref<!tpu.dma_semaphore, #tpu.memory_space<semaphore_mem>>)
      %dma_wait3A = tpu.memref_slice %arg5[%select_n3A, %mul3A_84, %multiple_of3A] : memref<3x50176x128xf32, #tpu.memory_space<hbm>> -> memref<1x1568x32xf32, #tpu.memory_space<hbm>>
      %dma_wait3A_103 = tpu.memref_squeeze %dma_wait3A : memref<1x1568x32xf32, #tpu.memory_space<hbm>> -> memref<1568x32xf32, #tpu.memory_space<hbm>>
      %dma_wait3A_104 = arith.constant 0 : i32
      %dma_wait3A_105 = tpu.memref_slice %arg7[%mul3A_90, %dma_wait3A_104] : memref<50176x32xf32, #tpu.memory_space<vmem_shared>> -> memref<1568x32xf32, #tpu.memory_space<vmem_shared>>
      tpu.wait_dma2 semaphore(%arg26 : memref<!tpu.dma_semaphore, #tpu.memory_space<semaphore_mem>>) src(%dma_wait3A_105 : memref<1568x32xf32, #tpu.memory_space<vmem_shared>>) dst(%dma_wait3A_103 : memref<1568x32xf32, #tpu.memory_space<hbm>>)
      %scan3A_106 = arith.constant 0 : i32
      %scan3A_107 = arith.constant 14 : i32
      %scan3A_108 = arith.addi %scan3A_106, %scan3A_107 : i32
      %scan3A_109 = arith.constant 1 : i32
      scf.for %scan3A_126 = %scan3A_106 to %scan3A_108 step %scan3A_109  : i32 {
        %mul3A_127 = arith.constant 1 : i32
        %mul3A_128 = arith.muli %scan3A_126, %mul3A_127 : i32
        %add3A_129 = arith.constant 0 : i32
        %add3A_130 = arith.addi %add3A_129, %mul3A_128 : i32
        %mul3A_131 = arith.constant 3136 : i32
        %mul3A_132 = arith.muli %arg1, %mul3A_131 : i32
        %mul3A_133 = arith.constant 112 : i32
        %mul3A_134 = arith.muli %add3A_130, %mul3A_133 : i32
        %add3A_135 = arith.addi %mul3A_132, %mul3A_134 : i32
        %dma_start3A_136 = arith.constant 0 : i32
        %dma_start3A_137 = tpu.memref_slice %arg7[%add3A_135, %dma_start3A_136] : memref<50176x32xf32, #tpu.memory_space<vmem_shared>> -> memref<112x32xf32, #tpu.memory_space<vmem_shared>>
        %dma_start3A_138 = arith.constant 0 : i32
        %dma_start3A_139 = tpu.memref_slice %arg7[%add3A_135, %dma_start3A_138] : memref<50176x32xf32, #tpu.memory_space<vmem_shared>> -> memref<112x32xf32, #tpu.memory_space<vmem_shared>>
        tpu.enqueue_dma source(%arg16 : memref<112x32xf32, #tpu.memory_space<vmem>>) target(%dma_start3A_139 : memref<112x32xf32, #tpu.memory_space<vmem_shared>>) target_semaphore(%arg25 : memref<!tpu.dma_semaphore, #tpu.memory_space<semaphore_mem>>)
      }
      %scan3A_110 = arith.constant 14 : i32
      %dma_wait3A_111 = tpu.memref_slice %arg5[%select_n3A, %add3A_88, %multiple_of3A] : memref<3x50176x128xf32, #tpu.memory_space<hbm>> -> memref<1x1568x32xf32, #tpu.memory_space<hbm>>
      %dma_wait3A_112 = tpu.memref_squeeze %dma_wait3A_111 : memref<1x1568x32xf32, #tpu.memory_space<hbm>> -> memref<1568x32xf32, #tpu.memory_space<hbm>>
      %dma_wait3A_113 = arith.constant 0 : i32
      %dma_wait3A_114 = tpu.memref_slice %arg7[%add3A_98, %dma_wait3A_113] : memref<50176x32xf32, #tpu.memory_space<vmem_shared>> -> memref<1568x32xf32, #tpu.memory_space<vmem_shared>>
      tpu.wait_dma2 semaphore(%arg27 : memref<!tpu.dma_semaphore, #tpu.memory_space<semaphore_mem>>) src(%dma_wait3A_114 : memref<1568x32xf32, #tpu.memory_space<vmem_shared>>) dst(%dma_wait3A_112 : memref<1568x32xf32, #tpu.memory_space<hbm>>)
      %scan3A_115 = arith.constant 0 : i32
      %scan3A_116 = arith.constant 14 : i32
      %scan3A_117 = arith.addi %scan3A_115, %scan3A_116 : i32
      %scan3A_118 = arith.constant 1 : i32
      scf.for %scan3A_126 = %scan3A_115 to %scan3A_117 step %scan3A_118  : i32 {
        %mul3A_127 = arith.constant 1 : i32
        %mul3A_128 = arith.muli %scan3A_126, %mul3A_127 : i32
        %add3A_129 = arith.constant 0 : i32
        %add3A_130 = arith.addi %add3A_129, %mul3A_128 : i32
        %mul3A_131 = arith.constant 3136 : i32
        %mul3A_132 = arith.muli %arg1, %mul3A_131 : i32
        %add3A_133 = arith.constant 1568 : i32
        %add3A_134 = arith.addi %mul3A_132, %add3A_133 : i32
        %mul3A_135 = arith.constant 112 : i32
        %mul3A_136 = arith.muli %add3A_130, %mul3A_135 : i32
        %add3A_137 = arith.addi %add3A_134, %mul3A_136 : i32
        %dma_start3A_138 = arith.constant 0 : i32
        %dma_start3A_139 = tpu.memref_slice %arg7[%add3A_137, %dma_start3A_138] : memref<50176x32xf32, #tpu.memory_space<vmem_shared>> -> memref<112x32xf32, #tpu.memory_space<vmem_shared>>
        %dma_start3A_140 = arith.constant 0 : i32
        %dma_start3A_141 = tpu.memref_slice %arg7[%add3A_137, %dma_start3A_140] : memref<50176x32xf32, #tpu.memory_space<vmem_shared>> -> memref<112x32xf32, #tpu.memory_space<vmem_shared>>
        tpu.enqueue_dma source(%arg16 : memref<112x32xf32, #tpu.memory_space<vmem>>) target(%dma_start3A_141 : memref<112x32xf32, #tpu.memory_space<vmem_shared>>) target_semaphore(%arg25 : memref<!tpu.dma_semaphore, #tpu.memory_space<semaphore_mem>>)
      }
      %scan3A_119 = arith.constant 14 : i32
      %scan3A_120 = arith.constant 0 : i32
      %scan3A_121 = arith.constant 28 : i32
      %scan3A_122 = arith.addi %scan3A_120, %scan3A_121 : i32
      %scan3A_123 = arith.constant 1 : i32
      scf.for %scan3A_126 = %scan3A_120 to %scan3A_122 step %scan3A_123  : i32 {
        %mul3A_127 = arith.constant 1 : i32
        %mul3A_128 = arith.muli %scan3A_126, %mul3A_127 : i32
        %add3A_129 = arith.constant 0 : i32
        %add3A_130 = arith.addi %add3A_129, %mul3A_128 : i32
        %mul3A_131 = arith.constant 3136 : i32
        %mul3A_132 = arith.muli %arg1, %mul3A_131 : i32
        %mul3A_133 = arith.constant 112 : i32
        %mul3A_134 = arith.muli %add3A_130, %mul3A_133 : i32
        %add3A_135 = arith.addi %mul3A_132, %mul3A_134 : i32
        %dma_wait3A_136 = arith.constant 0 : i32
        %dma_wait3A_137 = tpu.memref_slice %arg7[%add3A_135, %dma_wait3A_136] : memref<50176x32xf32, #tpu.memory_space<vmem_shared>> -> memref<112x32xf32, #tpu.memory_space<vmem_shared>>
        %dma_wait3A_138 = arith.constant 0 : i32
        %dma_wait3A_139 = tpu.memref_slice %arg7[%add3A_135, %dma_wait3A_138] : memref<50176x32xf32, #tpu.memory_space<vmem_shared>> -> memref<112x32xf32, #tpu.memory_space<vmem_shared>>
        tpu.wait_dma2 semaphore(%arg25 : memref<!tpu.dma_semaphore, #tpu.memory_space<semaphore_mem>>) src(%arg16 : memref<112x32xf32, #tpu.memory_space<vmem>>) dst(%dma_wait3A_139 : memref<112x32xf32, #tpu.memory_space<vmem_shared>>)
      }
      %scan3A_124 = arith.constant 28 : i32
      %barrier3A_125 = arith.constant 0 : index
      tpu.barrier barrier_id(%barrier3A_125)
    }
    %scan3A_18 = arith.constant 6 : i32
    %scan3A_19 = arith.constant 0 : i32
    %scan3A_20 = arith.constant 2 : i32
    %scan3A_21 = arith.addi %scan3A_19, %scan3A_20 : i32
    %scan3A_22 = arith.constant 1 : i32
    scf.for %scan3A_24 = %scan3A_19 to %scan3A_21 step %scan3A_22  : i32 {
      %mul3A = arith.constant 1 : i32
      %mul3A_25 = arith.muli %scan3A_24, %mul3A : i32
      %add3A = arith.constant 0 : i32
      %add3A_26 = arith.addi %add3A, %mul3A_25 : i32
      %eq3A = arith.constant 0 : i32
      %eq3A_27 = arith.cmpi eq, %add3A_26, %eq3A : i32
      %eq3A_28 = arith.constant 0 : i32
      %eq3A_29 = arith.cmpi eq, %arg0, %eq3A_28 : i32
      %jit3A = arith.constant 0 : i32
      %jit3A_30 = arith.constant 2 : i32
      %select_n3A = arith.select %eq3A_29, %jit3A, %jit3A_30 : i32
      %jit3A_31 = arith.constant 1 : i32
      %select_n3A_32 = arith.select %eq3A_27, %select_n3A, %jit3A_31 : i32
      %eq3A_33 = arith.constant 0 : i32
      %eq3A_34 = arith.cmpi eq, %arg0, %eq3A_33 : i32
      %jit3A_35 = arith.constant 0 : i32
      %jit3A_36 = arith.constant 2 : i32
      %select_n3A_37 = arith.select %eq3A_34, %jit3A_35, %jit3A_36 : i32
      %eq3A_38 = arith.constant 0 : i32
      %eq3A_39 = arith.cmpi eq, %arg0, %eq3A_38 : i32
      %jit3A_40 = arith.constant 1 : i32
      %jit3A_41 = arith.constant 3 : i32
      %select_n3A_42 = arith.select %eq3A_39, %jit3A_40, %jit3A_41 : i32
      %select_n3A_43 = arith.select %eq3A_27, %select_n3A_37, %select_n3A_42 : i32
      %mul3A_44 = arith.constant 2 : i32
      %mul3A_45 = arith.muli %mul3A_44, %arg0 : i32
      %jit3A_46 = arith.constant 0 : i32
      %select_n3A_47 = arith.select %eq3A_27, %jit3A_46, %mul3A_45 : i32
      %add3A_48 = arith.constant 1 : i32
      %add3A_49 = arith.addi %arg0, %add3A_48 : i32
      %mul3A_50 = arith.constant 2 : i32
      %mul3A_51 = arith.muli %mul3A_50, %add3A_49 : i32
      %jit3A_52 = arith.constant 4 : i32
      %select_n3A_53 = arith.select %eq3A_27, %jit3A_52, %mul3A_51 : i32
      %scan3A_54 = arith.constant 0 : i32
      %scan3A_55 = arith.constant 112 : i32
      %scan3A_56 = arith.addi %scan3A_54, %scan3A_55 : i32
      %scan3A_57 = arith.constant 1 : i32
      scf.for %scan3A_114 = %scan3A_54 to %scan3A_56 step %scan3A_57  : i32 {
        %mul3A_115 = arith.constant 1 : i32
        %mul3A_116 = arith.muli %scan3A_114, %mul3A_115 : i32
        %add3A_117 = arith.constant 0 : i32
        %add3A_118 = arith.addi %add3A_117, %mul3A_116 : i32
        %broadcast_in_dim3A = arith.constant 1.000000e+00 : f32
        %broadcast_in_dim3A_119 = vector.broadcast %broadcast_in_dim3A : f32 to vector<16xf32>
        %swap3A = arith.index_cast %add3A_118 : i32 to index
        %swap3A_120 = arith.constant 0 : index
        %swap3A_121 = tpu.vector_load %arg12[%swap3A, %swap3A_120] {strides = array<i32>} : memref<112x32xf32, #tpu.memory_space<vmem>>, vector<1x16xf32>,
        %swap3A_122 = vector.shape_cast %swap3A_121 : vector<1x16xf32> to vector<16xf32>
        %swap3A_123 = vector.shape_cast %broadcast_in_dim3A_119 : vector<16xf32> to vector<1x16xf32>
        tpu.vector_store %arg12[%swap3A, %swap3A_120], %swap3A_123 {strides = array<i32>} : memref<112x32xf32, #tpu.memory_space<vmem>>, vector<1x16xf32>,
        %broadcast_in_dim3A_124 = arith.constant 1.000000e+00 : f32
        %broadcast_in_dim3A_125 = vector.broadcast %broadcast_in_dim3A_124 : f32 to vector<16xf32>
        %swap3A_126 = arith.index_cast %add3A_118 : i32 to index
        %swap3A_127 = arith.constant 16 : index
        %swap3A_128 = tpu.vector_load %arg12[%swap3A_126, %swap3A_127] {strides = array<i32>} : memref<112x32xf32, #tpu.memory_space<vmem>>, vector<1x16xf32>,
        %swap3A_129 = vector.shape_cast %swap3A_128 : vector<1x16xf32> to vector<16xf32>
        %swap3A_130 = vector.shape_cast %broadcast_in_dim3A_125 : vector<16xf32> to vector<1x16xf32>
        tpu.vector_store %arg12[%swap3A_126, %swap3A_127], %swap3A_130 {strides = array<i32>} : memref<112x32xf32, #tpu.memory_space<vmem>>, vector<1x16xf32>,
      }
      %scan3A_58 = arith.constant 112 : i32
      %sub3A = arith.subi %select_n3A_53, %select_n3A_47 : i32
      %sub3A_59 = arith.constant 1 : i32
      %sub3A_60 = arith.constant 1 : i32
      %sub3A_61 = arith.subi %sub3A_59, %sub3A_60 : i32
      %add3A_62 = arith.addi %sub3A, %sub3A_61 : i32
      %div3A = arith.constant 1 : i32
      %div3A_63 = arith.divsi %add3A_62, %div3A : i32
      %while3A = arith.constant 1 : i32
      %while3A_64 = arith.constant 0 : i32
      %while3A_65 = arith.subi %div3A_63, %while3A_64 : i32
      %while3A_66 = arith.addi %while3A_64, %while3A_65 : i32
      %while3A_67 = arith.constant 1 : i32
      %while3A_68 = arith.divsi %while3A_65, %while3A_67 : i32
      %while3A_69 = arith.muli %while3A_68, %while3A_67 : i32
      %while3A_70 = arith.addi %while3A_64, %while3A_69 : i32
      %while3A_71 = arith.constant 1 : i32
      scf.for %while3A_114 = %while3A_64 to %while3A_70 step %while3A_71  : i32 {
        %mul3A_115 = arith.muli %while3A_114, %while3A : i32
        %add3A_116 = arith.addi %select_n3A_47, %mul3A_115 : i32
        %mul3A_117 = arith.constant 28 : i32
        %mul3A_118 = arith.muli %add3A_116, %mul3A_117 : i32
        "tpu.region"() ({
          %run_scoped3A = tpu.sem_alloc : memref<!tpu.dma_semaphore, #tpu.memory_space<semaphore_mem>>
          %dma_start3A_129 = arith.constant 0 : i32
          %dma_start3A_130 = tpu.memref_slice %arg4[%select_n3A_32, %arg1, %mul3A_118, %dma_start3A_129] : memref<3x16x112x112xi32, #tpu.memory_space<hbm>> -> memref<1x1x28x112xi32, #tpu.memory_space<hbm>>
          %dma_start3A_131 = tpu.memref_squeeze %dma_start3A_130 : memref<1x1x28x112xi32, #tpu.memory_space<hbm>> -> memref<28x112xi32, #tpu.memory_space<hbm>>
          %dma_start3A_132 = arith.constant 0 : i32
          %dma_start3A_133 = tpu.memref_slice %arg4[%select_n3A_32, %arg1, %mul3A_118, %dma_start3A_132] : memref<3x16x112x112xi32, #tpu.memory_space<hbm>> -> memref<1x1x28x112xi32, #tpu.memory_space<hbm>>
          %dma_start3A_134 = tpu.memref_squeeze %dma_start3A_133 : memref<1x1x28x112xi32, #tpu.memory_space<hbm>> -> memref<28x112xi32, #tpu.memory_space<hbm>>
          tpu.enqueue_dma source(%dma_start3A_134 : memref<28x112xi32, #tpu.memory_space<hbm>>) target(%arg9 : memref<28x112xi32, #tpu.memory_space<vmem>>) target_semaphore(%run_scoped3A : memref<!tpu.dma_semaphore, #tpu.memory_space<semaphore_mem>>)
          %dma_wait3A_135 = arith.constant 0 : i32
          %dma_wait3A_136 = tpu.memref_slice %arg4[%select_n3A_32, %arg1, %mul3A_118, %dma_wait3A_135] : memref<3x16x112x112xi32, #tpu.memory_space<hbm>> -> memref<1x1x28x112xi32, #tpu.memory_space<hbm>>
          %dma_wait3A_137 = tpu.memref_squeeze %dma_wait3A_136 : memref<1x1x28x112xi32, #tpu.memory_space<hbm>> -> memref<28x112xi32, #tpu.memory_space<hbm>>
          %dma_wait3A_138 = arith.constant 0 : i32
          %dma_wait3A_139 = tpu.memref_slice %arg4[%select_n3A_32, %arg1, %mul3A_118, %dma_wait3A_138] : memref<3x16x112x112xi32, #tpu.memory_space<hbm>> -> memref<1x1x28x112xi32, #tpu.memory_space<hbm>>
          %dma_wait3A_140 = tpu.memref_squeeze %dma_wait3A_139 : memref<1x1x28x112xi32, #tpu.memory_space<hbm>> -> memref<28x112xi32, #tpu.memory_space<hbm>>
          tpu.wait_dma2 semaphore(%run_scoped3A : memref<!tpu.dma_semaphore, #tpu.memory_space<semaphore_mem>>) src(%dma_wait3A_140 : memref<28x112xi32, #tpu.memory_space<hbm>>) dst(%arg9 : memref<28x112xi32, #tpu.memory_space<vmem>>)
          tpu.yield
        }) : () -> ()
        %scan3A_119 = arith.constant 0 : i32
        %scan3A_120 = arith.constant 28 : i32
        %scan3A_121 = arith.addi %scan3A_119, %scan3A_120 : i32
        %scan3A_122 = arith.constant 1 : i32
        scf.for %scan3A_129 = %scan3A_119 to %scan3A_121 step %scan3A_122  : i32 {
          %mul3A_130 = arith.constant 1 : i32
          %mul3A_131 = arith.muli %scan3A_129, %mul3A_130 : i32
          %add3A_132 = arith.constant 0 : i32
          %add3A_133 = arith.addi %add3A_132, %mul3A_131 : i32
          %dma_start3A_134 = arith.constant 0 : i32
          %dma_start3A_135 = tpu.memref_slice %arg9[%add3A_133, %dma_start3A_134] : memref<28x112xi32, #tpu.memory_space<vmem>> -> memref<1x112xi32, #tpu.memory_space<vmem>>
          %dma_start3A_136 = tpu.memref_squeeze %dma_start3A_135 : memref<1x112xi32, #tpu.memory_space<vmem>> -> memref<112xi32, #tpu.memory_space<vmem>>
          %dma_start3A_137 = arith.constant 0 : i32
          %dma_start3A_138 = arith.constant 0 : i32
          %dma_start3A_139 = tpu.memref_slice %arg7[%dma_start3A_137, %dma_start3A_138] : memref<50176x32xf32, #tpu.memory_space<vmem_shared>> -> memref<50176x32xf32, #tpu.memory_space<vmem_shared>>
          tpu.enqueue_indirect_dma source(%arg12 : memref<112x32xf32, #tpu.memory_space<vmem>>) target(%dma_start3A_139 : memref<50176x32xf32, #tpu.memory_space<vmem_shared>>) offsets(%dma_start3A_136 : memref<112xi32, #tpu.memory_space<vmem>>) semaphore(%arg21 : memref<!tpu.dma_semaphore, #tpu.memory_space<semaphore_mem>>) {add = true}
        }
        %scan3A_123 = arith.constant 28 : i32
        %scan3A_124 = arith.constant 0 : i32
        %scan3A_125 = arith.constant 28 : i32
        %scan3A_126 = arith.addi %scan3A_124, %scan3A_125 : i32
        %scan3A_127 = arith.constant 1 : i32
        scf.for %scan3A_129 = %scan3A_124 to %scan3A_126 step %scan3A_127  : i32 {
          %mul3A_130 = arith.constant 1 : i32
          %mul3A_131 = arith.muli %scan3A_129, %mul3A_130 : i32
          %add3A_132 = arith.constant 0 : i32
          %add3A_133 = arith.addi %add3A_132, %mul3A_131 : i32
          %dma_wait3A_134 = arith.constant 0 : i32
          %dma_wait3A_135 = tpu.memref_slice %arg9[%add3A_133, %dma_wait3A_134] : memref<28x112xi32, #tpu.memory_space<vmem>> -> memref<1x112xi32, #tpu.memory_space<vmem>>
          %dma_wait3A_136 = tpu.memref_squeeze %dma_wait3A_135 : memref<1x112xi32, #tpu.memory_space<vmem>> -> memref<112xi32, #tpu.memory_space<vmem>>
          %dma_wait3A_137 = arith.constant 0 : i32
          %dma_wait3A_138 = arith.constant 0 : i32
          %dma_wait3A_139 = tpu.memref_slice %arg7[%dma_wait3A_137, %dma_wait3A_138] : memref<50176x32xf32, #tpu.memory_space<vmem_shared>> -> memref<50176x32xf32, #tpu.memory_space<vmem_shared>>
          tpu.wait_indirect_dma semaphore(%arg21 : memref<!tpu.dma_semaphore, #tpu.memory_space<semaphore_mem>>) src(%arg12 : memref<112x32xf32, #tpu.memory_space<vmem>>) dst(%dma_wait3A_139 : memref<50176x32xf32, #tpu.memory_space<vmem_shared>>)
        }
        %scan3A_128 = arith.constant 28 : i32
      }
      %while3A_72 = arith.constant 1 : i32
      scf.for %while3A_114 = %while3A_70 to %while3A_66 step %while3A_72  : i32 {
        %mul3A_115 = arith.muli %while3A_114, %while3A : i32
        %add3A_116 = arith.addi %select_n3A_47, %mul3A_115 : i32
        %mul3A_117 = arith.constant 28 : i32
        %mul3A_118 = arith.muli %add3A_116, %mul3A_117 : i32
        "tpu.region"() ({
          %run_scoped3A = tpu.sem_alloc : memref<!tpu.dma_semaphore, #tpu.memory_space<semaphore_mem>>
          %dma_start3A_129 = arith.constant 0 : i32
          %dma_start3A_130 = tpu.memref_slice %arg4[%select_n3A_32, %arg1, %mul3A_118, %dma_start3A_129] : memref<3x16x112x112xi32, #tpu.memory_space<hbm>> -> memref<1x1x28x112xi32, #tpu.memory_space<hbm>>
          %dma_start3A_131 = tpu.memref_squeeze %dma_start3A_130 : memref<1x1x28x112xi32, #tpu.memory_space<hbm>> -> memref<28x112xi32, #tpu.memory_space<hbm>>
          %dma_start3A_132 = arith.constant 0 : i32
          %dma_start3A_133 = tpu.memref_slice %arg4[%select_n3A_32, %arg1, %mul3A_118, %dma_start3A_132] : memref<3x16x112x112xi32, #tpu.memory_space<hbm>> -> memref<1x1x28x112xi32, #tpu.memory_space<hbm>>
          %dma_start3A_134 = tpu.memref_squeeze %dma_start3A_133 : memref<1x1x28x112xi32, #tpu.memory_space<hbm>> -> memref<28x112xi32, #tpu.memory_space<hbm>>
          tpu.enqueue_dma source(%dma_start3A_134 : memref<28x112xi32, #tpu.memory_space<hbm>>) target(%arg9 : memref<28x112xi32, #tpu.memory_space<vmem>>) target_semaphore(%run_scoped3A : memref<!tpu.dma_semaphore, #tpu.memory_space<semaphore_mem>>)
          %dma_wait3A_135 = arith.constant 0 : i32
          %dma_wait3A_136 = tpu.memref_slice %arg4[%select_n3A_32, %arg1, %mul3A_118, %dma_wait3A_135] : memref<3x16x112x112xi32, #tpu.memory_space<hbm>> -> memref<1x1x28x112xi32, #tpu.memory_space<hbm>>
          %dma_wait3A_137 = tpu.memref_squeeze %dma_wait3A_136 : memref<1x1x28x112xi32, #tpu.memory_space<hbm>> -> memref<28x112xi32, #tpu.memory_space<hbm>>
          %dma_wait3A_138 = arith.constant 0 : i32
          %dma_wait3A_139 = tpu.memref_slice %arg4[%select_n3A_32, %arg1, %mul3A_118, %dma_wait3A_138] : memref<3x16x112x112xi32, #tpu.memory_space<hbm>> -> memref<1x1x28x112xi32, #tpu.memory_space<hbm>>
          %dma_wait3A_140 = tpu.memref_squeeze %dma_wait3A_139 : memref<1x1x28x112xi32, #tpu.memory_space<hbm>> -> memref<28x112xi32, #tpu.memory_space<hbm>>
          tpu.wait_dma2 semaphore(%run_scoped3A : memref<!tpu.dma_semaphore, #tpu.memory_space<semaphore_mem>>) src(%dma_wait3A_140 : memref<28x112xi32, #tpu.memory_space<hbm>>) dst(%arg9 : memref<28x112xi32, #tpu.memory_space<vmem>>)
          tpu.yield
        }) : () -> ()
        %scan3A_119 = arith.constant 0 : i32
        %scan3A_120 = arith.constant 28 : i32
        %scan3A_121 = arith.addi %scan3A_119, %scan3A_120 : i32
        %scan3A_122 = arith.constant 1 : i32
        scf.for %scan3A_129 = %scan3A_119 to %scan3A_121 step %scan3A_122  : i32 {
          %mul3A_130 = arith.constant 1 : i32
          %mul3A_131 = arith.muli %scan3A_129, %mul3A_130 : i32
          %add3A_132 = arith.constant 0 : i32
          %add3A_133 = arith.addi %add3A_132, %mul3A_131 : i32
          %dma_start3A_134 = arith.constant 0 : i32
          %dma_start3A_135 = tpu.memref_slice %arg9[%add3A_133, %dma_start3A_134] : memref<28x112xi32, #tpu.memory_space<vmem>> -> memref<1x112xi32, #tpu.memory_space<vmem>>
          %dma_start3A_136 = tpu.memref_squeeze %dma_start3A_135 : memref<1x112xi32, #tpu.memory_space<vmem>> -> memref<112xi32, #tpu.memory_space<vmem>>
          %dma_start3A_137 = arith.constant 0 : i32
          %dma_start3A_138 = arith.constant 0 : i32
          %dma_start3A_139 = tpu.memref_slice %arg7[%dma_start3A_137, %dma_start3A_138] : memref<50176x32xf32, #tpu.memory_space<vmem_shared>> -> memref<50176x32xf32, #tpu.memory_space<vmem_shared>>
          tpu.enqueue_indirect_dma source(%arg12 : memref<112x32xf32, #tpu.memory_space<vmem>>) target(%dma_start3A_139 : memref<50176x32xf32, #tpu.memory_space<vmem_shared>>) offsets(%dma_start3A_136 : memref<112xi32, #tpu.memory_space<vmem>>) semaphore(%arg21 : memref<!tpu.dma_semaphore, #tpu.memory_space<semaphore_mem>>) {add = true}
        }
        %scan3A_123 = arith.constant 28 : i32
        %scan3A_124 = arith.constant 0 : i32
        %scan3A_125 = arith.constant 28 : i32
        %scan3A_126 = arith.addi %scan3A_124, %scan3A_125 : i32
        %scan3A_127 = arith.constant 1 : i32
        scf.for %scan3A_129 = %scan3A_124 to %scan3A_126 step %scan3A_127  : i32 {
          %mul3A_130 = arith.constant 1 : i32
          %mul3A_131 = arith.muli %scan3A_129, %mul3A_130 : i32
          %add3A_132 = arith.constant 0 : i32
          %add3A_133 = arith.addi %add3A_132, %mul3A_131 : i32
          %dma_wait3A_134 = arith.constant 0 : i32
          %dma_wait3A_135 = tpu.memref_slice %arg9[%add3A_133, %dma_wait3A_134] : memref<28x112xi32, #tpu.memory_space<vmem>> -> memref<1x112xi32, #tpu.memory_space<vmem>>
          %dma_wait3A_136 = tpu.memref_squeeze %dma_wait3A_135 : memref<1x112xi32, #tpu.memory_space<vmem>> -> memref<112xi32, #tpu.memory_space<vmem>>
          %dma_wait3A_137 = arith.constant 0 : i32
          %dma_wait3A_138 = arith.constant 0 : i32
          %dma_wait3A_139 = tpu.memref_slice %arg7[%dma_wait3A_137, %dma_wait3A_138] : memref<50176x32xf32, #tpu.memory_space<vmem_shared>> -> memref<50176x32xf32, #tpu.memory_space<vmem_shared>>
          tpu.wait_indirect_dma semaphore(%arg21 : memref<!tpu.dma_semaphore, #tpu.memory_space<semaphore_mem>>) src(%arg12 : memref<112x32xf32, #tpu.memory_space<vmem>>) dst(%dma_wait3A_139 : memref<50176x32xf32, #tpu.memory_space<vmem_shared>>)
        }
        %scan3A_128 = arith.constant 28 : i32
      }
      %barrier3A_73 = arith.constant 0 : index
      tpu.barrier barrier_id(%barrier3A_73)
      %mul3A_74 = arith.constant 32 : i32
      %mul3A_75 = arith.muli %select_n3A_43, %mul3A_74 : i32
      %multiple_of3A = tpu.assume_multiple %mul3A_75, 32 : i32
      %mul3A_76 = arith.constant 3136 : i32
      %mul3A_77 = arith.muli %arg1, %mul3A_76 : i32
      %mul3A_78 = arith.constant 3136 : i32
      %mul3A_79 = arith.muli %arg1, %mul3A_78 : i32
      %add3A_80 = arith.constant 1568 : i32
      %add3A_81 = arith.addi %mul3A_79, %add3A_80 : i32
      %mul3A_82 = arith.constant 3136 : i32
      %mul3A_83 = arith.muli %arg1, %mul3A_82 : i32
      %dma_start3A = tpu.memref_slice %arg6[%mul3A_77, %multiple_of3A] : memref<50176x128xf32, #tpu.memory_space<hbm>> -> memref<1568x32xf32, #tpu.memory_space<hbm>>
      %dma_start3A_84 = arith.constant 0 : i32
      %dma_start3A_85 = tpu.memref_slice %arg7[%mul3A_83, %dma_start3A_84] : memref<50176x32xf32, #tpu.memory_space<vmem_shared>> -> memref<1568x32xf32, #tpu.memory_space<vmem_shared>>
      tpu.enqueue_dma source(%dma_start3A_85 : memref<1568x32xf32, #tpu.memory_space<vmem_shared>>) target(%dma_start3A : memref<1568x32xf32, #tpu.memory_space<hbm>>) target_semaphore(%arg26 : memref<!tpu.dma_semaphore, #tpu.memory_space<semaphore_mem>>)
      %mul3A_86 = arith.constant 3136 : i32
      %mul3A_87 = arith.muli %arg1, %mul3A_86 : i32
      %add3A_88 = arith.constant 1568 : i32
      %add3A_89 = arith.addi %mul3A_87, %add3A_88 : i32
      %dma_start3A_90 = tpu.memref_slice %arg6[%add3A_81, %multiple_of3A] : memref<50176x128xf32, #tpu.memory_space<hbm>> -> memref<1568x32xf32, #tpu.memory_space<hbm>>
      %dma_start3A_91 = arith.constant 0 : i32
      %dma_start3A_92 = tpu.memref_slice %arg7[%add3A_89, %dma_start3A_91] : memref<50176x32xf32, #tpu.memory_space<vmem_shared>> -> memref<1568x32xf32, #tpu.memory_space<vmem_shared>>
      tpu.enqueue_dma source(%dma_start3A_92 : memref<1568x32xf32, #tpu.memory_space<vmem_shared>>) target(%dma_start3A_90 : memref<1568x32xf32, #tpu.memory_space<hbm>>) target_semaphore(%arg27 : memref<!tpu.dma_semaphore, #tpu.memory_space<semaphore_mem>>)
      %dma_wait3A = tpu.memref_slice %arg6[%mul3A_77, %multiple_of3A] : memref<50176x128xf32, #tpu.memory_space<hbm>> -> memref<1568x32xf32, #tpu.memory_space<hbm>>
      %dma_wait3A_93 = arith.constant 0 : i32
      %dma_wait3A_94 = tpu.memref_slice %arg7[%mul3A_83, %dma_wait3A_93] : memref<50176x32xf32, #tpu.memory_space<vmem_shared>> -> memref<1568x32xf32, #tpu.memory_space<vmem_shared>>
      tpu.wait_dma2 semaphore(%arg26 : memref<!tpu.dma_semaphore, #tpu.memory_space<semaphore_mem>>) src(%dma_wait3A_94 : memref<1568x32xf32, #tpu.memory_space<vmem_shared>>) dst(%dma_wait3A : memref<1568x32xf32, #tpu.memory_space<hbm>>)
      %scan3A_95 = arith.constant 0 : i32
      %scan3A_96 = arith.constant 14 : i32
      %scan3A_97 = arith.addi %scan3A_95, %scan3A_96 : i32
      %scan3A_98 = arith.constant 1 : i32
      scf.for %scan3A_114 = %scan3A_95 to %scan3A_97 step %scan3A_98  : i32 {
        %mul3A_115 = arith.constant 1 : i32
        %mul3A_116 = arith.muli %scan3A_114, %mul3A_115 : i32
        %add3A_117 = arith.constant 0 : i32
        %add3A_118 = arith.addi %add3A_117, %mul3A_116 : i32
        %mul3A_119 = arith.constant 3136 : i32
        %mul3A_120 = arith.muli %arg1, %mul3A_119 : i32
        %mul3A_121 = arith.constant 112 : i32
        %mul3A_122 = arith.muli %add3A_118, %mul3A_121 : i32
        %add3A_123 = arith.addi %mul3A_120, %mul3A_122 : i32
        %dma_start3A_124 = arith.constant 0 : i32
        %dma_start3A_125 = tpu.memref_slice %arg7[%add3A_123, %dma_start3A_124] : memref<50176x32xf32, #tpu.memory_space<vmem_shared>> -> memref<112x32xf32, #tpu.memory_space<vmem_shared>>
        %dma_start3A_126 = arith.constant 0 : i32
        %dma_start3A_127 = tpu.memref_slice %arg7[%add3A_123, %dma_start3A_126] : memref<50176x32xf32, #tpu.memory_space<vmem_shared>> -> memref<112x32xf32, #tpu.memory_space<vmem_shared>>
        tpu.enqueue_dma source(%arg16 : memref<112x32xf32, #tpu.memory_space<vmem>>) target(%dma_start3A_127 : memref<112x32xf32, #tpu.memory_space<vmem_shared>>) target_semaphore(%arg25 : memref<!tpu.dma_semaphore, #tpu.memory_space<semaphore_mem>>)
      }
      %scan3A_99 = arith.constant 14 : i32
      %dma_wait3A_100 = tpu.memref_slice %arg6[%add3A_81, %multiple_of3A] : memref<50176x128xf32, #tpu.memory_space<hbm>> -> memref<1568x32xf32, #tpu.memory_space<hbm>>
      %dma_wait3A_101 = arith.constant 0 : i32
      %dma_wait3A_102 = tpu.memref_slice %arg7[%add3A_89, %dma_wait3A_101] : memref<50176x32xf32, #tpu.memory_space<vmem_shared>> -> memref<1568x32xf32, #tpu.memory_space<vmem_shared>>
      tpu.wait_dma2 semaphore(%arg27 : memref<!tpu.dma_semaphore, #tpu.memory_space<semaphore_mem>>) src(%dma_wait3A_102 : memref<1568x32xf32, #tpu.memory_space<vmem_shared>>) dst(%dma_wait3A_100 : memref<1568x32xf32, #tpu.memory_space<hbm>>)
      %scan3A_103 = arith.constant 0 : i32
      %scan3A_104 = arith.constant 14 : i32
      %scan3A_105 = arith.addi %scan3A_103, %scan3A_104 : i32
      %scan3A_106 = arith.constant 1 : i32
      scf.for %scan3A_114 = %scan3A_103 to %scan3A_105 step %scan3A_106  : i32 {
        %mul3A_115 = arith.constant 1 : i32
        %mul3A_116 = arith.muli %scan3A_114, %mul3A_115 : i32
        %add3A_117 = arith.constant 0 : i32
        %add3A_118 = arith.addi %add3A_117, %mul3A_116 : i32
        %mul3A_119 = arith.constant 3136 : i32
        %mul3A_120 = arith.muli %arg1, %mul3A_119 : i32
        %add3A_121 = arith.constant 1568 : i32
        %add3A_122 = arith.addi %mul3A_120, %add3A_121 : i32
        %mul3A_123 = arith.constant 112 : i32
        %mul3A_124 = arith.muli %add3A_118, %mul3A_123 : i32
        %add3A_125 = arith.addi %add3A_122, %mul3A_124 : i32
        %dma_start3A_126 = arith.constant 0 : i32
        %dma_start3A_127 = tpu.memref_slice %arg7[%add3A_125, %dma_start3A_126] : memref<50176x32xf32, #tpu.memory_space<vmem_shared>> -> memref<112x32xf32, #tpu.memory_space<vmem_shared>>
        %dma_start3A_128 = arith.constant 0 : i32
        %dma_start3A_129 = tpu.memref_slice %arg7[%add3A_125, %dma_start3A_128] : memref<50176x32xf32, #tpu.memory_space<vmem_shared>> -> memref<112x32xf32, #tpu.memory_space<vmem_shared>>
        tpu.enqueue_dma source(%arg16 : memref<112x32xf32, #tpu.memory_space<vmem>>) target(%dma_start3A_129 : memref<112x32xf32, #tpu.memory_space<vmem_shared>>) target_semaphore(%arg25 : memref<!tpu.dma_semaphore, #tpu.memory_space<semaphore_mem>>)
      }
      %scan3A_107 = arith.constant 14 : i32
      %scan3A_108 = arith.constant 0 : i32
      %scan3A_109 = arith.constant 28 : i32
      %scan3A_110 = arith.addi %scan3A_108, %scan3A_109 : i32
      %scan3A_111 = arith.constant 1 : i32
      scf.for %scan3A_114 = %scan3A_108 to %scan3A_110 step %scan3A_111  : i32 {
        %mul3A_115 = arith.constant 1 : i32
        %mul3A_116 = arith.muli %scan3A_114, %mul3A_115 : i32
        %add3A_117 = arith.constant 0 : i32
        %add3A_118 = arith.addi %add3A_117, %mul3A_116 : i32
        %mul3A_119 = arith.constant 3136 : i32
        %mul3A_120 = arith.muli %arg1, %mul3A_119 : i32
        %mul3A_121 = arith.constant 112 : i32
        %mul3A_122 = arith.muli %add3A_118, %mul3A_121 : i32
        %add3A_123 = arith.addi %mul3A_120, %mul3A_122 : i32
        %dma_wait3A_124 = arith.constant 0 : i32
        %dma_wait3A_125 = tpu.memref_slice %arg7[%add3A_123, %dma_wait3A_124] : memref<50176x32xf32, #tpu.memory_space<vmem_shared>> -> memref<112x32xf32, #tpu.memory_space<vmem_shared>>
        %dma_wait3A_126 = arith.constant 0 : i32
        %dma_wait3A_127 = tpu.memref_slice %arg7[%add3A_123, %dma_wait3A_126] : memref<50176x32xf32, #tpu.memory_space<vmem_shared>> -> memref<112x32xf32, #tpu.memory_space<vmem_shared>>
        tpu.wait_dma2 semaphore(%arg25 : memref<!tpu.dma_semaphore, #tpu.memory_space<semaphore_mem>>) src(%arg16 : memref<112x32xf32, #tpu.memory_space<vmem>>) dst(%dma_wait3A_127 : memref<112x32xf32, #tpu.memory_space<vmem_shared>>)
      }
      %scan3A_112 = arith.constant 28 : i32
      %barrier3A_113 = arith.constant 0 : index
      tpu.barrier barrier_id(%barrier3A_113)
    }
    %scan3A_23 = arith.constant 2 : i32
    return
  }
}

module attributes {stable_mosaic.version = 14 : i64} {
  func.func @_tc_body(%arg0: i32, %arg1: memref<3x1024x128xf32, #tpu.memory_space<vmem>>, %arg2: memref<1024x128xf32, #tpu.memory_space<vmem>>, %arg3: memref<1024x128xf32, #tpu.memory_space<vmem>>, %arg4: memref<3x128x128xf32, #tpu.memory_space<vmem>>, %arg5: memref<3x128x128xf32, #tpu.memory_space<vmem>>, %arg6: memref<3x128xf32, #tpu.memory_space<vmem>>, %arg7: memref<1024x128xf32, #tpu.memory_space<vmem>>) attributes {dimension_semantics = [#tpu.dimension_semantics<arbitrary>], iteration_bounds = array<i64: 49>, scalar_prefetch = 0 : i64, scratch_operands = 0 : i64, tpu.core_type = #tpu.core_type<tc>, window_params = [{transform_indices = @transform_0, window_bounds = array<i64: 3, 1024, 128>}, {transform_indices = @transform_1, window_bounds = array<i64: 1024, 128>}, {transform_indices = @transform_2, window_bounds = array<i64: 1024, 128>}, {pipeline_mode = #tpu.pipeline_mode<synchronous>, transform_indices = @transform_3, window_bounds = array<i64: 3, 128, 128>}, {pipeline_mode = #tpu.pipeline_mode<synchronous>, transform_indices = @transform_4, window_bounds = array<i64: 3, 128, 128>}, {pipeline_mode = #tpu.pipeline_mode<synchronous>, transform_indices = @transform_5, window_bounds = array<i64: 3, 128>}, {transform_indices = @transform_6, window_bounds = array<i64: 1024, 128>}]} {
    %get3A = arith.constant 0 : index
    %get3A_0 = arith.constant 0 : index
    %get3A_1 = vector.load %arg3[%get3A, %get3A_0] : memref<1024x128xf32, #tpu.memory_space<vmem>>, vector<1024x128xf32>
    %get3A_2 = arith.constant 0 : index
    %get3A_3 = arith.constant 0 : index
    %get3A_4 = arith.constant 0 : index
    %get3A_5 = vector.load %arg5[%get3A_2, %get3A_3, %get3A_4] : memref<3x128x128xf32, #tpu.memory_space<vmem>>, vector<1x128x128xf32>
    %get3A_6 = vector.shape_cast %get3A_5 : vector<1x128x128xf32> to vector<128x128xf32>
    %get3A_7 = arith.constant 1 : index
    %get3A_8 = arith.constant 0 : index
    %get3A_9 = arith.constant 0 : index
    %get3A_10 = vector.load %arg5[%get3A_7, %get3A_8, %get3A_9] : memref<3x128x128xf32, #tpu.memory_space<vmem>>, vector<1x128x128xf32>
    %get3A_11 = vector.shape_cast %get3A_10 : vector<1x128x128xf32> to vector<128x128xf32>
    %add3A = arith.addf %get3A_6, %get3A_11 : vector<128x128xf32>
    %get3A_12 = arith.constant 2 : index
    %get3A_13 = arith.constant 0 : index
    %get3A_14 = arith.constant 0 : index
    %get3A_15 = vector.load %arg5[%get3A_12, %get3A_13, %get3A_14] : memref<3x128x128xf32, #tpu.memory_space<vmem>>, vector<1x128x128xf32>
    %get3A_16 = vector.shape_cast %get3A_15 : vector<1x128x128xf32> to vector<128x128xf32>
    %add3A_17 = arith.addf %add3A, %get3A_16 : vector<128x128xf32>
    %get3A_18 = arith.constant 0 : index
    %get3A_19 = arith.constant 0 : index
    %get3A_20 = vector.load %arg6[%get3A_18, %get3A_19] : memref<3x128xf32, #tpu.memory_space<vmem>>, vector<1x128xf32>
    %get3A_21 = vector.shape_cast %get3A_20 : vector<1x128xf32> to vector<128xf32>
    %get3A_22 = arith.constant 1 : index
    %get3A_23 = arith.constant 0 : index
    %get3A_24 = vector.load %arg6[%get3A_22, %get3A_23] : memref<3x128xf32, #tpu.memory_space<vmem>>, vector<1x128xf32>
    %get3A_25 = vector.shape_cast %get3A_24 : vector<1x128xf32> to vector<128xf32>
    %add3A_26 = arith.addf %get3A_21, %get3A_25 : vector<128xf32>
    %get3A_27 = arith.constant 2 : index
    %get3A_28 = arith.constant 0 : index
    %get3A_29 = vector.load %arg6[%get3A_27, %get3A_28] : memref<3x128xf32, #tpu.memory_space<vmem>>, vector<1x128xf32>
    %get3A_30 = vector.shape_cast %get3A_29 : vector<1x128xf32> to vector<128xf32>
    %add3A_31 = arith.addf %add3A_26, %get3A_30 : vector<128xf32>
    %dot_general3A = arith.constant dense<0.000000e+00> : vector<1024x128xf32>
    %dot_general3A_32 = tpu.matmul %get3A_1, %add3A_17, %dot_general3A {dimension_numbers = #tpu.dot_dimension_numbers<[1], [1], [0], [0], [0, 0, 1, 0], [], []>, transpose_lhs_hint = false} : vector<1024x128xf32>, vector<128x128xf32>, vector<1024x128xf32> -> vector<1024x128xf32>
    %broadcast_in_dim3A = vector.shape_cast %add3A_31 : vector<128xf32> to vector<1x128xf32>
    %add3A_33 = vector.broadcast %broadcast_in_dim3A : vector<1x128xf32> to vector<1024x128xf32>
    %add3A_34 = arith.addf %dot_general3A_32, %add3A_33 : vector<1024x128xf32>
    %get3A_35 = arith.constant 0 : index
    %get3A_36 = arith.constant 0 : index
    %get3A_37 = vector.load %arg2[%get3A_35, %get3A_36] : memref<1024x128xf32, #tpu.memory_space<vmem>>, vector<1024x128xf32>
    %slice3A = vector.extract_strided_slice %get3A_37 {offsets = [0, 0], sizes = [1024, 1], strides = [1, 1]} : vector<1024x128xf32> to vector<1024x1xf32>
    %slice3A_38 = vector.extract_strided_slice %get3A_37 {offsets = [0, 32], sizes = [1024, 1], strides = [1, 1]} : vector<1024x128xf32> to vector<1024x1xf32>
    %slice3A_39 = vector.extract_strided_slice %get3A_37 {offsets = [0, 96], sizes = [1024, 1], strides = [1, 1]} : vector<1024x128xf32> to vector<1024x1xf32>
    %add3A_40 = arith.addf %slice3A_38, %slice3A_39 : vector<1024x1xf32>
    %slice3A_41 = vector.extract_strided_slice %get3A_37 {offsets = [0, 64], sizes = [1024, 1], strides = [1, 1]} : vector<1024x128xf32> to vector<1024x1xf32>
    %get3A_42 = arith.constant 0 : index
    %get3A_43 = arith.constant 0 : index
    %get3A_44 = arith.constant 0 : index
    %get3A_45 = vector.load %arg1[%get3A_42, %get3A_43, %get3A_44] : memref<3x1024x128xf32, #tpu.memory_space<vmem>>, vector<1x1024x128xf32>
    %get3A_46 = vector.shape_cast %get3A_45 : vector<1x1024x128xf32> to vector<1024x128xf32>
    %max3A = arith.constant 1.000000e+00 : f32
    %max3A_47 = vector.broadcast %max3A : f32 to vector<1024x1xf32>
    %max3A_48 = arith.maximumf %slice3A, %max3A_47 : vector<1024x1xf32>
    %div3A = vector.broadcast %max3A_48 : vector<1024x1xf32> to vector<1024x128xf32>
    %div3A_49 = arith.divf %get3A_46, %div3A : vector<1024x128xf32>
    %get3A_50 = arith.constant 0 : index
    %get3A_51 = arith.constant 0 : index
    %get3A_52 = arith.constant 0 : index
    %get3A_53 = vector.load %arg4[%get3A_50, %get3A_51, %get3A_52] : memref<3x128x128xf32, #tpu.memory_space<vmem>>, vector<1x128x128xf32>
    %get3A_54 = vector.shape_cast %get3A_53 : vector<1x128x128xf32> to vector<128x128xf32>
    %dot_general3A_55 = arith.constant dense<0.000000e+00> : vector<1024x128xf32>
    %dot_general3A_56 = tpu.matmul %div3A_49, %get3A_54, %dot_general3A_55 {dimension_numbers = #tpu.dot_dimension_numbers<[1], [1], [0], [0], [0, 0, 1, 0], [], []>, transpose_lhs_hint = false} : vector<1024x128xf32>, vector<128x128xf32>, vector<1024x128xf32> -> vector<1024x128xf32>
    %add3A_57 = arith.addf %add3A_34, %dot_general3A_56 : vector<1024x128xf32>
    %get3A_58 = arith.constant 1 : index
    %get3A_59 = arith.constant 0 : index
    %get3A_60 = arith.constant 0 : index
    %get3A_61 = vector.load %arg1[%get3A_58, %get3A_59, %get3A_60] : memref<3x1024x128xf32, #tpu.memory_space<vmem>>, vector<1x1024x128xf32>
    %get3A_62 = vector.shape_cast %get3A_61 : vector<1x1024x128xf32> to vector<1024x128xf32>
    %max3A_63 = arith.constant 1.000000e+00 : f32
    %max3A_64 = vector.broadcast %max3A_63 : f32 to vector<1024x1xf32>
    %max3A_65 = arith.maximumf %add3A_40, %max3A_64 : vector<1024x1xf32>
    %div3A_66 = vector.broadcast %max3A_65 : vector<1024x1xf32> to vector<1024x128xf32>
    %div3A_67 = arith.divf %get3A_62, %div3A_66 : vector<1024x128xf32>
    %get3A_68 = arith.constant 1 : index
    %get3A_69 = arith.constant 0 : index
    %get3A_70 = arith.constant 0 : index
    %get3A_71 = vector.load %arg4[%get3A_68, %get3A_69, %get3A_70] : memref<3x128x128xf32, #tpu.memory_space<vmem>>, vector<1x128x128xf32>
    %get3A_72 = vector.shape_cast %get3A_71 : vector<1x128x128xf32> to vector<128x128xf32>
    %dot_general3A_73 = arith.constant dense<0.000000e+00> : vector<1024x128xf32>
    %dot_general3A_74 = tpu.matmul %div3A_67, %get3A_72, %dot_general3A_73 {dimension_numbers = #tpu.dot_dimension_numbers<[1], [1], [0], [0], [0, 0, 1, 0], [], []>, transpose_lhs_hint = false} : vector<1024x128xf32>, vector<128x128xf32>, vector<1024x128xf32> -> vector<1024x128xf32>
    %add3A_75 = arith.addf %add3A_57, %dot_general3A_74 : vector<1024x128xf32>
    %get3A_76 = arith.constant 2 : index
    %get3A_77 = arith.constant 0 : index
    %get3A_78 = arith.constant 0 : index
    %get3A_79 = vector.load %arg1[%get3A_76, %get3A_77, %get3A_78] : memref<3x1024x128xf32, #tpu.memory_space<vmem>>, vector<1x1024x128xf32>
    %get3A_80 = vector.shape_cast %get3A_79 : vector<1x1024x128xf32> to vector<1024x128xf32>
    %max3A_81 = arith.constant 1.000000e+00 : f32
    %max3A_82 = vector.broadcast %max3A_81 : f32 to vector<1024x1xf32>
    %max3A_83 = arith.maximumf %slice3A_41, %max3A_82 : vector<1024x1xf32>
    %div3A_84 = vector.broadcast %max3A_83 : vector<1024x1xf32> to vector<1024x128xf32>
    %div3A_85 = arith.divf %get3A_80, %div3A_84 : vector<1024x128xf32>
    %get3A_86 = arith.constant 2 : index
    %get3A_87 = arith.constant 0 : index
    %get3A_88 = arith.constant 0 : index
    %get3A_89 = vector.load %arg4[%get3A_86, %get3A_87, %get3A_88] : memref<3x128x128xf32, #tpu.memory_space<vmem>>, vector<1x128x128xf32>
    %get3A_90 = vector.shape_cast %get3A_89 : vector<1x128x128xf32> to vector<128x128xf32>
    %dot_general3A_91 = arith.constant dense<0.000000e+00> : vector<1024x128xf32>
    %dot_general3A_92 = tpu.matmul %div3A_85, %get3A_90, %dot_general3A_91 {dimension_numbers = #tpu.dot_dimension_numbers<[1], [1], [0], [0], [0, 0, 1, 0], [], []>, transpose_lhs_hint = false} : vector<1024x128xf32>, vector<128x128xf32>, vector<1024x128xf32> -> vector<1024x128xf32>
    %add3A_93 = arith.addf %add3A_75, %dot_general3A_92 : vector<1024x128xf32>
    %swap3A = arith.constant 0 : index
    %swap3A_94 = arith.constant 0 : index
    %swap3A_95 = vector.load %arg7[%swap3A, %swap3A_94] : memref<1024x128xf32, #tpu.memory_space<vmem>>, vector<1024x128xf32>
    tpu.vector_store %arg7[%swap3A, %swap3A_94], %add3A_93 {strides = array<i32>} : memref<1024x128xf32, #tpu.memory_space<vmem>>, vector<1024x128xf32>,
    return
  }
  func.func @transform_0(%arg0: i32) -> (i32, i32, i32) {
    %c0_i32 = arith.constant 0 : i32
    %c0_i32_0 = arith.constant 0 : i32
    %c0_i32_1 = arith.constant 0 : i32
    return %c0_i32, %arg0, %c0_i32_0 : i32, i32, i32
  }
  func.func @transform_1(%arg0: i32) -> (i32, i32) {
    %c0_i32 = arith.constant 0 : i32
    %c0_i32_0 = arith.constant 0 : i32
    return %arg0, %c0_i32 : i32, i32
  }
  func.func @transform_2(%arg0: i32) -> (i32, i32) {
    %c0_i32 = arith.constant 0 : i32
    %c0_i32_0 = arith.constant 0 : i32
    return %arg0, %c0_i32 : i32, i32
  }
  func.func @transform_3(%arg0: i32) -> (i32, i32, i32) {
    %c0_i32 = arith.constant 0 : i32
    %c0_i32_0 = arith.constant 0 : i32
    %c0_i32_1 = arith.constant 0 : i32
    %c0_i32_2 = arith.constant 0 : i32
    return %c0_i32, %c0_i32_0, %c0_i32_1 : i32, i32, i32
  }
  func.func @transform_4(%arg0: i32) -> (i32, i32, i32) {
    %c0_i32 = arith.constant 0 : i32
    %c0_i32_0 = arith.constant 0 : i32
    %c0_i32_1 = arith.constant 0 : i32
    %c0_i32_2 = arith.constant 0 : i32
    return %c0_i32, %c0_i32_0, %c0_i32_1 : i32, i32, i32
  }
  func.func @transform_5(%arg0: i32) -> (i32, i32) {
    %c0_i32 = arith.constant 0 : i32
    %c0_i32_0 = arith.constant 0 : i32
    %c0_i32_1 = arith.constant 0 : i32
    return %c0_i32, %c0_i32_0 : i32, i32
  }
  func.func @transform_6(%arg0: i32) -> (i32, i32) {
    %c0_i32 = arith.constant 0 : i32
    %c0_i32_0 = arith.constant 0 : i32
    return %arg0, %c0_i32 : i32, i32
  }
}

</mosaic_0001>

<sc_bundles>
// kernel: kernel.4.cloned.1.call-start
scs
__scs_entry_jumppad:
0x0: {  	(pc) =	sbr.rel $0x88, $3  }
0x1: {  	(tag) =	ssettag $0x0;
	lr =	simm.s32 $0x1  }
0x2: {  	[smem:$0x3F94] =	sst lr;
	_ =	strace $0xD0000000  }
0x3: {  	_ = 	snop  }
0x4: {  	_ = 	snop  }
0x5: {  	_ = 	snop  }
0x6: {  	_ = 	snop  }
0x7: {  	_ = 	snop  }
__scs_overlays_trampoline_lowered:
0x8: {  	[smem:$0x3FA3] =	sst s0  }
0x9: {  	[smem:$0x3FA4] =	sst s1  }
0xa: {  	[smem:$0x3FA5] =	sst s2  }
0xb: {  	[smem:$0x3FA6] =	sst s3  }
0xc: {  	[smem:$0x3FA7] =	sst s4  }
0xd: {  	[smem:$0x3FA8] =	sst s5  }
0xe: {  	[smem:$0x3FA9] =	sst s6  }
0xf: {  	[smem:$0x3FAA] =	sst s7  }
0x10: {  	[smem:$0x3FAB] =	sst s8  }
0x11: {  	[smem:$0x3FAC] =	sst s9;
	s0 =	simm.s32 @!p0 $0x0  }
0x12: {  	s1 =	sld [smem:$0x3F92];
	s0 =	simm.s32 @p0 $0x1  }
0x13: {  	[smem:$0x3FAD] =	sst s0;
	s0 =	simm.s32 @!p1 $0x0  }
0x14: {  	s2 =	sld [smem:$0x3F91];
	s0 =	simm.s32 @p1 $0x1  }
0x15: {  	[smem:$0x3FAE] =	sst s0;
	s0 =	simm.s32 @!p2 $0x0  }
0x16: {  	s3 =	sld [smem:$0x3FDB];
	s0 =	simm.s32 @p2 $0x1  }
0x17: {  	s4 =	simm.s32 $0x1BF5;
	[smem:$0x3FB0] =	sst s0  }
0x18: {  	s0 =	sld [smem:$0x3F93];
	_ =	swait.ge [sflag:s4], $0x0  }
0x19: {  	s7 =	sld [smem:$0x3F94]  }
0x1a: {  	s8 =	sadd.s32 $0xFFFFE003, lr  }
0x1b: {  	s9 =	sadd.s32 $0xFFFFFEF7, lr;
	s5 =	simm.s32 $0xFFFFFFFF;
	p2 =	slt.u32 s8, $0xFFFFF086  }
0x1c: {  	p1 =	slt.u32 s9, $0xF7A;
	s5 =	simm.s32 @!p2 $0x0  }
0x1d: {  	s5 =	simm.s32 @p1 $0x1;
	p0 =	seq.s32 s7, s2  }
0x1e: {  	s7 =	smul.u32 @!p0 $0xF7A, s2;
	p2 =	seq.s32 @!p0 s5, $0x0  }
0x1f: {  	s9 =	smul.u32 $0xF7A, s1;
	s8 =	simm.s32 @!p0 $0x1BF5;
	p2 =	por !p2, p0  }
0x20: {  	[sflag:s8] =	ssyncset.s32 @!p0 $0xFFFFF086;
	s6 =	sadd.s32 @!p0 s3, s7;
	s7 =	simm.s32 @!p0 $0x108  }
0x21: {  	s3 =	sadd.s32 s3, s9;
	s6 =	sadd.s32 @!p0 $0x88, s6;
	s7 =	simm.s32 @p2 $0x1082  }
0x22: {  	[simem:s7], [sflag:s8] =	dma.local @!p0 [hbm:s6], $0xF7A  }
0x23: {  	s9 =	sor.u32 $0xD0000000, s2;
	s6 =	simm.s32 $0x108;
	_ =	swait.ge @!p0 [sflag:s8], $0x0  }
0x24: {  	s3 =	sadd.s32 $0x88, s3;
	s6 =	simm.s32 @!p1 $0x1082;
	[sflag:s4] =	ssyncset.s32 $0xFFFFF086  }
0x25: {  	[simem:s6], [sflag:s4] =	dma.local [hbm:s3], $0xF7A  }
0x26: {  	[smem:$0x3F94] =	sst s1;
	(tag) =	ssettag s2;
	_ =	strace s9  }
0x27: {  	s1 =	sld [smem:$0x3FA4]  }
0x28: {  	s2 =	sld [smem:$0x3FA5]  }
0x29: {  	s4 =	sld [smem:$0x3FA7]  }
0x2a: {  	p0 =	seq.s32 s5, $0x0;
	s5 =	sld [smem:$0x3FA8]  }
0x2b: {  	s6 =	sld [smem:$0x3FA9]  }
0x2c: {  	s7 =	sld [smem:$0x3FAA]  }
0x2d: {  	s3 =	simm.s32 $0x108;
	s8 =	sld [smem:$0x3FAB]  }
0x2e: {  	s3 =	simm.s32 @!p0 $0x1082;
	s9 =	sld [smem:$0x3FAC]  }
0x2f: {  	lr =	sadd.s32 s0, s3;
	s0 =	sld [smem:$0x3FA3]  }
0x30: {  	s3 =	sld [smem:$0x3FA6]  }
0x31: {  	[smem:$0x3FAF] =	sst s10  }
0x32: {  	s10 =	sld [smem:$0x3FAD];
	_ =	sdelay $0x3  }
0x33: {  	p0 =	seq.s32 s10, $0x1;
	s10 =	sld [smem:$0x3FAF];
	_ =	sdelay $0x3  }
0x34: {  	[smem:$0x3FAF] =	sst s10  }
0x35: {  	s10 =	sld [smem:$0x3FAE];
	_ =	sdelay $0x3  }
0x36: {  	p1 =	seq.s32 s10, $0x1;
	s10 =	sld [smem:$0x3FAF];
	_ =	sdelay $0x3  }
0x37: {  	[smem:$0x3FAF] =	sst s10  }
0x38: {  	s10 =	sld [smem:$0x3FB0]  }
0x39: {  	_ = 	snop;
	(pc) =	sbr.ind lr, $3  }
0x3a: {  	_ = 	snop  }
0x3b: {  	_ = 	snop  }
0x3c: {  	p2 =	seq.s32 s10, $0x1;
	s10 =	sld [smem:$0x3FAF]  }
0x3d: {  	_ =	shalt  }
0x3e: {  	_ =	shalt  }
0x3f: {  	_ =	shalt  }
0x40: {  	_ =	shalt  }
0x41: {  	_ =	shalt  }
0x42: {  	_ =	shalt  }
0x43: {  	_ =	shalt  }
0x44: {  	_ =	shalt  }
0x45: {  	_ =	shalt  }
0x46: {  	_ =	shalt  }
0x47: {  	_ =	shalt  }
0x48: {  	_ =	shalt  }
0x49: {  	_ =	shalt  }
0x4a: {  	_ =	shalt  }
0x4b: {  	_ =	shalt  }
0x4c: {  	_ =	shalt  }
0x4d: {  	_ =	shalt  }
0x4e: {  	_ =	shalt  }
0x4f: {  	_ =	shalt  }
0x50: {  	_ =	shalt  }
0x51: {  	_ =	shalt  }
0x52: {  	_ =	shalt  }
0x53: {  	_ =	shalt  }
0x54: {  	_ =	shalt  }
0x55: {  	_ =	shalt  }
0x56: {  	_ =	shalt  }
0x57: {  	_ =	shalt  }
0x58: {  	_ =	shalt  }
0x59: {  	_ =	shalt  }
0x5a: {  	_ =	shalt  }
0x5b: {  	_ =	shalt  }
0x5c: {  	_ =	shalt  }
0x5d: {  	_ =	shalt  }
0x5e: {  	_ =	shalt  }
0x5f: {  	_ =	shalt  }
0x60: {  	_ =	shalt  }
0x61: {  	_ =	shalt  }
0x62: {  	_ =	shalt  }
0x63: {  	_ =	shalt  }
0x64: {  	_ =	shalt  }
0x65: {  	_ =	shalt  }
0x66: {  	_ =	shalt  }
0x67: {  	_ =	shalt  }
0x68: {  	_ =	shalt  }
0x69: {  	_ =	shalt  }
0x6a: {  	_ =	shalt  }
0x6b: {  	_ =	shalt  }
0x6c: {  	_ =	shalt  }
0x6d: {  	_ =	shalt  }
0x6e: {  	_ =	shalt  }
0x6f: {  	_ =	shalt  }
0x70: {  	_ =	shalt  }
0x71: {  	_ =	shalt  }
0x72: {  	_ =	shalt  }
0x73: {  	_ =	shalt  }
0x74: {  	_ =	shalt  }
0x75: {  	_ =	shalt  }
0x76: {  	_ =	shalt  }
0x77: {  	_ =	shalt  }
0x78: {  	_ =	shalt  }
0x79: {  	_ =	shalt  }
0x7a: {  	_ =	shalt  }
0x7b: {  	_ =	shalt  }
0x7c: {  	_ =	shalt  }
0x7d: {  	_ =	shalt  }
0x7e: {  	_ =	shalt  }
0x7f: {  	_ =	shalt  }
0x80: {  	_ =	shalt  }
0x81: {  	_ =	shalt  }
0x82: {  	_ =	shalt  }
0x83: {  	_ =	shalt  }
0x84: {  	_ =	shalt  }
0x85: {  	_ =	shalt  }
0x86: {  	_ =	shalt  }
0x87: {  	_ =	shalt  }
.Lfunc_end0:
.L_simem_size_0:
called_computation_lowered:
.L_overlay_start_0:
0x88: {  	s2 =	sld [smem:$0x3FD9]  }
0x89: {  	s3 =	sld [smem:$0x3FFE];
	_ =	sdelay $0x1  }
0x8a: {  	s1 =	srdreg.scid  }
0x8b: {  	s0 =	sand.u32 $0x1, s1  }
0x8c: {  	s17 =	sshll.u32 s0, $0xA;
	s2 =	sadd.s32 s3, s2  }
0x8d: {  	s2 =	sadd.s32 s2, s17  }
0x8e: {  	[smem:$0x3FBB] =	sst s2  }
0x8f: {  	_ = 	snop  }
0x90: {  	s2 =	sld [smem:$0x3FC9]  }
0x91: {  	s18 =	sld [smem:$0x3FD0];
	(tm) =	ssettm $0x1  }
0x92: {  	s4 =	sld [smem:$0x3FFB];
	_ =	sdelay $0x3  }
0x93: {  	_ =	strace s4  }
0x94: {  	s4 =	sld [smem:$0x3FFC];
	_ =	sdelay $0x3  }
0x95: {  	_ =	strace s4  }
0x96: {  	s4 =	sld [smem:$0x3FFD];
	_ =	sdelay $0x3  }
0x97: {  	_ =	strace s4  }
0x98: {  	_ =	strace $0x8FFFFFFF  }
0x99: {  	s19 =	sld [smem:$0x3FDB];
	_ =	sdelay $0x1  }
0x9a: {  	s5 =	simm.s32 $_scs_section_size  }
0x9b: {  	s6 =	simm.s32 $_size__tile_overlayer_lowered;
	s7 =	simm.s32 $_tile_overlayer_lowered  }
0x9c: {  	s22 =	simm.s32 $0x1BFF;
	s21 =	sshll.u32 s7, $0x1;
	s4 =	sadd.s32 s5, s19  }
0x9d: {  	s8 =	simm.s32 $0x0;
	s20 =	sshll.u32 s6, $0x1;
	s6 =	sadd.s32 s21, s4  }
0x9e: {  	[timem:s8], [sflag:s22] =	dma.local [hbm:s6], s20  }
0x9f: {  	_ =	swait.ge [sflag:s22], s20  }
0xa0: {  	s5 =	ssub.s32 $0x0, s20;
	[sflag:s22] =	ssyncset.done $0x0  }
0xa1: {  	[sflag:s22] =	ssyncadd.s32 s5;
	_ =	sdelay $0x1  }
0xa2: {  	s23 =	simm.s32 $0x1B8B  }
0xa3: {  	_ =	swait.ge [sflag:s23], $0x1  }
0xa4: {  	[sflag:s23] =	ssyncset.done $0x0  }
0xa5: {  	s25 =	simm.s32 $0x1B8E;
	s24 =	sld [smem:$0x3FFE];
	[sflag:s23] =	ssyncadd.s32 $0xFFFFFFFF  }
0xa6: {  	s26 =	simm.s32 $execute0_lowered;
	[smem:$0x3FD2] =	sst s25  }
0xa7: {  	s6 =	sshll.u32 s26, $0x1;
	_ =	strace $0x80000046;
	[dreg:$0x1] =	wrdreg $0xFFFFFFFF  }
0xa8: {  	s28 =	simm.s32 $_size_execute0_lowered;
	s4 =	sadd.s32 s4, s6;
	[dreg:$0x0] =	wrdreg $0x0  }
0xa9: {  	s6 =	sshll.u32 s28, $0x1;
	[dreg:$0x2] =	wrdreg s4  }
0xaa: {  	[dreg:$0x3] =	wrdreg s6  }
0xab: {  	[dreg:$0x4] =	wrdreg $0xC0  }
0xac: {  	_ =	task [dreg:s8], $0x5FFFF  }
0xad: {  	[dreg:$0x1] =	wrdreg $0xFFFFFFFF  }
0xae: {  	[dreg:$0x0] =	wrdreg $0x60  }
0xaf: {  	[dreg:$0x2] =	wrdreg s2  }
0xb0: {  	[dreg:$0x3] =	wrdreg s18  }
0xb1: {  	[dreg:$0x4] =	wrdreg s24  }
0xb2: {  	[dreg:$0x5] =	wrdreg $0x0  }
0xb3: {  	[dreg:$0x6] =	wrdreg $0x9  }
0xb4: {  	_ =	task.clear_ibuf [dreg:s8], $0x7FFFF;
	_ =	strace $0x90000046  }
0xb5: {  	s29 =	simm.s32 $0x9;
	_ =	strace $0x80000048  }
0xb6: {  	_ =	swait.ge [sflag:s29], $0x1  }
0xb7: {  	[sflag:s29] =	ssyncadd.s32 $0xFFFFFFFF  }
0xb8: {  	_ =	strace $0x90000048  }
0xb9: {  	_ =	sfence  }
0xba: {  	s30 =	sld [smem:$0x0];
	_ =	sdelay $0x2  }
0xbb: {  	s31 =	sshll.u32 s1, $0xD;
	s1 =	sshrl.u32 s1, $0x2  }
0xbc: {  	s3 =	sand.u32 $0x4000, s31;
	s1 =	sadd.s32 s1, s30  }
0xbd: {  	s0 =	sor.u32 s3, s0;
	s1 =	sshll.u32 s1, $0x11  }
0xbe: {  	s0 =	sor.u32 s1, s0  }
0xbf: {  	s0 =	sadd.s32 $0x8F2B, s0  }
0xc0: {  	[sflag:s0] =	ssyncadd.remote.s32 $0x1  }
0xc1: {  	_ =	sfence.sel $0xFFFF  }
0xc2: {  	[dreg:$0x0] =	wrdreg $0xFFFFFFFF;
	(pc) =	sbr.abs _section_cstart, $3  }
0xc3: {  	[dreg:$0x1] =	wrdreg $0xFFFFFFFF  }
0xc4: {  	_ =	task.clear_ibuf [dreg:s8], $0x2FFFF;
	_ =	strace $0x9FFFFFFF  }
0xc5: {  	(tm) =	ssettm $0x7FFFFFFF  }
tec
execute0_lowered:
.L_overlay_start_1:
0x0: {  	(tag) =	ssettag $0x1  }
0x1: {  	s1 =	rddreg [dreg:$0x0]  }
0x2: {  	s0 =	rddreg [dreg:$0x2]  }
0x3: {  	s3 =	rddreg [dreg:$0x3]  }
0x4: {  	s2 =	simm.s32 $0x0;
	s25 =	srdreg.scid;
	s5 =	stileid.u32  }
0x5: {  	[smem:$0x7FF] =	sst s2;
	s2 =	sand.u32 $0x1, s25;
	s4 =	sadd.s32 $0x2200, s0  }
0x6: {  	s7 =	sadd.s32 $0x14800, s0;
	_ =	strace $0x80000047;
	[smem:$0x7F3] =	sst s4  }
0x7: {  	s6 =	smul.u32 $0x62000, s5;
	s0 =	sadd.s32 $0x260800, s0;
	[dreg:$0x6] =	wrdreg s7  }
0x8: {  	s5 =	smul.u32 $0x3100, s5;
	[dreg:$0x7] =	wrdreg s0;
	s29 =	sshll.u32 s2, $0x1  }
0x9: {  	[dreg:$0x8] =	wrdreg s29  }
0xa: {  	s26 =	ssub.s32 $0x2, s2;
	p0 =	seq.s32 s2, $0x0;
	[dreg:$0x9] =	wrdreg s5  }
0xb: {  	s7 =	simm.s32 $0x1;
	[dreg:$0x5] =	wrdreg s6;
	s31 =	sadd.s32 $0x31000, s6  }
0xc: {  	s2 =	smul.u32 $0x62000, s2;
	s7 =	simm.s32 @!p0 $0x3;
	[dreg:$0xb] =	wrdreg s31  }
0xd: {  	s28 =	sshrl.u32 s26, $0x1;
	s30 =	sshrl.u32 s6, $0x2;
	[dreg:$0xc] =	wrdreg s7  }
0xe: {  	s5 =	sadd.s32 s30, s3;
	s4 =	sshrl.u32 s31, $0x2;
	[dreg:$0xe] =	wrdreg s2  }
0xf: {  	s0 =	ssub.s32 s26, s28;
	s4 =	sadd.s32 s4, s3;
	[dreg:$0xa] =	wrdreg s5  }
0x10: {  	s0 =	smax.u32 s0, $0x1;
	[dreg:$0xd] =	wrdreg s4  }
0x11: {  	s2 =	sadd.s32 $0xE00, s5;
	[dreg:$0xf] =	wrdreg s0  }
0x12: {  	s6 =	sadd.s32 $0x2A00, s5;
	[dreg:$0x10] =	wrdreg s2  }
0x13: {  	s7 =	sadd.s32 $0x3800, s5;
	[dreg:$0x12] =	wrdreg s6  }
0x14: {  	s8 =	sadd.s32 $0x4600, s5;
	[dreg:$0x13] =	wrdreg s7  }
0x15: {  	s9 =	sadd.s32 $0x5400, s5;
	[dreg:$0x14] =	wrdreg s8  }
0x16: {  	s10 =	sadd.s32 $0x6200, s5;
	[dreg:$0x15] =	wrdreg s9  }
0x17: {  	s11 =	sadd.s32 $0x7000, s5;
	[dreg:$0x16] =	wrdreg s10  }
0x18: {  	s12 =	sadd.s32 $0x7E00, s5;
	[dreg:$0x17] =	wrdreg s11  }
0x19: {  	s13 =	sadd.s32 $0x8C00, s5;
	[dreg:$0x18] =	wrdreg s12  }
0x1a: {  	s14 =	sadd.s32 $0x9A00, s5;
	[dreg:$0x19] =	wrdreg s13  }
0x1b: {  	s15 =	sadd.s32 $0xA800, s5;
	[dreg:$0x1a] =	wrdreg s14  }
0x1c: {  	s17 =	sadd.s32 $0xB600, s5;
	[dreg:$0x1b] =	wrdreg s15  }
0x1d: {  	s18 =	sadd.s32 $0xD200, s5;
	[dreg:$0x1c] =	wrdreg s17  }
0x1e: {  	s19 =	sadd.s32 $0xE000, s5;
	[dreg:$0x1d] =	wrdreg s18  }
0x1f: {  	s20 =	sadd.s32 $0xEE00, s5;
	[dreg:$0x1e] =	wrdreg s19  }
0x20: {  	s21 =	sadd.s32 $0xFC00, s5;
	[dreg:$0x1f] =	wrdreg s20  }
0x21: {  	s22 =	sadd.s32 $0x10A00, s5;
	[smem:$0x7F4] =	sst s21  }
0x22: {  	s23 =	sadd.s32 $0x11800, s5;
	[smem:$0x7F5] =	sst s22  }
0x23: {  	s24 =	sadd.s32 $0x12600, s5;
	[smem:$0x7F6] =	sst s23  }
0x24: {  	s25 =	sadd.s32 $0x13400, s5;
	[smem:$0x7F7] =	sst s24  }
0x25: {  	s26 =	sadd.s32 $0x14200, s5;
	[smem:$0x7F8] =	sst s25  }
0x26: {  	s28 =	sadd.s32 $0x15000, s5;
	[smem:$0x7F9] =	sst s26  }
0x27: {  	s29 =	sadd.s32 $0x15E00, s5;
	[smem:$0x7FA] =	sst s28  }
0x28: {  	s30 =	sadd.s32 $0x16C00, s5;
	[smem:$0x7FB] =	sst s29  }
0x29: {  	s16 =	simm.s32 $0x1;
	s31 =	sadd.s32 $0x17A00, s5;
	[smem:$0x7FC] =	sst s30  }
.Ltmp0:
0x2a: {  	s4 =	sadd.s32 $0x1C00, s5;
	[smem:$0x7FD] =	sst s31;
	(pc) =	sbr.rel .LBB2_1-.Ltmp0, $4  }
0x2b: {  	s0 =	simm.s32 $0x70;
	s18 =	simm.s32 $0x1B900;
	s13 =	simm.s32 $0x2  }
0x2c: {  	s20 =	simm.s32 $0x5;
	s22 =	simm.s32 $0x3;
	s11 =	simm.s32 $0x6  }
0x2d: {  	s5 =	simm.s32 $0x18A30;
	s15 =	simm.s32 $0x4;
	s2 =	simm.s32 $0x7  }
0x2e: {  	v0 =	vimm.f32 $0.0e+00;
	v1 =	vimm.f32 $1.000000000e+00;
	s7 =	simm.s32 $0x8;
	[dreg:$0x11] =	wrdreg s4;
	s4 =	simm.s32 $0x0  }
.LBB2_17:
0x2f: {  	s4 =	sld [smem:$0x7F2];
	_ =	sdelay $0x2  }
0x30: {  	s8 =	rddreg [dreg:$0xf];
	s4 =	sadd.s32 $0x1, s4  }
0x31: {  	p0 =	sne.s32 s4, s8  }
.Ltmp1:
0x32: {  	_ = 	snop;
	(pc) =	sbr.rel @!p0 .LBB2_18-.Ltmp1, $1  }
0x33: {  	_ =	sdelay $0x3  }
.LBB2_1:
0x34: {  	[smem:$0x7F2] =	sst s4;
	s14 =	simm.s32 $0x80;
	s25 =	simm.s32 $0x0  }
.LBB2_2:
0x35: {  	p0 =	sne.s32 s14, $0x3780;
	[tilespmem:s25+$0x1F100] =	vst v0;
	s29 =	smov.u32 s14;
	s14 =	sadd.s32 $0x80, s14  }
.Ltmp2:
0x36: {  	[tilespmem:s25+$0x1F110] =	vst v0;
	(pc) =	sbr.rel @p0 .LBB2_2-.Ltmp2, $2  }
0x37: {  	_ =	sdelay $0x2  }
0x38: {  	s25 =	sshra.s32 s29, $0x2  }
0x39: {  	[tilespmem:s25+$0x1F100] =	vst v0;
	s8 =	rddreg [dreg:$0xa]  }
0x3a: {  	[tilespmem:s25+$0x1F110] =	vst v0;
	s14 =	simm.s32 $0x1F100;
	s12 =	rddreg [dreg:$0x10]  }
0x3b: {  	[spmem:s8] =	stream.linear.scatter [tilespmem:s14], [sflag:$0x9], $0xE00, $0x38;
	[tilespmem:$0x1FF00] =	vst v63  }
0x3c: {  	s17 =	rddreg [dreg:$0x11]  }
0x3d: {  	[spmem:s12] =	stream.linear.scatter [tilespmem:s14], [sflag:$0x9], $0xE00, $0x38;
	[tilespmem:$0x1FF00] =	vst v63  }
0x3e: {  	s19 =	rddreg [dreg:$0x12]  }
0x3f: {  	[spmem:s17] =	stream.linear.scatter [tilespmem:s14], [sflag:$0x9], $0xE00, $0x38;
	[tilespmem:$0x1FF00] =	vst v63  }
0x40: {  	s21 =	rddreg [dreg:$0x13]  }
0x41: {  	[spmem:s19] =	stream.linear.scatter [tilespmem:s14], [sflag:$0x9], $0xE00, $0x38;
	[tilespmem:$0x1FF00] =	vst v63  }
0x42: {  	s23 =	rddreg [dreg:$0x14]  }
0x43: {  	[spmem:s21] =	stream.linear.scatter [tilespmem:s14], [sflag:$0x9], $0xE00, $0x38;
	[tilespmem:$0x1FF00] =	vst v63  }
0x44: {  	s24 =	rddreg [dreg:$0x15]  }
0x45: {  	[spmem:s23] =	stream.linear.scatter [tilespmem:s14], [sflag:$0x9], $0xE00, $0x38;
	[tilespmem:$0x1FF00] =	vst v63  }
0x46: {  	s25 =	rddreg [dreg:$0x16]  }
0x47: {  	[spmem:s24] =	stream.linear.scatter [tilespmem:s14], [sflag:$0x9], $0xE00, $0x38;
	[tilespmem:$0x1FF00] =	vst v63  }
0x48: {  	s26 =	rddreg [dreg:$0x17]  }
0x49: {  	[spmem:s25] =	stream.linear.scatter [tilespmem:s14], [sflag:$0x9], $0xE00, $0x38;
	[tilespmem:$0x1FF00] =	vst v63  }
0x4a: {  	s28 =	rddreg [dreg:$0x18]  }
0x4b: {  	[spmem:s26] =	stream.linear.scatter [tilespmem:s14], [sflag:$0x9], $0xE00, $0x38;
	[tilespmem:$0x1FF00] =	vst v63  }
0x4c: {  	s29 =	rddreg [dreg:$0x19]  }
0x4d: {  	[spmem:s28] =	stream.linear.scatter [tilespmem:s14], [sflag:$0x9], $0xE00, $0x38;
	[tilespmem:$0x1FF00] =	vst v63  }
0x4e: {  	s30 =	rddreg [dreg:$0x1a]  }
0x4f: {  	[spmem:s29] =	stream.linear.scatter [tilespmem:s14], [sflag:$0x9], $0xE00, $0x38;
	[tilespmem:$0x1FF00] =	vst v63  }
0x50: {  	s31 =	rddreg [dreg:$0x1b]  }
0x51: {  	[spmem:s30] =	stream.linear.scatter [tilespmem:s14], [sflag:$0x9], $0xE00, $0x38;
	[tilespmem:$0x1FF00] =	vst v63  }
0x52: {  	s4 =	rddreg [dreg:$0x1c]  }
0x53: {  	[spmem:s31] =	stream.linear.scatter [tilespmem:s14], [sflag:$0x9], $0xE00, $0x38;
	[tilespmem:$0x1FF00] =	vst v63  }
0x54: {  	s6 =	rddreg [dreg:$0xd]  }
0x55: {  	[spmem:s4] =	stream.linear.scatter [tilespmem:s14], [sflag:$0x9], $0xE00, $0x38;
	[tilespmem:$0x1FF00] =	vst v63  }
0x56: {  	s9 =	rddreg [dreg:$0x1d]  }
0x57: {  	[spmem:s6] =	stream.linear.scatter [tilespmem:s14], [sflag:$0x9], $0xE00, $0x38;
	[tilespmem:$0x1FF00] =	vst v63  }
0x58: {  	s10 =	rddreg [dreg:$0x1e]  }
0x59: {  	[spmem:s9] =	stream.linear.scatter [tilespmem:s14], [sflag:$0x9], $0xE00, $0x38;
	[tilespmem:$0x1FF00] =	vst v63  }
0x5a: {  	s12 =	rddreg [dreg:$0x1f]  }
0x5b: {  	[spmem:s10] =	stream.linear.scatter [tilespmem:s14], [sflag:$0x9], $0xE00, $0x38;
	[tilespmem:$0x1FF00] =	vst v63  }
0x5c: {  	s17 =	sld [smem:$0x7F4]  }
0x5d: {  	[spmem:s12] =	stream.linear.scatter [tilespmem:s14], [sflag:$0x9], $0xE00, $0x38;
	[tilespmem:$0x1FF00] =	vst v63  }
0x5e: {  	s19 =	sld [smem:$0x7F5]  }
0x5f: {  	[spmem:s17] =	stream.linear.scatter [tilespmem:s14], [sflag:$0x9], $0xE00, $0x38;
	[tilespmem:$0x1FF00] =	vst v63  }
0x60: {  	s21 =	sld [smem:$0x7F6]  }
0x61: {  	[spmem:s19] =	stream.linear.scatter [tilespmem:s14], [sflag:$0x9], $0xE00, $0x38;
	[tilespmem:$0x1FF00] =	vst v63  }
0x62: {  	s23 =	sld [smem:$0x7F7]  }
0x63: {  	[spmem:s21] =	stream.linear.scatter [tilespmem:s14], [sflag:$0x9], $0xE00, $0x38;
	[tilespmem:$0x1FF00] =	vst v63  }
0x64: {  	s24 =	sld [smem:$0x7F8]  }
0x65: {  	[spmem:s23] =	stream.linear.scatter [tilespmem:s14], [sflag:$0x9], $0xE00, $0x38;
	[tilespmem:$0x1FF00] =	vst v63  }
0x66: {  	s25 =	sld [smem:$0x7F9]  }
0x67: {  	[spmem:s24] =	stream.linear.scatter [tilespmem:s14], [sflag:$0x9], $0xE00, $0x38;
	[tilespmem:$0x1FF00] =	vst v63  }
0x68: {  	s26 =	sld [smem:$0x7FA]  }
0x69: {  	[spmem:s25] =	stream.linear.scatter [tilespmem:s14], [sflag:$0x9], $0xE00, $0x38;
	[tilespmem:$0x1FF00] =	vst v63  }
0x6a: {  	s28 =	sld [smem:$0x7FB]  }
0x6b: {  	[spmem:s26] =	stream.linear.scatter [tilespmem:s14], [sflag:$0x9], $0xE00, $0x38;
	[tilespmem:$0x1FF00] =	vst v63  }
0x6c: {  	s29 =	sld [smem:$0x7FC]  }
0x6d: {  	[spmem:s28] =	stream.linear.scatter [tilespmem:s14], [sflag:$0x9], $0xE00, $0x38;
	[tilespmem:$0x1FF00] =	vst v63  }
0x6e: {  	s30 =	sld [smem:$0x7FD]  }
0x6f: {  	[spmem:s29] =	stream.linear.scatter [tilespmem:s14], [sflag:$0x9], $0xE00, $0x38;
	[tilespmem:$0x1FF00] =	vst v63  }
0x70: {  	s31 =	simm.s32 $0x9  }
0x71: {  	[spmem:s30] =	stream.linear.scatter [tilespmem:s14], [sflag:$0x9], $0xE00, $0x38;
	[tilespmem:$0x1FF00] =	vst v63  }
0x72: {  	_ =	swait.ge [sflag:s31], $0xE00  }
0x73: {  	[sflag:s31] =	ssyncset.done $0x0  }
0x74: {  	[sflag:s31] =	ssyncadd.s32 $0xFFFFF200  }
0x75: {  	_ =	swait.ge [sflag:s31], $0xE00  }
0x76: {  	[sflag:s31] =	ssyncset.done $0x0  }
0x77: {  	[sflag:s31] =	ssyncadd.s32 $0xFFFFF200  }
0x78: {  	_ =	swait.ge [sflag:s31], $0xE00  }
0x79: {  	[sflag:s31] =	ssyncset.done $0x0  }
0x7a: {  	[sflag:s31] =	ssyncadd.s32 $0xFFFFF200  }
0x7b: {  	_ =	swait.ge [sflag:s31], $0xE00  }
0x7c: {  	[sflag:s31] =	ssyncset.done $0x0  }
0x7d: {  	[sflag:s31] =	ssyncadd.s32 $0xFFFFF200  }
0x7e: {  	_ =	swait.ge [sflag:s31], $0xE00  }
0x7f: {  	[sflag:s31] =	ssyncset.done $0x0  }
0x80: {  	[sflag:s31] =	ssyncadd.s32 $0xFFFFF200  }
0x81: {  	_ =	swait.ge [sflag:s31], $0xE00  }
0x82: {  	[sflag:s31] =	ssyncset.done $0x0  }
0x83: {  	[sflag:s31] =	ssyncadd.s32 $0xFFFFF200  }
0x84: {  	_ =	swait.ge [sflag:s31], $0xE00  }
0x85: {  	[sflag:s31] =	ssyncset.done $0x0  }
0x86: {  	[sflag:s31] =	ssyncadd.s32 $0xFFFFF200  }
0x87: {  	_ =	swait.ge [sflag:s31], $0xE00  }
0x88: {  	[sflag:s31] =	ssyncset.done $0x0  }
0x89: {  	[sflag:s31] =	ssyncadd.s32 $0xFFFFF200  }
0x8a: {  	_ =	swait.ge [sflag:s31], $0xE00  }
0x8b: {  	[sflag:s31] =	ssyncset.done $0x0  }
0x8c: {  	[sflag:s31] =	ssyncadd.s32 $0xFFFFF200  }
0x8d: {  	_ =	swait.ge [sflag:s31], $0xE00  }
0x8e: {  	[sflag:s31] =	ssyncset.done $0x0  }
0x8f: {  	[sflag:s31] =	ssyncadd.s32 $0xFFFFF200  }
0x90: {  	_ =	swait.ge [sflag:s31], $0xE00  }
0x91: {  	[sflag:s31] =	ssyncset.done $0x0  }
0x92: {  	[sflag:s31] =	ssyncadd.s32 $0xFFFFF200  }
0x93: {  	_ =	swait.ge [sflag:s31], $0xE00  }
0x94: {  	[sflag:s31] =	ssyncset.done $0x0  }
0x95: {  	[sflag:s31] =	ssyncadd.s32 $0xFFFFF200  }
0x96: {  	_ =	swait.ge [sflag:s31], $0xE00  }
0x97: {  	[sflag:s31] =	ssyncset.done $0x0  }
0x98: {  	[sflag:s31] =	ssyncadd.s32 $0xFFFFF200  }
0x99: {  	_ =	swait.ge [sflag:s31], $0xE00  }
0x9a: {  	[sflag:s31] =	ssyncset.done $0x0  }
0x9b: {  	[sflag:s31] =	ssyncadd.s32 $0xFFFFF200  }
0x9c: {  	_ =	swait.ge [sflag:s31], $0xE00  }
0x9d: {  	[sflag:s31] =	ssyncset.done $0x0  }
0x9e: {  	[sflag:s31] =	ssyncadd.s32 $0xFFFFF200  }
0x9f: {  	_ =	swait.ge [sflag:s31], $0xE00  }
0xa0: {  	[sflag:s31] =	ssyncset.done $0x0  }
0xa1: {  	[sflag:s31] =	ssyncadd.s32 $0xFFFFF200  }
0xa2: {  	_ =	swait.ge [sflag:s31], $0xE00  }
0xa3: {  	[sflag:s31] =	ssyncset.done $0x0  }
0xa4: {  	[sflag:s31] =	ssyncadd.s32 $0xFFFFF200  }
0xa5: {  	_ =	swait.ge [sflag:s31], $0xE00  }
0xa6: {  	[sflag:s31] =	ssyncset.done $0x0  }
0xa7: {  	[sflag:s31] =	ssyncadd.s32 $0xFFFFF200  }
0xa8: {  	_ =	swait.ge [sflag:s31], $0xE00  }
0xa9: {  	[sflag:s31] =	ssyncset.done $0x0  }
0xaa: {  	[sflag:s31] =	ssyncadd.s32 $0xFFFFF200  }
0xab: {  	_ =	swait.ge [sflag:s31], $0xE00  }
0xac: {  	[sflag:s31] =	ssyncset.done $0x0  }
0xad: {  	[sflag:s31] =	ssyncadd.s32 $0xFFFFF200  }
0xae: {  	_ =	swait.ge [sflag:s31], $0xE00  }
0xaf: {  	[sflag:s31] =	ssyncset.done $0x0  }
0xb0: {  	[sflag:s31] =	ssyncadd.s32 $0xFFFFF200  }
0xb1: {  	_ =	swait.ge [sflag:s31], $0xE00  }
0xb2: {  	[sflag:s31] =	ssyncset.done $0x0  }
0xb3: {  	[sflag:s31] =	ssyncadd.s32 $0xFFFFF200  }
0xb4: {  	_ =	swait.ge [sflag:s31], $0xE00  }
0xb5: {  	[sflag:s31] =	ssyncset.done $0x0  }
0xb6: {  	[sflag:s31] =	ssyncadd.s32 $0xFFFFF200  }
0xb7: {  	_ =	swait.ge [sflag:s31], $0xE00  }
0xb8: {  	[sflag:s31] =	ssyncset.done $0x0  }
0xb9: {  	[sflag:s31] =	ssyncadd.s32 $0xFFFFF200  }
0xba: {  	_ =	swait.ge [sflag:s31], $0xE00  }
0xbb: {  	[sflag:s31] =	ssyncset.done $0x0  }
0xbc: {  	[sflag:s31] =	ssyncadd.s32 $0xFFFFF200  }
0xbd: {  	_ =	swait.ge [sflag:s31], $0xE00  }
0xbe: {  	[sflag:s31] =	ssyncset.done $0x0  }
0xbf: {  	[sflag:s31] =	ssyncadd.s32 $0xFFFFF200  }
0xc0: {  	_ =	swait.ge [sflag:s31], $0xE00  }
0xc1: {  	[sflag:s31] =	ssyncset.done $0x0  }
0xc2: {  	[sflag:s31] =	ssyncadd.s32 $0xFFFFF200  }
0xc3: {  	_ =	swait.ge [sflag:s31], $0xE00  }
0xc4: {  	[sflag:s31] =	ssyncset.done $0x0  }
0xc5: {  	[sflag:s31] =	ssyncadd.s32 $0xFFFFF200  }
0xc6: {  	s6 =	simm.s32 $0x0;
	[bflag:$0x0] =	sbarrier.arrive $0xFFFF  }
.LBB2_4:
0xc7: {  	[smem:$0x7EC] =	sst s6  }
0xc8: {  	s8 =	rddreg [dreg:$0x8]  }
0xc9: {  	s17 =	rddreg [dreg:$0x9]  }
0xca: {  	s4 =	sshrl.u32 s6, $0x1;
	s14 =	sand.u32 $0x1, s6;
	s29 =	rddreg [dreg:$0x1]  }
0xcb: {  	s21 =	simm.s32 $0x0;
	s23 =	simm.s32 $0x19440;
	p0 =	por $0x1, $0x1  }
0xcc: {  	p1 =	por $0x0, $0x0;
	s9 =	simm.s32 $0x1E300;
	s10 =	simm.s32 $0x18D40  }
0xcd: {  	s28 =	simm.s32 $0x18E20;
	s31 =	simm.s32 $0x192F0;
	s12 =	smul.u32 $0xC4000, s4  }
0xce: {  	s6 =	sor.u32 s8, s14;
	[smem:$0x7EE] =	sst s4;
	s19 =	smul.u32 $0x31000, s4  }
0xcf: {  	s8 =	simm.s32 $0x1C700;
	[smem:$0x7ED] =	sst s6;
	s25 =	smul.u32 $0x31000, s6  }
0xd0: {  	s14 =	sadd.s32 s17, s12;
	s4 =	sadd.s32 s17, s19;
	s12 =	simm.s32 $0xB  }
0xd1: {  	s17 =	simm.s32 $0x18CD0;
	s6 =	sadd.s32 s25, s14;
	s30 =	smov.u32 s4  }
0xd2: {  	s25 =	sshrl.u32 s4, $0x3;
	s4 =	sld [smem:$0x7F3];
	s14 =	sshrl.u32 s6, $0x3  }
0xd3: {  	s26 =	smov.u32 s6;
	s14 =	sadd.s32 s29, s14;
	s29 =	simm.s32 $0x18800  }
0xd4: {  	[tilespmem:s29], [sflag:$0xA] =	stream.linear.gather [hbm4b:s14+s21], $0xC40, $0x38;
	[tilespmem:$0x1FF00] =	vst v63  }
0xd5: {  	s6 =	simm.s32 $0x18E90;
	s25 =	sadd.s32 s4, s25;
	s24 =	sadd.s32 $0x310, s14  }
0xd6: {  	[tilespmem:s23], [sflag:$0xA] =	stream.linear.gather [hbm4b:s25+s21], $0xC40, $0x38;
	[tilespmem:$0x1FF00] =	vst v63  }
0xd7: {  	s14 =	simm.s32 $0xC40;
	[smem:$0x7EF] =	sst s24;
	s25 =	sadd.s32 $0x310, s25  }
0xd8: {  	s29 =	simm.s32 $0x1D500;
	s21 =	simm.s32 $0x18DB0;
	[smem:$0x7F0] =	sst s25  }
.LBB2_5:
0xd9: {  	s24 =	simm.s32 $0xA  }
0xda: {  	_ =	swait.ge [sflag:s24], $0xC40  }
0xdb: {  	[sflag:s24] =	ssyncset.done $0x0  }
0xdc: {  	[sflag:s24] =	ssyncadd.s32 $0xFFFFF3C0  }
0xdd: {  	_ =	swait.ge [sflag:s24], $0xC40  }
0xde: {  	[sflag:s24] =	ssyncset.done $0x0  }
0xdf: {  	s25 =	sadd.s32 s26, s14;
	s19 =	simm.s32 $0x1A080;
	[sflag:s24] =	ssyncadd.s32 $0xFFFFF3C0  }
0xe0: {  	s23 =	sadd.s32 s30, s14;
	s25 =	sshrl.u32 s25, $0x3;
	s24 =	rddreg [dreg:$0x1]  }
0xe1: {  	s14 =	sshrl.u32 s23, $0x3;
	s25 =	sadd.s32 s24, s25;
	s24 =	simm.s32 $0x0  }
0xe2: {  	[tilespmem:s19], [sflag:$0xB] =	stream.linear.gather [hbm4b:s25+s24], $0xC40, $0x38;
	[tilespmem:$0x1FF00] =	vst v63  }
0xe3: {  	s23 =	simm.s32 $0x1ACC0;
	s14 =	sadd.s32 s4, s14  }
0xe4: {  	[tilespmem:s23], [sflag:$0xB] =	stream.linear.gather [hbm4b:s14+s24], $0xC40, $0x38;
	[tilespmem:$0x1FF00] =	vst v63  }
0xe5: {  	s25 =	simm.s32 $0x18800  }
0xe6: {  	[tilespmem:s18], [sflag:$0x1] =	stream.indirect.gather [hbm4b:s1+s0], $0x20, s25, s0, $0xb8;
	[tilespmem:$0x1FF00] =	vst v63  }
0xe7: {  	s24 =	simm.s32 $0x18870  }
0xe8: {  	[tilespmem:s8], [sflag:$0x2] =	stream.indirect.gather [hbm4b:s1+s0], $0x20, s24, s0, $0xb8;
	[tilespmem:$0x1FF00] =	vst v63  }
0xe9: {  	s25 =	simm.s32 $0x188E0  }
0xea: {  	[tilespmem:s29], [sflag:$0x3] =	stream.indirect.gather [hbm4b:s1+s0], $0x20, s25, s0, $0xb8;
	[tilespmem:$0x1FF00] =	vst v63  }
0xeb: {  	_ =	swait.ge [sflag:s16], $0xE00  }
0xec: {  	[sflag:s16] =	ssyncset.done $0x0  }
0xed: {  	s24 =	simm.s32 $0x19440;
	[sflag:s16] =	ssyncadd.s32 $0xFFFFF200  }
0xee: {  	[spmem:s3] =	stream.indirect.scatter.add.f32 [tilespmem:s18], [sflag:$0x5], $0x20, s24, s0, $0xb8;
	[tilespmem:$0x1FF00] =	vst v63  }
0xef: {  	s25 =	simm.s32 $0x18950  }
0xf0: {  	[tilespmem:s9], [sflag:$0x4] =	stream.indirect.gather [hbm4b:s1+s0], $0x20, s25, s0, $0xb8;
	[tilespmem:$0x1FF00] =	vst v63  }
0xf1: {  	_ =	swait.ge [sflag:s13], $0xE00  }
0xf2: {  	[sflag:s13] =	ssyncset.done $0x0  }
0xf3: {  	s24 =	simm.s32 $0x194B0;
	[sflag:s13] =	ssyncadd.s32 $0xFFFFF200  }
0xf4: {  	[spmem:s3] =	stream.indirect.scatter.add.f32 [tilespmem:s8], [sflag:$0x6], $0x20, s24, s0, $0xb8;
	[tilespmem:$0x1FF00] =	vst v63  }
0xf5: {  	_ =	swait.ge [sflag:s20], $0xE00  }
0xf6: {  	[sflag:s20] =	ssyncset.done $0x0  }
0xf7: {  	s25 =	simm.s32 $0x189C0;
	[sflag:s20] =	ssyncadd.s32 $0xFFFFF200  }
0xf8: {  	[tilespmem:s18], [sflag:$0x1] =	stream.indirect.gather [hbm4b:s1+s0], $0x20, s25, s0, $0xb8;
	[tilespmem:$0x1FF00] =	vst v63  }
0xf9: {  	_ =	swait.ge [sflag:s22], $0xE00  }
0xfa: {  	[sflag:s22] =	ssyncset.done $0x0  }
0xfb: {  	s24 =	simm.s32 $0x19520;
	[sflag:s22] =	ssyncadd.s32 $0xFFFFF200  }
0xfc: {  	[spmem:s3] =	stream.indirect.scatter.add.f32 [tilespmem:s29], [sflag:$0x7], $0x20, s24, s0, $0xb8;
	[tilespmem:$0x1FF00] =	vst v63  }
0xfd: {  	_ =	swait.ge [sflag:s11], $0xE00  }
0xfe: {  	[sflag:s11] =	ssyncset.done $0x0  }
0xff: {  	[sflag:s11] =	ssyncadd.s32 $0xFFFFF200  }
0x100: {  	[tilespmem:s8], [sflag:$0x2] =	stream.indirect.gather [hbm4b:s1+s0], $0x20, s5, s0, $0xb8;
	[tilespmem:$0x1FF00] =	vst v63  }
0x101: {  	_ =	swait.ge [sflag:s15], $0xE00  }
0x102: {  	[sflag:s15] =	ssyncset.done $0x0  }
0x103: {  	s25 =	simm.s32 $0x19590;
	[sflag:s15] =	ssyncadd.s32 $0xFFFFF200  }
0x104: {  	[spmem:s3] =	stream.indirect.scatter.add.f32 [tilespmem:s9], [sflag:$0x8], $0x20, s25, s0, $0xb8;
	[tilespmem:$0x1FF00] =	vst v63  }
0x105: {  	_ =	swait.ge [sflag:s2], $0xE00  }
0x106: {  	[sflag:s2] =	ssyncset.done $0x0  }
0x107: {  	s24 =	simm.s32 $0x18AA0;
	[sflag:s2] =	ssyncadd.s32 $0xFFFFF200  }
0x108: {  	[tilespmem:s29], [sflag:$0x3] =	stream.indirect.gather [hbm4b:s1+s0], $0x20, s24, s0, $0xb8;
	[tilespmem:$0x1FF00] =	vst v63  }
0x109: {  	_ =	swait.ge [sflag:s16], $0xE00  }
0x10a: {  	[sflag:s16] =	ssyncset.done $0x0  }
0x10b: {  	s25 =	simm.s32 $0x19600;
	[sflag:s16] =	ssyncadd.s32 $0xFFFFF200  }
0x10c: {  	[spmem:s3] =	stream.indirect.scatter.add.f32 [tilespmem:s18], [sflag:$0x5], $0x20, s25, s0, $0xb8;
	[tilespmem:$0x1FF00] =	vst v63  }
0x10d: {  	_ =	swait.ge [sflag:s7], $0xE00  }
0x10e: {  	[sflag:s7] =	ssyncset.done $0x0  }
0x10f: {  	s24 =	simm.s32 $0x18B10;
	[sflag:s7] =	ssyncadd.s32 $0xFFFFF200  }
0x110: {  	[tilespmem:s9], [sflag:$0x4] =	stream.indirect.gather [hbm4b:s1+s0], $0x20, s24, s0, $0xb8;
	[tilespmem:$0x1FF00] =	vst v63  }
0x111: {  	_ =	swait.ge [sflag:s13], $0xE00  }
0x112: {  	[sflag:s13] =	ssyncset.done $0x0  }
0x113: {  	s25 =	simm.s32 $0x19670;
	[sflag:s13] =	ssyncadd.s32 $0xFFFFF200  }
0x114: {  	[spmem:s3] =	stream.indirect.scatter.add.f32 [tilespmem:s8], [sflag:$0x6], $0x20, s25, s0, $0xb8;
	[tilespmem:$0x1FF00] =	vst v63  }
0x115: {  	_ =	swait.ge [sflag:s20], $0xE00  }
0x116: {  	[sflag:s20] =	ssyncset.done $0x0  }
0x117: {  	s24 =	simm.s32 $0x18B80;
	[sflag:s20] =	ssyncadd.s32 $0xFFFFF200  }
0x118: {  	[tilespmem:s18], [sflag:$0x1] =	stream.indirect.gather [hbm4b:s1+s0], $0x20, s24, s0, $0xb8;
	[tilespmem:$0x1FF00] =	vst v63  }
0x119: {  	_ =	swait.ge [sflag:s22], $0xE00  }
0x11a: {  	[sflag:s22] =	ssyncset.done $0x0  }
0x11b: {  	s25 =	simm.s32 $0x196E0;
	[sflag:s22] =	ssyncadd.s32 $0xFFFFF200  }
0x11c: {  	[spmem:s3] =	stream.indirect.scatter.add.f32 [tilespmem:s29], [sflag:$0x7], $0x20, s25, s0, $0xb8;
	[tilespmem:$0x1FF00] =	vst v63  }
0x11d: {  	_ =	swait.ge [sflag:s11], $0xE00  }
0x11e: {  	[sflag:s11] =	ssyncset.done $0x0  }
0x11f: {  	s24 =	simm.s32 $0x18BF0;
	[sflag:s11] =	ssyncadd.s32 $0xFFFFF200  }
0x120: {  	[tilespmem:s8], [sflag:$0x2] =	stream.indirect.gather [hbm4b:s1+s0], $0x20, s24, s0, $0xb8;
	[tilespmem:$0x1FF00] =	vst v63  }
0x121: {  	_ =	swait.ge [sflag:s15], $0xE00  }
0x122: {  	[sflag:s15] =	ssyncset.done $0x0  }
0x123: {  	s25 =	simm.s32 $0x19750;
	[sflag:s15] =	ssyncadd.s32 $0xFFFFF200  }
0x124: {  	[spmem:s3] =	stream.indirect.scatter.add.f32 [tilespmem:s9], [sflag:$0x8], $0x20, s25, s0, $0xb8;
	[tilespmem:$0x1FF00] =	vst v63  }
0x125: {  	_ =	swait.ge [sflag:s2], $0xE00  }
0x126: {  	[sflag:s2] =	ssyncset.done $0x0  }
0x127: {  	s24 =	simm.s32 $0x18C60;
	[sflag:s2] =	ssyncadd.s32 $0xFFFFF200  }
0x128: {  	[tilespmem:s29], [sflag:$0x3] =	stream.indirect.gather [hbm4b:s1+s0], $0x20, s24, s0, $0xb8;
	[tilespmem:$0x1FF00] =	vst v63  }
0x129: {  	_ =	swait.ge [sflag:s16], $0xE00  }
0x12a: {  	[sflag:s16] =	ssyncset.done $0x0  }
0x12b: {  	s25 =	simm.s32 $0x197C0;
	[sflag:s16] =	ssyncadd.s32 $0xFFFFF200  }
0x12c: {  	[spmem:s3] =	stream.indirect.scatter.add.f32 [tilespmem:s18], [sflag:$0x5], $0x20, s25, s0, $0xb8;
	[tilespmem:$0x1FF00] =	vst v63  }
0x12d: {  	_ =	swait.ge [sflag:s7], $0xE00  }
0x12e: {  	[sflag:s7] =	ssyncset.done $0x0  }
0x12f: {  	[sflag:s7] =	ssyncadd.s32 $0xFFFFF200  }
0x130: {  	[tilespmem:s9], [sflag:$0x4] =	stream.indirect.gather [hbm4b:s1+s0], $0x20, s17, s0, $0xb8;
	[tilespmem:$0x1FF00] =	vst v63  }
0x131: {  	_ =	swait.ge [sflag:s13], $0xE00  }
0x132: {  	[sflag:s13] =	ssyncset.done $0x0  }
0x133: {  	s24 =	simm.s32 $0x19830;
	[sflag:s13] =	ssyncadd.s32 $0xFFFFF200  }
0x134: {  	[spmem:s3] =	stream.indirect.scatter.add.f32 [tilespmem:s8], [sflag:$0x6], $0x20, s24, s0, $0xb8;
	[tilespmem:$0x1FF00] =	vst v63  }
0x135: {  	_ =	swait.ge [sflag:s20], $0xE00  }
0x136: {  	[sflag:s20] =	ssyncset.done $0x0  }
0x137: {  	[sflag:s20] =	ssyncadd.s32 $0xFFFFF200  }
0x138: {  	[tilespmem:s18], [sflag:$0x1] =	stream.indirect.gather [hbm4b:s1+s0], $0x20, s10, s0, $0xb8;
	[tilespmem:$0x1FF00] =	vst v63  }
0x139: {  	_ =	swait.ge [sflag:s22], $0xE00  }
0x13a: {  	[sflag:s22] =	ssyncset.done $0x0  }
0x13b: {  	s25 =	simm.s32 $0x198A0;
	[sflag:s22] =	ssyncadd.s32 $0xFFFFF200  }
0x13c: {  	[spmem:s3] =	stream.indirect.scatter.add.f32 [tilespmem:s29], [sflag:$0x7], $0x20, s25, s0, $0xb8;
	[tilespmem:$0x1FF00] =	vst v63  }
0x13d: {  	_ =	swait.ge [sflag:s11], $0xE00  }
0x13e: {  	[sflag:s11] =	ssyncset.done $0x0  }
0x13f: {  	[sflag:s11] =	ssyncadd.s32 $0xFFFFF200  }
0x140: {  	[tilespmem:s8], [sflag:$0x2] =	stream.indirect.gather [hbm4b:s1+s0], $0x20, s21, s0, $0xb8;
	[tilespmem:$0x1FF00] =	vst v63  }
0x141: {  	_ =	swait.ge [sflag:s15], $0xE00  }
0x142: {  	[sflag:s15] =	ssyncset.done $0x0  }
0x143: {  	s24 =	simm.s32 $0x19910;
	[sflag:s15] =	ssyncadd.s32 $0xFFFFF200  }
0x144: {  	[spmem:s3] =	stream.indirect.scatter.add.f32 [tilespmem:s9], [sflag:$0x8], $0x20, s24, s0, $0xb8;
	[tilespmem:$0x1FF00] =	vst v63  }
0x145: {  	_ =	swait.ge [sflag:s2], $0xE00  }
0x146: {  	[sflag:s2] =	ssyncset.done $0x0  }
0x147: {  	[sflag:s2] =	ssyncadd.s32 $0xFFFFF200  }
0x148: {  	[tilespmem:s29], [sflag:$0x3] =	stream.indirect.gather [hbm4b:s1+s0], $0x20, s28, s0, $0xb8;
	[tilespmem:$0x1FF00] =	vst v63  }
0x149: {  	_ =	swait.ge [sflag:s16], $0xE00  }
0x14a: {  	[sflag:s16] =	ssyncset.done $0x0  }
0x14b: {  	s25 =	simm.s32 $0x19980;
	[sflag:s16] =	ssyncadd.s32 $0xFFFFF200  }
0x14c: {  	[spmem:s3] =	stream.indirect.scatter.add.f32 [tilespmem:s18], [sflag:$0x5], $0x20, s25, s0, $0xb8;
	[tilespmem:$0x1FF00] =	vst v63  }
0x14d: {  	_ =	swait.ge [sflag:s7], $0xE00  }
0x14e: {  	[sflag:s7] =	ssyncset.done $0x0  }
0x14f: {  	[sflag:s7] =	ssyncadd.s32 $0xFFFFF200  }
0x150: {  	[tilespmem:s9], [sflag:$0x4] =	stream.indirect.gather [hbm4b:s1+s0], $0x20, s6, s0, $0xb8;
	[tilespmem:$0x1FF00] =	vst v63  }
0x151: {  	_ =	swait.ge [sflag:s13], $0xE00  }
0x152: {  	[sflag:s13] =	ssyncset.done $0x0  }
0x153: {  	s24 =	simm.s32 $0x199F0;
	[sflag:s13] =	ssyncadd.s32 $0xFFFFF200  }
0x154: {  	[spmem:s3] =	stream.indirect.scatter.add.f32 [tilespmem:s8], [sflag:$0x6], $0x20, s24, s0, $0xb8;
	[tilespmem:$0x1FF00] =	vst v63  }
0x155: {  	_ =	swait.ge [sflag:s20], $0xE00  }
0x156: {  	[sflag:s20] =	ssyncset.done $0x0  }
0x157: {  	s25 =	simm.s32 $0x18F00;
	[sflag:s20] =	ssyncadd.s32 $0xFFFFF200  }
0x158: {  	[tilespmem:s18], [sflag:$0x1] =	stream.indirect.gather [hbm4b:s1+s0], $0x20, s25, s0, $0xb8;
	[tilespmem:$0x1FF00] =	vst v63  }
0x159: {  	_ =	swait.ge [sflag:s22], $0xE00  }
0x15a: {  	[sflag:s22] =	ssyncset.done $0x0  }
0x15b: {  	s24 =	simm.s32 $0x19A60;
	[sflag:s22] =	ssyncadd.s32 $0xFFFFF200  }
0x15c: {  	[spmem:s3] =	stream.indirect.scatter.add.f32 [tilespmem:s29], [sflag:$0x7], $0x20, s24, s0, $0xb8;
	[tilespmem:$0x1FF00] =	vst v63  }
0x15d: {  	_ =	swait.ge [sflag:s11], $0xE00  }
0x15e: {  	[sflag:s11] =	ssyncset.done $0x0  }
0x15f: {  	s25 =	simm.s32 $0x18F70;
	[sflag:s11] =	ssyncadd.s32 $0xFFFFF200  }
0x160: {  	[tilespmem:s8], [sflag:$0x2] =	stream.indirect.gather [hbm4b:s1+s0], $0x20, s25, s0, $0xb8;
	[tilespmem:$0x1FF00] =	vst v63  }
0x161: {  	_ =	swait.ge [sflag:s15], $0xE00  }
0x162: {  	[sflag:s15] =	ssyncset.done $0x0  }
0x163: {  	s24 =	simm.s32 $0x19AD0;
	[sflag:s15] =	ssyncadd.s32 $0xFFFFF200  }
0x164: {  	[spmem:s3] =	stream.indirect.scatter.add.f32 [tilespmem:s9], [sflag:$0x8], $0x20, s24, s0, $0xb8;
	[tilespmem:$0x1FF00] =	vst v63  }
0x165: {  	_ =	swait.ge [sflag:s2], $0xE00  }
0x166: {  	[sflag:s2] =	ssyncset.done $0x0  }
0x167: {  	s25 =	simm.s32 $0x18FE0;
	[sflag:s2] =	ssyncadd.s32 $0xFFFFF200  }
0x168: {  	[tilespmem:s29], [sflag:$0x3] =	stream.indirect.gather [hbm4b:s1+s0], $0x20, s25, s0, $0xb8;
	[tilespmem:$0x1FF00] =	vst v63  }
0x169: {  	_ =	swait.ge [sflag:s16], $0xE00  }
0x16a: {  	[sflag:s16] =	ssyncset.done $0x0  }
0x16b: {  	s24 =	simm.s32 $0x19B40;
	[sflag:s16] =	ssyncadd.s32 $0xFFFFF200  }
0x16c: {  	[spmem:s3] =	stream.indirect.scatter.add.f32 [tilespmem:s18], [sflag:$0x5], $0x20, s24, s0, $0xb8;
	[tilespmem:$0x1FF00] =	vst v63  }
0x16d: {  	_ =	swait.ge [sflag:s7], $0xE00  }
0x16e: {  	[sflag:s7] =	ssyncset.done $0x0  }
0x16f: {  	s25 =	simm.s32 $0x19050;
	[sflag:s7] =	ssyncadd.s32 $0xFFFFF200  }
0x170: {  	[tilespmem:s9], [sflag:$0x4] =	stream.indirect.gather [hbm4b:s1+s0], $0x20, s25, s0, $0xb8;
	[tilespmem:$0x1FF00] =	vst v63  }
0x171: {  	_ =	swait.ge [sflag:s13], $0xE00  }
0x172: {  	[sflag:s13] =	ssyncset.done $0x0  }
0x173: {  	s24 =	simm.s32 $0x19BB0;
	[sflag:s13] =	ssyncadd.s32 $0xFFFFF200  }
0x174: {  	[spmem:s3] =	stream.indirect.scatter.add.f32 [tilespmem:s8], [sflag:$0x6], $0x20, s24, s0, $0xb8;
	[tilespmem:$0x1FF00] =	vst v63  }
0x175: {  	_ =	swait.ge [sflag:s20], $0xE00  }
0x176: {  	[sflag:s20] =	ssyncset.done $0x0  }
0x177: {  	s25 =	simm.s32 $0x190C0;
	[sflag:s20] =	ssyncadd.s32 $0xFFFFF200  }
0x178: {  	[tilespmem:s18], [sflag:$0x1] =	stream.indirect.gather [hbm4b:s1+s0], $0x20, s25, s0, $0xb8;
	[tilespmem:$0x1FF00] =	vst v63  }
0x179: {  	_ =	swait.ge [sflag:s22], $0xE00  }
0x17a: {  	[sflag:s22] =	ssyncset.done $0x0  }
0x17b: {  	s24 =	simm.s32 $0x19C20;
	[sflag:s22] =	ssyncadd.s32 $0xFFFFF200  }
0x17c: {  	[spmem:s3] =	stream.indirect.scatter.add.f32 [tilespmem:s29], [sflag:$0x7], $0x20, s24, s0, $0xb8;
	[tilespmem:$0x1FF00] =	vst v63  }
0x17d: {  	_ =	swait.ge [sflag:s11], $0xE00  }
0x17e: {  	[sflag:s11] =	ssyncset.done $0x0  }
0x17f: {  	s25 =	simm.s32 $0x19130;
	[sflag:s11] =	ssyncadd.s32 $0xFFFFF200  }
0x180: {  	[tilespmem:s8], [sflag:$0x2] =	stream.indirect.gather [hbm4b:s1+s0], $0x20, s25, s0, $0xb8;
	[tilespmem:$0x1FF00] =	vst v63  }
0x181: {  	_ =	swait.ge [sflag:s15], $0xE00  }
0x182: {  	[sflag:s15] =	ssyncset.done $0x0  }
0x183: {  	s24 =	simm.s32 $0x19C90;
	[sflag:s15] =	ssyncadd.s32 $0xFFFFF200  }
0x184: {  	[spmem:s3] =	stream.indirect.scatter.add.f32 [tilespmem:s9], [sflag:$0x8], $0x20, s24, s0, $0xb8;
	[tilespmem:$0x1FF00] =	vst v63  }
0x185: {  	_ =	swait.ge [sflag:s2], $0xE00  }
0x186: {  	[sflag:s2] =	ssyncset.done $0x0  }
0x187: {  	s25 =	simm.s32 $0x191A0;
	[sflag:s2] =	ssyncadd.s32 $0xFFFFF200  }
0x188: {  	[tilespmem:s29], [sflag:$0x3] =	stream.indirect.gather [hbm4b:s1+s0], $0x20, s25, s0, $0xb8;
	[tilespmem:$0x1FF00] =	vst v63  }
0x189: {  	_ =	swait.ge [sflag:s16], $0xE00  }
0x18a: {  	[sflag:s16] =	ssyncset.done $0x0  }
0x18b: {  	s24 =	simm.s32 $0x19D00;
	[sflag:s16] =	ssyncadd.s32 $0xFFFFF200  }
0x18c: {  	[spmem:s3] =	stream.indirect.scatter.add.f32 [tilespmem:s18], [sflag:$0x5], $0x20, s24, s0, $0xb8;
	[tilespmem:$0x1FF00] =	vst v63  }
0x18d: {  	_ =	swait.ge [sflag:s7], $0xE00  }
0x18e: {  	[sflag:s7] =	ssyncset.done $0x0  }
0x18f: {  	s25 =	simm.s32 $0x19210;
	[sflag:s7] =	ssyncadd.s32 $0xFFFFF200  }
0x190: {  	[tilespmem:s9], [sflag:$0x4] =	stream.indirect.gather [hbm4b:s1+s0], $0x20, s25, s0, $0xb8;
	[tilespmem:$0x1FF00] =	vst v63  }
0x191: {  	_ =	swait.ge [sflag:s13], $0xE00  }
0x192: {  	[sflag:s13] =	ssyncset.done $0x0  }
0x193: {  	s24 =	simm.s32 $0x19D70;
	[sflag:s13] =	ssyncadd.s32 $0xFFFFF200  }
0x194: {  	[spmem:s3] =	stream.indirect.scatter.add.f32 [tilespmem:s8], [sflag:$0x6], $0x20, s24, s0, $0xb8;
	[tilespmem:$0x1FF00] =	vst v63  }
0x195: {  	_ =	swait.ge [sflag:s20], $0xE00  }
0x196: {  	[sflag:s20] =	ssyncset.done $0x0  }
0x197: {  	s25 =	simm.s32 $0x19280;
	[sflag:s20] =	ssyncadd.s32 $0xFFFFF200  }
0x198: {  	[tilespmem:s18], [sflag:$0x1] =	stream.indirect.gather [hbm4b:s1+s0], $0x20, s25, s0, $0xb8;
	[tilespmem:$0x1FF00] =	vst v63  }
0x199: {  	_ =	swait.ge [sflag:s22], $0xE00  }
0x19a: {  	[sflag:s22] =	ssyncset.done $0x0  }
0x19b: {  	s24 =	simm.s32 $0x19DE0;
	[sflag:s22] =	ssyncadd.s32 $0xFFFFF200  }
0x19c: {  	[spmem:s3] =	stream.indirect.scatter.add.f32 [tilespmem:s29], [sflag:$0x7], $0x20, s24, s0, $0xb8;
	[tilespmem:$0x1FF00] =	vst v63  }
0x19d: {  	_ =	swait.ge [sflag:s11], $0xE00  }
0x19e: {  	[sflag:s11] =	ssyncset.done $0x0  }
0x19f: {  	[sflag:s11] =	ssyncadd.s32 $0xFFFFF200  }
0x1a0: {  	[tilespmem:s8], [sflag:$0x2] =	stream.indirect.gather [hbm4b:s1+s0], $0x20, s31, s0, $0xb8;
	[tilespmem:$0x1FF00] =	vst v63  }
0x1a1: {  	_ =	swait.ge [sflag:s15], $0xE00  }
0x1a2: {  	[sflag:s15] =	ssyncset.done $0x0  }
0x1a3: {  	s25 =	simm.s32 $0x19E50;
	[sflag:s15] =	ssyncadd.s32 $0xFFFFF200  }
0x1a4: {  	[spmem:s3] =	stream.indirect.scatter.add.f32 [tilespmem:s9], [sflag:$0x8], $0x20, s25, s0, $0xb8;
	[tilespmem:$0x1FF00] =	vst v63  }
0x1a5: {  	_ =	swait.ge [sflag:s2], $0xE00  }
0x1a6: {  	[sflag:s2] =	ssyncset.done $0x0  }
0x1a7: {  	s24 =	simm.s32 $0x19360;
	[sflag:s2] =	ssyncadd.s32 $0xFFFFF200  }
0x1a8: {  	[tilespmem:s29], [sflag:$0x3] =	stream.indirect.gather [hbm4b:s1+s0], $0x20, s24, s0, $0xb8;
	[tilespmem:$0x1FF00] =	vst v63  }
0x1a9: {  	_ =	swait.ge [sflag:s16], $0xE00  }
0x1aa: {  	[sflag:s16] =	ssyncset.done $0x0  }
0x1ab: {  	s25 =	simm.s32 $0x19EC0;
	[sflag:s16] =	ssyncadd.s32 $0xFFFFF200  }
0x1ac: {  	[spmem:s3] =	stream.indirect.scatter.add.f32 [tilespmem:s18], [sflag:$0x5], $0x20, s25, s0, $0xb8;
	[tilespmem:$0x1FF00] =	vst v63  }
0x1ad: {  	_ =	swait.ge [sflag:s7], $0xE00  }
0x1ae: {  	[sflag:s7] =	ssyncset.done $0x0  }
0x1af: {  	s24 =	simm.s32 $0x193D0;
	[sflag:s7] =	ssyncadd.s32 $0xFFFFF200  }
0x1b0: {  	[tilespmem:s9], [sflag:$0x4] =	stream.indirect.gather [hbm4b:s1+s0], $0x20, s24, s0, $0xb8;
	[tilespmem:$0x1FF00] =	vst v63  }
0x1b1: {  	_ =	swait.ge [sflag:s13], $0xE00  }
0x1b2: {  	[sflag:s13] =	ssyncset.done $0x0  }
0x1b3: {  	s25 =	simm.s32 $0x19F30;
	[sflag:s13] =	ssyncadd.s32 $0xFFFFF200  }
0x1b4: {  	[spmem:s3] =	stream.indirect.scatter.add.f32 [tilespmem:s8], [sflag:$0x6], $0x20, s25, s0, $0xb8;
	[tilespmem:$0x1FF00] =	vst v63  }
0x1b5: {  	_ =	swait.ge [sflag:s20], $0xE00  }
0x1b6: {  	[sflag:s20] =	ssyncset.done $0x0  }
0x1b7: {  	[sflag:s20] =	ssyncadd.s32 $0xFFFFF200  }
0x1b8: {  	_ =	swait.ge [sflag:s22], $0xE00  }
0x1b9: {  	[sflag:s22] =	ssyncset.done $0x0  }
0x1ba: {  	s24 =	simm.s32 $0x19FA0;
	[sflag:s22] =	ssyncadd.s32 $0xFFFFF200  }
0x1bb: {  	[spmem:s3] =	stream.indirect.scatter.add.f32 [tilespmem:s29], [sflag:$0x7], $0x20, s24, s0, $0xb8;
	[tilespmem:$0x1FF00] =	vst v63  }
0x1bc: {  	_ =	swait.ge [sflag:s11], $0xE00  }
0x1bd: {  	[sflag:s11] =	ssyncset.done $0x0  }
0x1be: {  	[sflag:s11] =	ssyncadd.s32 $0xFFFFF200  }
0x1bf: {  	_ =	swait.ge [sflag:s15], $0xE00  }
0x1c0: {  	[sflag:s15] =	ssyncset.done $0x0  }
0x1c1: {  	s25 =	simm.s32 $0x1A010;
	[sflag:s15] =	ssyncadd.s32 $0xFFFFF200  }
0x1c2: {  	[spmem:s3] =	stream.indirect.scatter.add.f32 [tilespmem:s9], [sflag:$0x8], $0x20, s25, s0, $0xb8;
	[tilespmem:$0x1FF00] =	vst v63  }
0x1c3: {  	_ =	swait.ge [sflag:s2], $0xE00  }
0x1c4: {  	[sflag:s2] =	ssyncset.done $0x0  }
0x1c5: {  	[sflag:s2] =	ssyncadd.s32 $0xFFFFF200  }
0x1c6: {  	_ =	swait.ge [sflag:s7], $0xE00  }
0x1c7: {  	[sflag:s7] =	ssyncset.done $0x0  }
0x1c8: {  	[sflag:s7] =	ssyncadd.s32 $0xFFFFF200  }
0x1c9: {  	_ =	swait.ge [sflag:s12], $0xC40  }
0x1ca: {  	[sflag:s12] =	ssyncset.done $0x0  }
0x1cb: {  	[sflag:s12] =	ssyncadd.s32 $0xFFFFF3C0  }
0x1cc: {  	_ =	swait.ge [sflag:s12], $0xC40  }
0x1cd: {  	s24 =	sld [smem:$0x7EF]  }
0x1ce: {  	[sflag:s12] =	ssyncset.done $0x0  }
0x1cf: {  	s14 =	simm.s32 @!p1 $0x0;
	s25 =	simm.s32 @!p1 $0x18800;
	[sflag:s12] =	ssyncadd.s32 $0xFFFFF3C0  }
0x1d0: {  	[tilespmem:s25], [sflag:$0xA] =	stream.linear.gather @!p1 [hbm4b:s24+s14], $0xC40, $0x38;
	[tilespmem:$0x1FF00] =	vst v63  }
0x1d1: {  	s24 =	sld [smem:$0x7F0];
	_ =	sdelay $0x1  }
0x1d2: {  	s25 =	simm.s32 @!p1 $0x19440  }
0x1d3: {  	[tilespmem:s25], [sflag:$0xA] =	stream.linear.gather @!p1 [hbm4b:s24+s14], $0xC40, $0x38;
	[tilespmem:$0x1FF00] =	vst v63  }
0x1d4: {  	_ = 	snop  }
0x1d5: {  	[tilespmem:s18], [sflag:$0x1] =	stream.indirect.gather [hbm4b:s1+s0], $0x20, s19, s0, $0xb8;
	[tilespmem:$0x1FF00] =	vst v63  }
0x1d6: {  	s24 =	simm.s32 $0x1A0F0  }
0x1d7: {  	[tilespmem:s8], [sflag:$0x2] =	stream.indirect.gather [hbm4b:s1+s0], $0x20, s24, s0, $0xb8;
	[tilespmem:$0x1FF00] =	vst v63  }
0x1d8: {  	s25 =	simm.s32 $0x1A160  }
0x1d9: {  	[tilespmem:s29], [sflag:$0x3] =	stream.indirect.gather [hbm4b:s1+s0], $0x20, s25, s0, $0xb8;
	[tilespmem:$0x1FF00] =	vst v63  }
0x1da: {  	_ =	swait.ge [sflag:s16], $0xE00  }
0x1db: {  	[sflag:s16] =	ssyncset.done $0x0  }
0x1dc: {  	[sflag:s16] =	ssyncadd.s32 $0xFFFFF200  }
0x1dd: {  	[spmem:s3] =	stream.indirect.scatter.add.f32 [tilespmem:s18], [sflag:$0x5], $0x20, s23, s0, $0xb8;
	[tilespmem:$0x1FF00] =	vst v63  }
0x1de: {  	s19 =	simm.s32 $0x1A1D0  }
0x1df: {  	[tilespmem:s9], [sflag:$0x4] =	stream.indirect.gather [hbm4b:s1+s0], $0x20, s19, s0, $0xb8;
	[tilespmem:$0x1FF00] =	vst v63  }
0x1e0: {  	_ =	swait.ge [sflag:s13], $0xE00  }
0x1e1: {  	[sflag:s13] =	ssyncset.done $0x0  }
0x1e2: {  	s23 =	simm.s32 $0x1AD30;
	[sflag:s13] =	ssyncadd.s32 $0xFFFFF200  }
0x1e3: {  	[spmem:s3] =	stream.indirect.scatter.add.f32 [tilespmem:s8], [sflag:$0x6], $0x20, s23, s0, $0xb8;
	[tilespmem:$0x1FF00] =	vst v63  }
0x1e4: {  	_ =	swait.ge [sflag:s20], $0xE00  }
0x1e5: {  	[sflag:s20] =	ssyncset.done $0x0  }
0x1e6: {  	s24 =	simm.s32 $0x1A240;
	[sflag:s20] =	ssyncadd.s32 $0xFFFFF200  }
0x1e7: {  	[tilespmem:s18], [sflag:$0x1] =	stream.indirect.gather [hbm4b:s1+s0], $0x20, s24, s0, $0xb8;
	[tilespmem:$0x1FF00] =	vst v63  }
0x1e8: {  	_ =	swait.ge [sflag:s22], $0xE00  }
0x1e9: {  	[sflag:s22] =	ssyncset.done $0x0  }
0x1ea: {  	s25 =	simm.s32 $0x1ADA0;
	[sflag:s22] =	ssyncadd.s32 $0xFFFFF200  }
0x1eb: {  	[spmem:s3] =	stream.indirect.scatter.add.f32 [tilespmem:s29], [sflag:$0x7], $0x20, s25, s0, $0xb8;
	[tilespmem:$0x1FF00] =	vst v63  }
0x1ec: {  	_ =	swait.ge [sflag:s11], $0xE00  }
0x1ed: {  	[sflag:s11] =	ssyncset.done $0x0  }
0x1ee: {  	s19 =	simm.s32 $0x1A2B0;
	[sflag:s11] =	ssyncadd.s32 $0xFFFFF200  }
0x1ef: {  	[tilespmem:s8], [sflag:$0x2] =	stream.indirect.gather [hbm4b:s1+s0], $0x20, s19, s0, $0xb8;
	[tilespmem:$0x1FF00] =	vst v63  }
0x1f0: {  	_ =	swait.ge [sflag:s15], $0xE00  }
0x1f1: {  	[sflag:s15] =	ssyncset.done $0x0  }
0x1f2: {  	s23 =	simm.s32 $0x1AE10;
	[sflag:s15] =	ssyncadd.s32 $0xFFFFF200  }
0x1f3: {  	[spmem:s3] =	stream.indirect.scatter.add.f32 [tilespmem:s9], [sflag:$0x8], $0x20, s23, s0, $0xb8;
	[tilespmem:$0x1FF00] =	vst v63  }
0x1f4: {  	_ =	swait.ge [sflag:s2], $0xE00  }
0x1f5: {  	[sflag:s2] =	ssyncset.done $0x0  }
0x1f6: {  	s24 =	simm.s32 $0x1A320;
	[sflag:s2] =	ssyncadd.s32 $0xFFFFF200  }
0x1f7: {  	[tilespmem:s29], [sflag:$0x3] =	stream.indirect.gather [hbm4b:s1+s0], $0x20, s24, s0, $0xb8;
	[tilespmem:$0x1FF00] =	vst v63  }
0x1f8: {  	_ =	swait.ge [sflag:s16], $0xE00  }
0x1f9: {  	[sflag:s16] =	ssyncset.done $0x0  }
0x1fa: {  	s25 =	simm.s32 $0x1AE80;
	[sflag:s16] =	ssyncadd.s32 $0xFFFFF200  }
0x1fb: {  	[spmem:s3] =	stream.indirect.scatter.add.f32 [tilespmem:s18], [sflag:$0x5], $0x20, s25, s0, $0xb8;
	[tilespmem:$0x1FF00] =	vst v63  }
0x1fc: {  	_ =	swait.ge [sflag:s7], $0xE00  }
0x1fd: {  	[sflag:s7] =	ssyncset.done $0x0  }
0x1fe: {  	s19 =	simm.s32 $0x1A390;
	[sflag:s7] =	ssyncadd.s32 $0xFFFFF200  }
0x1ff: {  	[tilespmem:s9], [sflag:$0x4] =	stream.indirect.gather [hbm4b:s1+s0], $0x20, s19, s0, $0xb8;
	[tilespmem:$0x1FF00] =	vst v63  }
0x200: {  	_ =	swait.ge [sflag:s13], $0xE00  }
0x201: {  	[sflag:s13] =	ssyncset.done $0x0  }
0x202: {  	s23 =	simm.s32 $0x1AEF0;
	[sflag:s13] =	ssyncadd.s32 $0xFFFFF200  }
0x203: {  	[spmem:s3] =	stream.indirect.scatter.add.f32 [tilespmem:s8], [sflag:$0x6], $0x20, s23, s0, $0xb8;
	[tilespmem:$0x1FF00] =	vst v63  }
0x204: {  	_ =	swait.ge [sflag:s20], $0xE00  }
0x205: {  	[sflag:s20] =	ssyncset.done $0x0  }
0x206: {  	s24 =	simm.s32 $0x1A400;
	[sflag:s20] =	ssyncadd.s32 $0xFFFFF200  }
0x207: {  	[tilespmem:s18], [sflag:$0x1] =	stream.indirect.gather [hbm4b:s1+s0], $0x20, s24, s0, $0xb8;
	[tilespmem:$0x1FF00] =	vst v63  }
0x208: {  	_ =	swait.ge [sflag:s22], $0xE00  }
0x209: {  	[sflag:s22] =	ssyncset.done $0x0  }
0x20a: {  	s25 =	simm.s32 $0x1AF60;
	[sflag:s22] =	ssyncadd.s32 $0xFFFFF200  }
0x20b: {  	[spmem:s3] =	stream.indirect.scatter.add.f32 [tilespmem:s29], [sflag:$0x7], $0x20, s25, s0, $0xb8;
	[tilespmem:$0x1FF00] =	vst v63  }
0x20c: {  	_ =	swait.ge [sflag:s11], $0xE00  }
0x20d: {  	[sflag:s11] =	ssyncset.done $0x0  }
0x20e: {  	s19 =	simm.s32 $0x1A470;
	[sflag:s11] =	ssyncadd.s32 $0xFFFFF200  }
0x20f: {  	[tilespmem:s8], [sflag:$0x2] =	stream.indirect.gather [hbm4b:s1+s0], $0x20, s19, s0, $0xb8;
	[tilespmem:$0x1FF00] =	vst v63  }
0x210: {  	_ =	swait.ge [sflag:s15], $0xE00  }
0x211: {  	[sflag:s15] =	ssyncset.done $0x0  }
0x212: {  	s23 =	simm.s32 $0x1AFD0;
	[sflag:s15] =	ssyncadd.s32 $0xFFFFF200  }
0x213: {  	[spmem:s3] =	stream.indirect.scatter.add.f32 [tilespmem:s9], [sflag:$0x8], $0x20, s23, s0, $0xb8;
	[tilespmem:$0x1FF00] =	vst v63  }
0x214: {  	_ =	swait.ge [sflag:s2], $0xE00  }
0x215: {  	[sflag:s2] =	ssyncset.done $0x0  }
0x216: {  	s24 =	simm.s32 $0x1A4E0;
	[sflag:s2] =	ssyncadd.s32 $0xFFFFF200  }
0x217: {  	[tilespmem:s29], [sflag:$0x3] =	stream.indirect.gather [hbm4b:s1+s0], $0x20, s24, s0, $0xb8;
	[tilespmem:$0x1FF00] =	vst v63  }
0x218: {  	_ =	swait.ge [sflag:s16], $0xE00  }
0x219: {  	[sflag:s16] =	ssyncset.done $0x0  }
0x21a: {  	s25 =	simm.s32 $0x1B040;
	[sflag:s16] =	ssyncadd.s32 $0xFFFFF200  }
0x21b: {  	[spmem:s3] =	stream.indirect.scatter.add.f32 [tilespmem:s18], [sflag:$0x5], $0x20, s25, s0, $0xb8;
	[tilespmem:$0x1FF00] =	vst v63  }
0x21c: {  	_ =	swait.ge [sflag:s7], $0xE00  }
0x21d: {  	[sflag:s7] =	ssyncset.done $0x0  }
0x21e: {  	s19 =	simm.s32 $0x1A550;
	[sflag:s7] =	ssyncadd.s32 $0xFFFFF200  }
0x21f: {  	[tilespmem:s9], [sflag:$0x4] =	stream.indirect.gather [hbm4b:s1+s0], $0x20, s19, s0, $0xb8;
	[tilespmem:$0x1FF00] =	vst v63  }
0x220: {  	_ =	swait.ge [sflag:s13], $0xE00  }
0x221: {  	[sflag:s13] =	ssyncset.done $0x0  }
0x222: {  	s23 =	simm.s32 $0x1B0B0;
	[sflag:s13] =	ssyncadd.s32 $0xFFFFF200  }
0x223: {  	[spmem:s3] =	stream.indirect.scatter.add.f32 [tilespmem:s8], [sflag:$0x6], $0x20, s23, s0, $0xb8;
	[tilespmem:$0x1FF00] =	vst v63  }
0x224: {  	_ =	swait.ge [sflag:s20], $0xE00  }
0x225: {  	[sflag:s20] =	ssyncset.done $0x0  }
0x226: {  	s24 =	simm.s32 $0x1A5C0;
	[sflag:s20] =	ssyncadd.s32 $0xFFFFF200  }
0x227: {  	[tilespmem:s18], [sflag:$0x1] =	stream.indirect.gather [hbm4b:s1+s0], $0x20, s24, s0, $0xb8;
	[tilespmem:$0x1FF00] =	vst v63  }
0x228: {  	_ =	swait.ge [sflag:s22], $0xE00  }
0x229: {  	[sflag:s22] =	ssyncset.done $0x0  }
0x22a: {  	s25 =	simm.s32 $0x1B120;
	[sflag:s22] =	ssyncadd.s32 $0xFFFFF200  }
0x22b: {  	[spmem:s3] =	stream.indirect.scatter.add.f32 [tilespmem:s29], [sflag:$0x7], $0x20, s25, s0, $0xb8;
	[tilespmem:$0x1FF00] =	vst v63  }
0x22c: {  	_ =	swait.ge [sflag:s11], $0xE00  }
0x22d: {  	[sflag:s11] =	ssyncset.done $0x0  }
0x22e: {  	s19 =	simm.s32 $0x1A630;
	[sflag:s11] =	ssyncadd.s32 $0xFFFFF200  }
0x22f: {  	[tilespmem:s8], [sflag:$0x2] =	stream.indirect.gather [hbm4b:s1+s0], $0x20, s19, s0, $0xb8;
	[tilespmem:$0x1FF00] =	vst v63  }
0x230: {  	_ =	swait.ge [sflag:s15], $0xE00  }
0x231: {  	[sflag:s15] =	ssyncset.done $0x0  }
0x232: {  	s23 =	simm.s32 $0x1B190;
	[sflag:s15] =	ssyncadd.s32 $0xFFFFF200  }
0x233: {  	[spmem:s3] =	stream.indirect.scatter.add.f32 [tilespmem:s9], [sflag:$0x8], $0x20, s23, s0, $0xb8;
	[tilespmem:$0x1FF00] =	vst v63  }
0x234: {  	_ =	swait.ge [sflag:s2], $0xE00  }
0x235: {  	[sflag:s2] =	ssyncset.done $0x0  }
0x236: {  	s24 =	simm.s32 $0x1A6A0;
	[sflag:s2] =	ssyncadd.s32 $0xFFFFF200  }
0x237: {  	[tilespmem:s29], [sflag:$0x3] =	stream.indirect.gather [hbm4b:s1+s0], $0x20, s24, s0, $0xb8;
	[tilespmem:$0x1FF00] =	vst v63  }
0x238: {  	_ =	swait.ge [sflag:s16], $0xE00  }
0x239: {  	[sflag:s16] =	ssyncset.done $0x0  }
0x23a: {  	s25 =	simm.s32 $0x1B200;
	[sflag:s16] =	ssyncadd.s32 $0xFFFFF200  }
0x23b: {  	[spmem:s3] =	stream.indirect.scatter.add.f32 [tilespmem:s18], [sflag:$0x5], $0x20, s25, s0, $0xb8;
	[tilespmem:$0x1FF00] =	vst v63  }
0x23c: {  	_ =	swait.ge [sflag:s7], $0xE00  }
0x23d: {  	[sflag:s7] =	ssyncset.done $0x0  }
0x23e: {  	s19 =	simm.s32 $0x1A710;
	[sflag:s7] =	ssyncadd.s32 $0xFFFFF200  }
0x23f: {  	[tilespmem:s9], [sflag:$0x4] =	stream.indirect.gather [hbm4b:s1+s0], $0x20, s19, s0, $0xb8;
	[tilespmem:$0x1FF00] =	vst v63  }
0x240: {  	_ =	swait.ge [sflag:s13], $0xE00  }
0x241: {  	[sflag:s13] =	ssyncset.done $0x0  }
0x242: {  	s23 =	simm.s32 $0x1B270;
	[sflag:s13] =	ssyncadd.s32 $0xFFFFF200  }
0x243: {  	[spmem:s3] =	stream.indirect.scatter.add.f32 [tilespmem:s8], [sflag:$0x6], $0x20, s23, s0, $0xb8;
	[tilespmem:$0x1FF00] =	vst v63  }
0x244: {  	_ =	swait.ge [sflag:s20], $0xE00  }
0x245: {  	[sflag:s20] =	ssyncset.done $0x0  }
0x246: {  	s24 =	simm.s32 $0x1A780;
	[sflag:s20] =	ssyncadd.s32 $0xFFFFF200  }
0x247: {  	[tilespmem:s18], [sflag:$0x1] =	stream.indirect.gather [hbm4b:s1+s0], $0x20, s24, s0, $0xb8;
	[tilespmem:$0x1FF00] =	vst v63  }
0x248: {  	_ =	swait.ge [sflag:s22], $0xE00  }
0x249: {  	[sflag:s22] =	ssyncset.done $0x0  }
0x24a: {  	s25 =	simm.s32 $0x1B2E0;
	[sflag:s22] =	ssyncadd.s32 $0xFFFFF200  }
0x24b: {  	[spmem:s3] =	stream.indirect.scatter.add.f32 [tilespmem:s29], [sflag:$0x7], $0x20, s25, s0, $0xb8;
	[tilespmem:$0x1FF00] =	vst v63  }
0x24c: {  	_ =	swait.ge [sflag:s11], $0xE00  }
0x24d: {  	[sflag:s11] =	ssyncset.done $0x0  }
0x24e: {  	s19 =	simm.s32 $0x1A7F0;
	[sflag:s11] =	ssyncadd.s32 $0xFFFFF200  }
0x24f: {  	[tilespmem:s8], [sflag:$0x2] =	stream.indirect.gather [hbm4b:s1+s0], $0x20, s19, s0, $0xb8;
	[tilespmem:$0x1FF00] =	vst v63  }
0x250: {  	_ =	swait.ge [sflag:s15], $0xE00  }
0x251: {  	[sflag:s15] =	ssyncset.done $0x0  }
0x252: {  	s23 =	simm.s32 $0x1B350;
	[sflag:s15] =	ssyncadd.s32 $0xFFFFF200  }
0x253: {  	[spmem:s3] =	stream.indirect.scatter.add.f32 [tilespmem:s9], [sflag:$0x8], $0x20, s23, s0, $0xb8;
	[tilespmem:$0x1FF00] =	vst v63  }
0x254: {  	_ =	swait.ge [sflag:s2], $0xE00  }
0x255: {  	[sflag:s2] =	ssyncset.done $0x0  }
0x256: {  	s24 =	simm.s32 $0x1A860;
	[sflag:s2] =	ssyncadd.s32 $0xFFFFF200  }
0x257: {  	[tilespmem:s29], [sflag:$0x3] =	stream.indirect.gather [hbm4b:s1+s0], $0x20, s24, s0, $0xb8;
	[tilespmem:$0x1FF00] =	vst v63  }
0x258: {  	_ =	swait.ge [sflag:s16], $0xE00  }
0x259: {  	[sflag:s16] =	ssyncset.done $0x0  }
0x25a: {  	s25 =	simm.s32 $0x1B3C0;
	[sflag:s16] =	ssyncadd.s32 $0xFFFFF200  }
0x25b: {  	[spmem:s3] =	stream.indirect.scatter.add.f32 [tilespmem:s18], [sflag:$0x5], $0x20, s25, s0, $0xb8;
	[tilespmem:$0x1FF00] =	vst v63  }
0x25c: {  	_ =	swait.ge [sflag:s7], $0xE00  }
0x25d: {  	[sflag:s7] =	ssyncset.done $0x0  }
0x25e: {  	s19 =	simm.s32 $0x1A8D0;
	[sflag:s7] =	ssyncadd.s32 $0xFFFFF200  }
0x25f: {  	[tilespmem:s9], [sflag:$0x4] =	stream.indirect.gather [hbm4b:s1+s0], $0x20, s19, s0, $0xb8;
	[tilespmem:$0x1FF00] =	vst v63  }
0x260: {  	_ =	swait.ge [sflag:s13], $0xE00  }
0x261: {  	[sflag:s13] =	ssyncset.done $0x0  }
0x262: {  	s23 =	simm.s32 $0x1B430;
	[sflag:s13] =	ssyncadd.s32 $0xFFFFF200  }
0x263: {  	[spmem:s3] =	stream.indirect.scatter.add.f32 [tilespmem:s8], [sflag:$0x6], $0x20, s23, s0, $0xb8;
	[tilespmem:$0x1FF00] =	vst v63  }
0x264: {  	_ =	swait.ge [sflag:s20], $0xE00  }
0x265: {  	[sflag:s20] =	ssyncset.done $0x0  }
0x266: {  	s24 =	simm.s32 $0x1A940;
	[sflag:s20] =	ssyncadd.s32 $0xFFFFF200  }
0x267: {  	[tilespmem:s18], [sflag:$0x1] =	stream.indirect.gather [hbm4b:s1+s0], $0x20, s24, s0, $0xb8;
	[tilespmem:$0x1FF00] =	vst v63  }
0x268: {  	_ =	swait.ge [sflag:s22], $0xE00  }
0x269: {  	[sflag:s22] =	ssyncset.done $0x0  }
0x26a: {  	s25 =	simm.s32 $0x1B4A0;
	[sflag:s22] =	ssyncadd.s32 $0xFFFFF200  }
0x26b: {  	[spmem:s3] =	stream.indirect.scatter.add.f32 [tilespmem:s29], [sflag:$0x7], $0x20, s25, s0, $0xb8;
	[tilespmem:$0x1FF00] =	vst v63  }
0x26c: {  	_ =	swait.ge [sflag:s11], $0xE00  }
0x26d: {  	[sflag:s11] =	ssyncset.done $0x0  }
0x26e: {  	s19 =	simm.s32 $0x1A9B0;
	[sflag:s11] =	ssyncadd.s32 $0xFFFFF200  }
0x26f: {  	[tilespmem:s8], [sflag:$0x2] =	stream.indirect.gather [hbm4b:s1+s0], $0x20, s19, s0, $0xb8;
	[tilespmem:$0x1FF00] =	vst v63  }
0x270: {  	_ =	swait.ge [sflag:s15], $0xE00  }
0x271: {  	[sflag:s15] =	ssyncset.done $0x0  }
0x272: {  	s23 =	simm.s32 $0x1B510;
	[sflag:s15] =	ssyncadd.s32 $0xFFFFF200  }
0x273: {  	[spmem:s3] =	stream.indirect.scatter.add.f32 [tilespmem:s9], [sflag:$0x8], $0x20, s23, s0, $0xb8;
	[tilespmem:$0x1FF00] =	vst v63  }
0x274: {  	_ =	swait.ge [sflag:s2], $0xE00  }
0x275: {  	[sflag:s2] =	ssyncset.done $0x0  }
0x276: {  	s24 =	simm.s32 $0x1AA20;
	[sflag:s2] =	ssyncadd.s32 $0xFFFFF200  }
0x277: {  	[tilespmem:s29], [sflag:$0x3] =	stream.indirect.gather [hbm4b:s1+s0], $0x20, s24, s0, $0xb8;
	[tilespmem:$0x1FF00] =	vst v63  }
0x278: {  	_ =	swait.ge [sflag:s16], $0xE00  }
0x279: {  	[sflag:s16] =	ssyncset.done $0x0  }
0x27a: {  	s25 =	simm.s32 $0x1B580;
	[sflag:s16] =	ssyncadd.s32 $0xFFFFF200  }
0x27b: {  	[spmem:s3] =	stream.indirect.scatter.add.f32 [tilespmem:s18], [sflag:$0x5], $0x20, s25, s0, $0xb8;
	[tilespmem:$0x1FF00] =	vst v63  }
0x27c: {  	_ =	swait.ge [sflag:s7], $0xE00  }
0x27d: {  	[sflag:s7] =	ssyncset.done $0x0  }
0x27e: {  	s19 =	simm.s32 $0x1AA90;
	[sflag:s7] =	ssyncadd.s32 $0xFFFFF200  }
0x27f: {  	[tilespmem:s9], [sflag:$0x4] =	stream.indirect.gather [hbm4b:s1+s0], $0x20, s19, s0, $0xb8;
	[tilespmem:$0x1FF00] =	vst v63  }
0x280: {  	_ =	swait.ge [sflag:s13], $0xE00  }
0x281: {  	[sflag:s13] =	ssyncset.done $0x0  }
0x282: {  	s23 =	simm.s32 $0x1B5F0;
	[sflag:s13] =	ssyncadd.s32 $0xFFFFF200  }
0x283: {  	[spmem:s3] =	stream.indirect.scatter.add.f32 [tilespmem:s8], [sflag:$0x6], $0x20, s23, s0, $0xb8;
	[tilespmem:$0x1FF00] =	vst v63  }
0x284: {  	_ =	swait.ge [sflag:s20], $0xE00  }
0x285: {  	[sflag:s20] =	ssyncset.done $0x0  }
0x286: {  	s24 =	simm.s32 $0x1AB00;
	[sflag:s20] =	ssyncadd.s32 $0xFFFFF200  }
0x287: {  	[tilespmem:s18], [sflag:$0x1] =	stream.indirect.gather [hbm4b:s1+s0], $0x20, s24, s0, $0xb8;
	[tilespmem:$0x1FF00] =	vst v63  }
0x288: {  	_ =	swait.ge [sflag:s22], $0xE00  }
0x289: {  	[sflag:s22] =	ssyncset.done $0x0  }
0x28a: {  	s25 =	simm.s32 $0x1B660;
	[sflag:s22] =	ssyncadd.s32 $0xFFFFF200  }
0x28b: {  	[spmem:s3] =	stream.indirect.scatter.add.f32 [tilespmem:s29], [sflag:$0x7], $0x20, s25, s0, $0xb8;
	[tilespmem:$0x1FF00] =	vst v63  }
0x28c: {  	_ =	swait.ge [sflag:s11], $0xE00  }
0x28d: {  	[sflag:s11] =	ssyncset.done $0x0  }
0x28e: {  	s19 =	simm.s32 $0x1AB70;
	[sflag:s11] =	ssyncadd.s32 $0xFFFFF200  }
0x28f: {  	[tilespmem:s8], [sflag:$0x2] =	stream.indirect.gather [hbm4b:s1+s0], $0x20, s19, s0, $0xb8;
	[tilespmem:$0x1FF00] =	vst v63  }
0x290: {  	_ =	swait.ge [sflag:s15], $0xE00  }
0x291: {  	[sflag:s15] =	ssyncset.done $0x0  }
0x292: {  	s23 =	simm.s32 $0x1B6D0;
	[sflag:s15] =	ssyncadd.s32 $0xFFFFF200  }
0x293: {  	[spmem:s3] =	stream.indirect.scatter.add.f32 [tilespmem:s9], [sflag:$0x8], $0x20, s23, s0, $0xb8;
	[tilespmem:$0x1FF00] =	vst v63  }
0x294: {  	_ =	swait.ge [sflag:s2], $0xE00  }
0x295: {  	[sflag:s2] =	ssyncset.done $0x0  }
0x296: {  	s24 =	simm.s32 $0x1ABE0;
	[sflag:s2] =	ssyncadd.s32 $0xFFFFF200  }
0x297: {  	[tilespmem:s29], [sflag:$0x3] =	stream.indirect.gather [hbm4b:s1+s0], $0x20, s24, s0, $0xb8;
	[tilespmem:$0x1FF00] =	vst v63  }
0x298: {  	_ =	swait.ge [sflag:s16], $0xE00  }
0x299: {  	[sflag:s16] =	ssyncset.done $0x0  }
0x29a: {  	s25 =	simm.s32 $0x1B740;
	[sflag:s16] =	ssyncadd.s32 $0xFFFFF200  }
0x29b: {  	[spmem:s3] =	stream.indirect.scatter.add.f32 [tilespmem:s18], [sflag:$0x5], $0x20, s25, s0, $0xb8;
	[tilespmem:$0x1FF00] =	vst v63  }
0x29c: {  	_ =	swait.ge [sflag:s7], $0xE00  }
0x29d: {  	[sflag:s7] =	ssyncset.done $0x0  }
0x29e: {  	s19 =	simm.s32 $0x1AC50;
	[sflag:s7] =	ssyncadd.s32 $0xFFFFF200  }
0x29f: {  	[tilespmem:s9], [sflag:$0x4] =	stream.indirect.gather [hbm4b:s1+s0], $0x20, s19, s0, $0xb8;
	[tilespmem:$0x1FF00] =	vst v63  }
0x2a0: {  	_ =	swait.ge [sflag:s13], $0xE00  }
0x2a1: {  	[sflag:s13] =	ssyncset.done $0x0  }
0x2a2: {  	s23 =	simm.s32 $0x1B7B0;
	[sflag:s13] =	ssyncadd.s32 $0xFFFFF200  }
0x2a3: {  	[spmem:s3] =	stream.indirect.scatter.add.f32 [tilespmem:s8], [sflag:$0x6], $0x20, s23, s0, $0xb8;
	[tilespmem:$0x1FF00] =	vst v63  }
0x2a4: {  	_ =	swait.ge [sflag:s20], $0xE00  }
0x2a5: {  	[sflag:s20] =	ssyncset.done $0x0  }
0x2a6: {  	[sflag:s20] =	ssyncadd.s32 $0xFFFFF200  }
0x2a7: {  	_ =	swait.ge [sflag:s22], $0xE00  }
0x2a8: {  	[sflag:s22] =	ssyncset.done $0x0  }
0x2a9: {  	s24 =	simm.s32 $0x1B820;
	[sflag:s22] =	ssyncadd.s32 $0xFFFFF200  }
0x2aa: {  	[spmem:s3] =	stream.indirect.scatter.add.f32 [tilespmem:s29], [sflag:$0x7], $0x20, s24, s0, $0xb8;
	[tilespmem:$0x1FF00] =	vst v63  }
0x2ab: {  	_ =	swait.ge [sflag:s11], $0xE00  }
0x2ac: {  	[sflag:s11] =	ssyncset.done $0x0  }
0x2ad: {  	[sflag:s11] =	ssyncadd.s32 $0xFFFFF200  }
0x2ae: {  	_ =	swait.ge [sflag:s15], $0xE00  }
0x2af: {  	[sflag:s15] =	ssyncset.done $0x0  }
0x2b0: {  	s25 =	simm.s32 $0x1B890;
	[sflag:s15] =	ssyncadd.s32 $0xFFFFF200  }
0x2b1: {  	[spmem:s3] =	stream.indirect.scatter.add.f32 [tilespmem:s9], [sflag:$0x8], $0x20, s25, s0, $0xb8;
	[tilespmem:$0x1FF00] =	vst v63  }
0x2b2: {  	p2 =	por p0, p0;
	_ =	swait.ge [sflag:s2], $0xE00  }
.Ltmp3:
0x2b3: {  	[sflag:s2] =	ssyncset.done $0x0;
	(pc) =	sbr.rel @p2 .LBB2_5-.Ltmp3, $4  }
0x2b4: {  	[sflag:s2] =	ssyncadd.s32 $0xFFFFF200  }
0x2b5: {  	_ =	swait.ge [sflag:s7], $0xE00  }
0x2b6: {  	p0 =	por $0x0, $0x0;
	[sflag:s7] =	ssyncset.done $0x0  }
0x2b7: {  	s14 =	simm.s32 $0x24C0;
	p1 =	por $0x1, $0x1;
	[sflag:s7] =	ssyncadd.s32 $0xFFFFF200  }
0x2b8: {  	s6 =	sld [smem:$0x7EE];
	_ =	sdelay $0x1  }
0x2b9: {  	s8 =	sld [smem:$0x7ED]  }
0x2ba: {  	s28 =	smul.u32 $0x620000, s6  }
0x2bb: {  	s25 =	rddreg [dreg:$0x5];
	[bflag:$0x0] =	sbarrier.arrive $0xFFFF  }
0x2bc: {  	s24 =	stileid.u32;
	s29 =	sshll.u32 s8, $0x5;
	s14 =	sadd.s32 s25, s28  }
0x2bd: {  	s8 =	rddreg [dreg:$0x6];
	s6 =	simm.s32 $0x10;
	s14 =	sor.u32 s29, s14  }
0x2be: {  	s9 =	sshrl.u32 s14, $0x3;
	s14 =	sshll.u32 s24, $0x6;
	s24 =	rddreg [dreg:$0xa]  }
0x2bf: {  	s25 =	sadd.s32 s8, s9;
	s9 =	sor.u32 $0x1C0A, s14;
	s30 =	sshrl.u32 s24, $0x3  }
0x2c0: {  	[hbm:s25@s6], [sflag:s9] =	dma.strided [spmem:s30@s15], $0x1880, s16, $0x4   }
0x2c1: {  	s25 =	rddreg [dreg:$0xb]  }
0x2c2: {  	s25 =	sadd.s32 s25, s28  }
0x2c3: {  	s25 =	sor.u32 s29, s25  }
0x2c4: {  	s25 =	sshrl.u32 s25, $0x3  }
0x2c5: {  	s25 =	sadd.s32 s8, s25;
	s8 =	rddreg [dreg:$0xd]  }
0x2c6: {  	s29 =	sor.u32 $0x1C0B, s14;
	s28 =	sshrl.u32 s8, $0x3  }
0x2c7: {  	[hbm:s25@s6], [sflag:s29] =	dma.strided [spmem:s28@s15], $0x1880, s16, $0x4   }
0x2c8: {  	s25 =	simm.s32 $0xA  }
0x2c9: {  	_ =	swait.ge [sflag:s25], $0x1880  }
0x2ca: {  	[sflag:s25] =	ssyncset.done $0x0  }
0x2cb: {  	[sflag:s25] =	ssyncadd.s32 $0xFFFFE780;
	s25 =	simm.s32 $0x1F100  }
0x2cc: {  	[spmem:s24] =	stream.linear.scatter [tilespmem:s25], [sflag:$0x9], $0xE00, $0x38;
	[tilespmem:$0x1FF00] =	vst v63  }
0x2cd: {  	s6 =	rddreg [dreg:$0x10]  }
0x2ce: {  	[spmem:s6] =	stream.linear.scatter [tilespmem:s25], [sflag:$0x9], $0xE00, $0x38;
	[tilespmem:$0x1FF00] =	vst v63  }
0x2cf: {  	s24 =	rddreg [dreg:$0x11]  }
0x2d0: {  	[spmem:s24] =	stream.linear.scatter [tilespmem:s25], [sflag:$0x9], $0xE00, $0x38;
	[tilespmem:$0x1FF00] =	vst v63  }
0x2d1: {  	s6 =	rddreg [dreg:$0x12]  }
0x2d2: {  	[spmem:s6] =	stream.linear.scatter [tilespmem:s25], [sflag:$0x9], $0xE00, $0x38;
	[tilespmem:$0x1FF00] =	vst v63  }
0x2d3: {  	s24 =	rddreg [dreg:$0x13]  }
0x2d4: {  	[spmem:s24] =	stream.linear.scatter [tilespmem:s25], [sflag:$0x9], $0xE00, $0x38;
	[tilespmem:$0x1FF00] =	vst v63  }
0x2d5: {  	s6 =	rddreg [dreg:$0x14]  }
0x2d6: {  	[spmem:s6] =	stream.linear.scatter [tilespmem:s25], [sflag:$0x9], $0xE00, $0x38;
	[tilespmem:$0x1FF00] =	vst v63  }
0x2d7: {  	s24 =	rddreg [dreg:$0x15]  }
0x2d8: {  	[spmem:s24] =	stream.linear.scatter [tilespmem:s25], [sflag:$0x9], $0xE00, $0x38;
	[tilespmem:$0x1FF00] =	vst v63  }
0x2d9: {  	s6 =	rddreg [dreg:$0x16]  }
0x2da: {  	[spmem:s6] =	stream.linear.scatter [tilespmem:s25], [sflag:$0x9], $0xE00, $0x38;
	[tilespmem:$0x1FF00] =	vst v63  }
0x2db: {  	s24 =	rddreg [dreg:$0x17]  }
0x2dc: {  	[spmem:s24] =	stream.linear.scatter [tilespmem:s25], [sflag:$0x9], $0xE00, $0x38;
	[tilespmem:$0x1FF00] =	vst v63  }
0x2dd: {  	s6 =	rddreg [dreg:$0x18]  }
0x2de: {  	[spmem:s6] =	stream.linear.scatter [tilespmem:s25], [sflag:$0x9], $0xE00, $0x38;
	[tilespmem:$0x1FF00] =	vst v63  }
0x2df: {  	s24 =	rddreg [dreg:$0x19]  }
0x2e0: {  	[spmem:s24] =	stream.linear.scatter [tilespmem:s25], [sflag:$0x9], $0xE00, $0x38;
	[tilespmem:$0x1FF00] =	vst v63  }
0x2e1: {  	s6 =	rddreg [dreg:$0x1a]  }
0x2e2: {  	[spmem:s6] =	stream.linear.scatter [tilespmem:s25], [sflag:$0x9], $0xE00, $0x38;
	[tilespmem:$0x1FF00] =	vst v63  }
0x2e3: {  	s24 =	rddreg [dreg:$0x1b]  }
0x2e4: {  	[spmem:s24] =	stream.linear.scatter [tilespmem:s25], [sflag:$0x9], $0xE00, $0x38;
	[tilespmem:$0x1FF00] =	vst v63  }
0x2e5: {  	s6 =	rddreg [dreg:$0x1c]  }
0x2e6: {  	[spmem:s6] =	stream.linear.scatter [tilespmem:s25], [sflag:$0x9], $0xE00, $0x38;
	[tilespmem:$0x1FF00] =	vst v63  }
0x2e7: {  	_ =	swait.ge [sflag:s12], $0x1880  }
0x2e8: {  	[sflag:s12] =	ssyncset.done $0x0  }
0x2e9: {  	s14 =	rddreg [dreg:$0x1d];
	[sflag:s12] =	ssyncadd.s32 $0xFFFFE780  }
0x2ea: {  	[spmem:s8] =	stream.linear.scatter [tilespmem:s25], [sflag:$0x9], $0xE00, $0x38;
	[tilespmem:$0x1FF00] =	vst v63  }
0x2eb: {  	s24 =	rddreg [dreg:$0x1e]  }
0x2ec: {  	[spmem:s14] =	stream.linear.scatter [tilespmem:s25], [sflag:$0x9], $0xE00, $0x38;
	[tilespmem:$0x1FF00] =	vst v63  }
0x2ed: {  	s6 =	rddreg [dreg:$0x1f]  }
0x2ee: {  	[spmem:s24] =	stream.linear.scatter [tilespmem:s25], [sflag:$0x9], $0xE00, $0x38;
	[tilespmem:$0x1FF00] =	vst v63  }
0x2ef: {  	s12 =	sld [smem:$0x7F4]  }
0x2f0: {  	[spmem:s6] =	stream.linear.scatter [tilespmem:s25], [sflag:$0x9], $0xE00, $0x38;
	[tilespmem:$0x1FF00] =	vst v63  }
0x2f1: {  	s14 =	sld [smem:$0x7F5]  }
0x2f2: {  	[spmem:s12] =	stream.linear.scatter [tilespmem:s25], [sflag:$0x9], $0xE00, $0x38;
	[tilespmem:$0x1FF00] =	vst v63  }
0x2f3: {  	s24 =	sld [smem:$0x7F6]  }
0x2f4: {  	[spmem:s14] =	stream.linear.scatter [tilespmem:s25], [sflag:$0x9], $0xE00, $0x38;
	[tilespmem:$0x1FF00] =	vst v63  }
0x2f5: {  	s6 =	sld [smem:$0x7F7]  }
0x2f6: {  	[spmem:s24] =	stream.linear.scatter [tilespmem:s25], [sflag:$0x9], $0xE00, $0x38;
	[tilespmem:$0x1FF00] =	vst v63  }
0x2f7: {  	s12 =	sld [smem:$0x7F8]  }
0x2f8: {  	[spmem:s6] =	stream.linear.scatter [tilespmem:s25], [sflag:$0x9], $0xE00, $0x38;
	[tilespmem:$0x1FF00] =	vst v63  }
0x2f9: {  	s14 =	sld [smem:$0x7F9]  }
0x2fa: {  	[spmem:s12] =	stream.linear.scatter [tilespmem:s25], [sflag:$0x9], $0xE00, $0x38;
	[tilespmem:$0x1FF00] =	vst v63  }
0x2fb: {  	s24 =	sld [smem:$0x7FA]  }
0x2fc: {  	[spmem:s14] =	stream.linear.scatter [tilespmem:s25], [sflag:$0x9], $0xE00, $0x38;
	[tilespmem:$0x1FF00] =	vst v63  }
0x2fd: {  	s6 =	sld [smem:$0x7FB]  }
0x2fe: {  	[spmem:s24] =	stream.linear.scatter [tilespmem:s25], [sflag:$0x9], $0xE00, $0x38;
	[tilespmem:$0x1FF00] =	vst v63  }
0x2ff: {  	s12 =	sld [smem:$0x7FC]  }
0x300: {  	[spmem:s6] =	stream.linear.scatter [tilespmem:s25], [sflag:$0x9], $0xE00, $0x38;
	[tilespmem:$0x1FF00] =	vst v63  }
0x301: {  	s14 =	sld [smem:$0x7FD]  }
0x302: {  	[spmem:s12] =	stream.linear.scatter [tilespmem:s25], [sflag:$0x9], $0xE00, $0x38;
	[tilespmem:$0x1FF00] =	vst v63  }
0x303: {  	s24 =	simm.s32 $0x9  }
0x304: {  	[spmem:s14] =	stream.linear.scatter [tilespmem:s25], [sflag:$0x9], $0xE00, $0x38;
	[tilespmem:$0x1FF00] =	vst v63  }
0x305: {  	_ =	swait.ge [sflag:s24], $0xE00  }
0x306: {  	[sflag:s24] =	ssyncset.done $0x0  }
0x307: {  	[sflag:s24] =	ssyncadd.s32 $0xFFFFF200  }
0x308: {  	_ =	swait.ge [sflag:s24], $0xE00  }
0x309: {  	[sflag:s24] =	ssyncset.done $0x0  }
0x30a: {  	[sflag:s24] =	ssyncadd.s32 $0xFFFFF200  }
0x30b: {  	_ =	swait.ge [sflag:s24], $0xE00  }
0x30c: {  	[sflag:s24] =	ssyncset.done $0x0  }
0x30d: {  	[sflag:s24] =	ssyncadd.s32 $0xFFFFF200  }
0x30e: {  	_ =	swait.ge [sflag:s24], $0xE00  }
0x30f: {  	[sflag:s24] =	ssyncset.done $0x0  }
0x310: {  	[sflag:s24] =	ssyncadd.s32 $0xFFFFF200  }
0x311: {  	_ =	swait.ge [sflag:s24], $0xE00  }
0x312: {  	[sflag:s24] =	ssyncset.done $0x0  }
0x313: {  	[sflag:s24] =	ssyncadd.s32 $0xFFFFF200  }
0x314: {  	_ =	swait.ge [sflag:s24], $0xE00  }
0x315: {  	[sflag:s24] =	ssyncset.done $0x0  }
0x316: {  	[sflag:s24] =	ssyncadd.s32 $0xFFFFF200  }
0x317: {  	_ =	swait.ge [sflag:s24], $0xE00  }
0x318: {  	[sflag:s24] =	ssyncset.done $0x0  }
0x319: {  	[sflag:s24] =	ssyncadd.s32 $0xFFFFF200  }
0x31a: {  	_ =	swait.ge [sflag:s24], $0xE00  }
0x31b: {  	[sflag:s24] =	ssyncset.done $0x0  }
0x31c: {  	[sflag:s24] =	ssyncadd.s32 $0xFFFFF200  }
0x31d: {  	_ =	swait.ge [sflag:s24], $0xE00  }
0x31e: {  	[sflag:s24] =	ssyncset.done $0x0  }
0x31f: {  	[sflag:s24] =	ssyncadd.s32 $0xFFFFF200  }
0x320: {  	_ =	swait.ge [sflag:s24], $0xE00  }
0x321: {  	[sflag:s24] =	ssyncset.done $0x0  }
0x322: {  	[sflag:s24] =	ssyncadd.s32 $0xFFFFF200  }
0x323: {  	_ =	swait.ge [sflag:s24], $0xE00  }
0x324: {  	[sflag:s24] =	ssyncset.done $0x0  }
0x325: {  	[sflag:s24] =	ssyncadd.s32 $0xFFFFF200  }
0x326: {  	_ =	swait.ge [sflag:s24], $0xE00  }
0x327: {  	[sflag:s24] =	ssyncset.done $0x0  }
0x328: {  	[sflag:s24] =	ssyncadd.s32 $0xFFFFF200  }
0x329: {  	_ =	swait.ge [sflag:s24], $0xE00  }
0x32a: {  	[sflag:s24] =	ssyncset.done $0x0  }
0x32b: {  	[sflag:s24] =	ssyncadd.s32 $0xFFFFF200  }
0x32c: {  	_ =	swait.ge [sflag:s24], $0xE00  }
0x32d: {  	[sflag:s24] =	ssyncset.done $0x0  }
0x32e: {  	[sflag:s24] =	ssyncadd.s32 $0xFFFFF200  }
0x32f: {  	_ =	swait.ge [sflag:s24], $0xE00  }
0x330: {  	[sflag:s24] =	ssyncset.done $0x0  }
0x331: {  	[sflag:s24] =	ssyncadd.s32 $0xFFFFF200  }
0x332: {  	_ =	swait.ge [sflag:s24], $0xE00  }
0x333: {  	[sflag:s24] =	ssyncset.done $0x0  }
0x334: {  	[sflag:s24] =	ssyncadd.s32 $0xFFFFF200  }
0x335: {  	_ =	swait.ge [sflag:s24], $0xE00  }
0x336: {  	[sflag:s24] =	ssyncset.done $0x0  }
0x337: {  	[sflag:s24] =	ssyncadd.s32 $0xFFFFF200  }
0x338: {  	_ =	swait.ge [sflag:s24], $0xE00  }
0x339: {  	[sflag:s24] =	ssyncset.done $0x0  }
0x33a: {  	[sflag:s24] =	ssyncadd.s32 $0xFFFFF200  }
0x33b: {  	_ =	swait.ge [sflag:s24], $0xE00  }
0x33c: {  	[sflag:s24] =	ssyncset.done $0x0  }
0x33d: {  	[sflag:s24] =	ssyncadd.s32 $0xFFFFF200  }
0x33e: {  	_ =	swait.ge [sflag:s24], $0xE00  }
0x33f: {  	[sflag:s24] =	ssyncset.done $0x0  }
0x340: {  	[sflag:s24] =	ssyncadd.s32 $0xFFFFF200  }
0x341: {  	_ =	swait.ge [sflag:s24], $0xE00  }
0x342: {  	[sflag:s24] =	ssyncset.done $0x0  }
0x343: {  	[sflag:s24] =	ssyncadd.s32 $0xFFFFF200  }
0x344: {  	_ =	swait.ge [sflag:s24], $0xE00  }
0x345: {  	[sflag:s24] =	ssyncset.done $0x0  }
0x346: {  	[sflag:s24] =	ssyncadd.s32 $0xFFFFF200  }
0x347: {  	_ =	swait.ge [sflag:s24], $0xE00  }
0x348: {  	[sflag:s24] =	ssyncset.done $0x0  }
0x349: {  	[sflag:s24] =	ssyncadd.s32 $0xFFFFF200  }
0x34a: {  	_ =	swait.ge [sflag:s24], $0xE00  }
0x34b: {  	[sflag:s24] =	ssyncset.done $0x0  }
0x34c: {  	[sflag:s24] =	ssyncadd.s32 $0xFFFFF200  }
0x34d: {  	_ =	swait.ge [sflag:s24], $0xE00  }
0x34e: {  	[sflag:s24] =	ssyncset.done $0x0  }
0x34f: {  	[sflag:s24] =	ssyncadd.s32 $0xFFFFF200  }
0x350: {  	_ =	swait.ge [sflag:s24], $0xE00  }
0x351: {  	[sflag:s24] =	ssyncset.done $0x0  }
0x352: {  	[sflag:s24] =	ssyncadd.s32 $0xFFFFF200  }
0x353: {  	_ =	swait.ge [sflag:s24], $0xE00  }
0x354: {  	[sflag:s24] =	ssyncset.done $0x0  }
0x355: {  	[sflag:s24] =	ssyncadd.s32 $0xFFFFF200  }
0x356: {  	_ =	swait.ge [sflag:s24], $0xE00  }
0x357: {  	s25 =	sld [smem:$0x7EC];
	_ =	sdelay $0x2  }
0x358: {  	s6 =	sadd.s32 $0x1, s25  }
0x359: {  	p0 =	seq.s32 s6, $0x6  }
.Ltmp4:
0x35a: {  	_ = 	snop;
	(pc) =	sbr.rel @!p0 .LBB2_4-.Ltmp4, $4  }
0x35b: {  	s26 =	simm.s32 $0x19910;
	[sflag:s24] =	ssyncset.done $0x0  }
0x35c: {  	s4 =	simm.s32 $0x198A0;
	s21 =	simm.s32 $0x19830;
	[sflag:s24] =	ssyncadd.s32 $0xFFFFF200  }
0x35d: {  	s10 =	simm.s32 $0x197C0;
	s17 =	simm.s32 $0x19750;
	[bflag:$0x0] =	sbarrier.arrive $0xFFFF  }
0x35e: {  	s31 =	simm.s32 $0x196E0;
	s23 =	simm.s32 $0x19670;
	s19 =	simm.s32 $0x19600  }
0x35f: {  	[smem:$0x7F1] =	sst s9;
	p1 =	por $0x1, $0x1;
	s6 =	simm.s32 $0x19E50  }
0x360: {  	s12 =	simm.s32 $0x19F30;
	s9 =	smov.u32 s30;
	s30 =	simm.s32 $0x194B0  }
.LBB2_8:
0x361: {  	[smem:$0x7EB] =	sst s29  }
0x362: {  	p0 =	por p1, p1;
	s14 =	simm.s32 $0x80;
	s25 =	simm.s32 $0x0  }
.LBB2_9:
0x363: {  	p1 =	sne.s32 s14, $0x3780;
	[tilespmem:s25+$0x1B900] =	vst v1;
	s29 =	smov.u32 s14;
	s14 =	sadd.s32 $0x80, s14  }
.Ltmp5:
0x364: {  	[tilespmem:s25+$0x1B910] =	vst v1;
	(pc) =	sbr.rel @p1 .LBB2_9-.Ltmp5, $2  }
0x365: {  	_ =	sdelay $0x2  }
0x366: {  	s25 =	sshra.s32 s29, $0x2  }
0x367: {  	s14 =	simm.s32 $0x4  }
0x368: {  	s14 =	simm.s32 @!p0 $0x2  }
0x369: {  	s1 =	rddreg [dreg:$0x8];
	p2 =	sne.s32 s14, $0x1  }
.Ltmp6:
0x36a: {  	s29 =	rddreg [dreg:$0xe];
	s1 =	simm.s32 @p0 $0x0;
	(pc) =	sbr.rel @!p2 .LBB2_11-.Ltmp6, $4  }
0x36b: {  	s8 =	rddreg [dreg:$0x9];
	s29 =	simm.s32 @!p0 $0x31000;
	s1 =	smul.u32 $0xC40, s1  }
0x36c: {  	s29 =	sadd.s32 s29, s8  }
0x36d: {  	[tilespmem:s25+$0x1B900] =	vst v1;
	p1 =	por $0x0, $0x0;
	s29 =	sadd.s32 s1, s29  }
0x36e: {  	[tilespmem:s25+$0x1B910] =	vst v1;
	s25 =	sadd.s32 $0xFFFFFFFF, s14;
	s1 =	simm.s32 $0xC;
	s14 =	sshrl.u32 s29, $0x3  }
0x36f: {  	s6 =	sld [smem:$0x7F3]  }
0x370: {  	[smem:$0x7E9] =	sst s28  }
0x371: {  	[smem:$0x7EA] =	sst s9  }
0x372: {  	s4 =	simm.s32 $0x0;
	s2 =	simm.s32 $0x19440;
	s14 =	sadd.s32 s6, s14  }
0x373: {  	[tilespmem:s2], [sflag:$0xC] =	stream.linear.gather [hbm4b:s14+s4], $0xC40, $0x38;
	[tilespmem:$0x1FF00] =	vst v63  }
0x374: {  	_ =	swait.ge [sflag:s1], $0xC40  }
0x375: {  	[sflag:s1] =	ssyncset.done $0x0  }
0x376: {  	[sflag:s1] =	ssyncadd.s32 $0xFFFFF3C0  }
0x377: {  	[spmem:s3] =	stream.indirect.scatter.add.f32 [tilespmem:s18], [sflag:$0x5], $0x20, s2, s0, $0xb8;
	[tilespmem:$0x1FF00] =	vst v63  }
0x378: {  	_ = 	snop  }
0x379: {  	[spmem:s3] =	stream.indirect.scatter.add.f32 [tilespmem:s18], [sflag:$0x5], $0x20, s30, s0, $0xb8;
	[tilespmem:$0x1FF00] =	vst v63  }
0x37a: {  	s26 =	simm.s32 $0x19520  }
0x37b: {  	[spmem:s3] =	stream.indirect.scatter.add.f32 [tilespmem:s18], [sflag:$0x5], $0x20, s26, s0, $0xb8;
	[tilespmem:$0x1FF00] =	vst v63  }
0x37c: {  	s2 =	simm.s32 $0x19590  }
0x37d: {  	[spmem:s3] =	stream.indirect.scatter.add.f32 [tilespmem:s18], [sflag:$0x5], $0x20, s2, s0, $0xb8;
	[tilespmem:$0x1FF00] =	vst v63  }
0x37e: {  	s4 =	simm.s32 $0x19600  }
0x37f: {  	[spmem:s3] =	stream.indirect.scatter.add.f32 [tilespmem:s18], [sflag:$0x5], $0x20, s4, s0, $0xb8;
	[tilespmem:$0x1FF00] =	vst v63  }
0x380: {  	s5 =	simm.s32 $0x19670  }
0x381: {  	[spmem:s3] =	stream.indirect.scatter.add.f32 [tilespmem:s18], [sflag:$0x5], $0x20, s5, s0, $0xb8;
	[tilespmem:$0x1FF00] =	vst v63  }
0x382: {  	s7 =	simm.s32 $0x196E0  }
0x383: {  	[spmem:s3] =	stream.indirect.scatter.add.f32 [tilespmem:s18], [sflag:$0x5], $0x20, s7, s0, $0xb8;
	[tilespmem:$0x1FF00] =	vst v63  }
0x384: {  	s8 =	simm.s32 $0x19750  }
0x385: {  	[spmem:s3] =	stream.indirect.scatter.add.f32 [tilespmem:s18], [sflag:$0x5], $0x20, s8, s0, $0xb8;
	[tilespmem:$0x1FF00] =	vst v63  }
0x386: {  	s9 =	simm.s32 $0x197C0  }
0x387: {  	[spmem:s3] =	stream.indirect.scatter.add.f32 [tilespmem:s18], [sflag:$0x5], $0x20, s9, s0, $0xb8;
	[tilespmem:$0x1FF00] =	vst v63  }
0x388: {  	s10 =	simm.s32 $0x19830  }
0x389: {  	[spmem:s3] =	stream.indirect.scatter.add.f32 [tilespmem:s18], [sflag:$0x5], $0x20, s10, s0, $0xb8;
	[tilespmem:$0x1FF00] =	vst v63  }
0x38a: {  	s11 =	simm.s32 $0x198A0  }
0x38b: {  	[spmem:s3] =	stream.indirect.scatter.add.f32 [tilespmem:s18], [sflag:$0x5], $0x20, s11, s0, $0xb8;
	[tilespmem:$0x1FF00] =	vst v63  }
0x38c: {  	s12 =	simm.s32 $0x19910  }
0x38d: {  	[spmem:s3] =	stream.indirect.scatter.add.f32 [tilespmem:s18], [sflag:$0x5], $0x20, s12, s0, $0xb8;
	[tilespmem:$0x1FF00] =	vst v63  }
0x38e: {  	s13 =	simm.s32 $0x19980  }
0x38f: {  	[spmem:s3] =	stream.indirect.scatter.add.f32 [tilespmem:s18], [sflag:$0x5], $0x20, s13, s0, $0xb8;
	[tilespmem:$0x1FF00] =	vst v63  }
0x390: {  	s14 =	simm.s32 $0x199F0  }
0x391: {  	[spmem:s3] =	stream.indirect.scatter.add.f32 [tilespmem:s18], [sflag:$0x5], $0x20, s14, s0, $0xb8;
	[tilespmem:$0x1FF00] =	vst v63  }
0x392: {  	s16 =	simm.s32 $0x19A60  }
0x393: {  	[spmem:s3] =	stream.indirect.scatter.add.f32 [tilespmem:s18], [sflag:$0x5], $0x20, s16, s0, $0xb8;
	[tilespmem:$0x1FF00] =	vst v63  }
0x394: {  	s17 =	simm.s32 $0x19AD0  }
0x395: {  	[spmem:s3] =	stream.indirect.scatter.add.f32 [tilespmem:s18], [sflag:$0x5], $0x20, s17, s0, $0xb8;
	[tilespmem:$0x1FF00] =	vst v63  }
0x396: {  	s19 =	simm.s32 $0x19B40  }
0x397: {  	[spmem:s3] =	stream.indirect.scatter.add.f32 [tilespmem:s18], [sflag:$0x5], $0x20, s19, s0, $0xb8;
	[tilespmem:$0x1FF00] =	vst v63  }
0x398: {  	s22 =	simm.s32 $0x19BB0  }
0x399: {  	[spmem:s3] =	stream.indirect.scatter.add.f32 [tilespmem:s18], [sflag:$0x5], $0x20, s22, s0, $0xb8;
	[tilespmem:$0x1FF00] =	vst v63  }
0x39a: {  	s23 =	simm.s32 $0x19C20  }
0x39b: {  	[spmem:s3] =	stream.indirect.scatter.add.f32 [tilespmem:s18], [sflag:$0x5], $0x20, s23, s0, $0xb8;
	[tilespmem:$0x1FF00] =	vst v63  }
0x39c: {  	s7 =	simm.s32 $0x19C90  }
0x39d: {  	[spmem:s3] =	stream.indirect.scatter.add.f32 [tilespmem:s18], [sflag:$0x5], $0x20, s7, s0, $0xb8;
	[tilespmem:$0x1FF00] =	vst v63  }
0x39e: {  	s1 =	simm.s32 $0x19D00  }
0x39f: {  	[spmem:s3] =	stream.indirect.scatter.add.f32 [tilespmem:s18], [sflag:$0x5], $0x20, s1, s0, $0xb8;
	[tilespmem:$0x1FF00] =	vst v63  }
0x3a0: {  	s28 =	simm.s32 $0x19D70  }
0x3a1: {  	[spmem:s3] =	stream.indirect.scatter.add.f32 [tilespmem:s18], [sflag:$0x5], $0x20, s28, s0, $0xb8;
	[tilespmem:$0x1FF00] =	vst v63  }
0x3a2: {  	s31 =	simm.s32 $0x19DE0  }
0x3a3: {  	[spmem:s3] =	stream.indirect.scatter.add.f32 [tilespmem:s18], [sflag:$0x5], $0x20, s31, s0, $0xb8;
	[tilespmem:$0x1FF00] =	vst v63  }
0x3a4: {  	s8 =	simm.s32 $0x19E50  }
0x3a5: {  	[spmem:s3] =	stream.indirect.scatter.add.f32 [tilespmem:s18], [sflag:$0x5], $0x20, s8, s0, $0xb8;
	[tilespmem:$0x1FF00] =	vst v63  }
0x3a6: {  	s5 =	simm.s32 $0x19EC0  }
0x3a7: {  	[spmem:s3] =	stream.indirect.scatter.add.f32 [tilespmem:s18], [sflag:$0x5], $0x20, s5, s0, $0xb8;
	[tilespmem:$0x1FF00] =	vst v63  }
0x3a8: {  	s19 =	simm.s32 $0x19F30  }
0x3a9: {  	[spmem:s3] =	stream.indirect.scatter.add.f32 [tilespmem:s18], [sflag:$0x5], $0x20, s19, s0, $0xb8;
	[tilespmem:$0x1FF00] =	vst v63  }
0x3aa: {  	s23 =	simm.s32 $0x19FA0  }
0x3ab: {  	[spmem:s3] =	stream.indirect.scatter.add.f32 [tilespmem:s18], [sflag:$0x5], $0x20, s23, s0, $0xb8;
	[tilespmem:$0x1FF00] =	vst v63  }
0x3ac: {  	s12 =	simm.s32 $0x1A010  }
0x3ad: {  	[spmem:s3] =	stream.indirect.scatter.add.f32 [tilespmem:s18], [sflag:$0x5], $0x20, s12, s0, $0xb8;
	[tilespmem:$0x1FF00] =	vst v63  }
0x3ae: {  	_ =	swait.ge [sflag:s20], $0xE00  }
0x3af: {  	[sflag:s20] =	ssyncset.done $0x0  }
0x3b0: {  	[sflag:s20] =	ssyncadd.s32 $0xFFFFF200  }
0x3b1: {  	_ =	swait.ge [sflag:s20], $0xE00  }
0x3b2: {  	[sflag:s20] =	ssyncset.done $0x0  }
0x3b3: {  	[sflag:s20] =	ssyncadd.s32 $0xFFFFF200  }
0x3b4: {  	_ =	swait.ge [sflag:s20], $0xE00  }
0x3b5: {  	[sflag:s20] =	ssyncset.done $0x0  }
0x3b6: {  	[sflag:s20] =	ssyncadd.s32 $0xFFFFF200  }
0x3b7: {  	_ =	swait.ge [sflag:s20], $0xE00  }
0x3b8: {  	[sflag:s20] =	ssyncset.done $0x0  }
0x3b9: {  	[sflag:s20] =	ssyncadd.s32 $0xFFFFF200  }
0x3ba: {  	_ =	swait.ge [sflag:s20], $0xE00  }
0x3bb: {  	[sflag:s20] =	ssyncset.done $0x0  }
0x3bc: {  	[sflag:s20] =	ssyncadd.s32 $0xFFFFF200  }
0x3bd: {  	_ =	swait.ge [sflag:s20], $0xE00  }
0x3be: {  	[sflag:s20] =	ssyncset.done $0x0  }
0x3bf: {  	[sflag:s20] =	ssyncadd.s32 $0xFFFFF200  }
0x3c0: {  	_ =	swait.ge [sflag:s20], $0xE00  }
0x3c1: {  	[sflag:s20] =	ssyncset.done $0x0  }
0x3c2: {  	[sflag:s20] =	ssyncadd.s32 $0xFFFFF200  }
0x3c3: {  	_ =	swait.ge [sflag:s20], $0xE00  }
0x3c4: {  	[sflag:s20] =	ssyncset.done $0x0  }
0x3c5: {  	[sflag:s20] =	ssyncadd.s32 $0xFFFFF200  }
0x3c6: {  	_ =	swait.ge [sflag:s20], $0xE00  }
0x3c7: {  	[sflag:s20] =	ssyncset.done $0x0  }
0x3c8: {  	[sflag:s20] =	ssyncadd.s32 $0xFFFFF200  }
0x3c9: {  	_ =	swait.ge [sflag:s20], $0xE00  }
0x3ca: {  	[sflag:s20] =	ssyncset.done $0x0  }
0x3cb: {  	[sflag:s20] =	ssyncadd.s32 $0xFFFFF200  }
0x3cc: {  	_ =	swait.ge [sflag:s20], $0xE00  }
0x3cd: {  	[sflag:s20] =	ssyncset.done $0x0  }
0x3ce: {  	[sflag:s20] =	ssyncadd.s32 $0xFFFFF200  }
0x3cf: {  	_ =	swait.ge [sflag:s20], $0xE00  }
0x3d0: {  	[sflag:s20] =	ssyncset.done $0x0  }
0x3d1: {  	[sflag:s20] =	ssyncadd.s32 $0xFFFFF200  }
0x3d2: {  	_ =	swait.ge [sflag:s20], $0xE00  }
0x3d3: {  	[sflag:s20] =	ssyncset.done $0x0  }
0x3d4: {  	[sflag:s20] =	ssyncadd.s32 $0xFFFFF200  }
0x3d5: {  	_ =	swait.ge [sflag:s20], $0xE00  }
0x3d6: {  	[sflag:s20] =	ssyncset.done $0x0  }
0x3d7: {  	[sflag:s20] =	ssyncadd.s32 $0xFFFFF200  }
0x3d8: {  	_ =	swait.ge [sflag:s20], $0xE00  }
0x3d9: {  	[sflag:s20] =	ssyncset.done $0x0  }
0x3da: {  	[sflag:s20] =	ssyncadd.s32 $0xFFFFF200  }
0x3db: {  	_ =	swait.ge [sflag:s20], $0xE00  }
0x3dc: {  	[sflag:s20] =	ssyncset.done $0x0  }
0x3dd: {  	[sflag:s20] =	ssyncadd.s32 $0xFFFFF200  }
0x3de: {  	_ =	swait.ge [sflag:s20], $0xE00  }
0x3df: {  	[sflag:s20] =	ssyncset.done $0x0  }
0x3e0: {  	[sflag:s20] =	ssyncadd.s32 $0xFFFFF200  }
0x3e1: {  	_ =	swait.ge [sflag:s20], $0xE00  }
0x3e2: {  	[sflag:s20] =	ssyncset.done $0x0  }
0x3e3: {  	[sflag:s20] =	ssyncadd.s32 $0xFFFFF200  }
0x3e4: {  	_ =	swait.ge [sflag:s20], $0xE00  }
0x3e5: {  	[sflag:s20] =	ssyncset.done $0x0  }
0x3e6: {  	[sflag:s20] =	ssyncadd.s32 $0xFFFFF200  }
0x3e7: {  	_ =	swait.ge [sflag:s20], $0xE00  }
0x3e8: {  	[sflag:s20] =	ssyncset.done $0x0  }
0x3e9: {  	[sflag:s20] =	ssyncadd.s32 $0xFFFFF200  }
0x3ea: {  	_ =	swait.ge [sflag:s20], $0xE00  }
0x3eb: {  	[sflag:s20] =	ssyncset.done $0x0  }
0x3ec: {  	[sflag:s20] =	ssyncadd.s32 $0xFFFFF200  }
0x3ed: {  	_ =	swait.ge [sflag:s20], $0xE00  }
0x3ee: {  	[sflag:s20] =	ssyncset.done $0x0  }
0x3ef: {  	[sflag:s20] =	ssyncadd.s32 $0xFFFFF200  }
0x3f0: {  	_ =	swait.ge [sflag:s20], $0xE00  }
0x3f1: {  	[sflag:s20] =	ssyncset.done $0x0  }
0x3f2: {  	[sflag:s20] =	ssyncadd.s32 $0xFFFFF200  }
0x3f3: {  	_ =	swait.ge [sflag:s20], $0xE00  }
0x3f4: {  	[sflag:s20] =	ssyncset.done $0x0  }
0x3f5: {  	[sflag:s20] =	ssyncadd.s32 $0xFFFFF200  }
0x3f6: {  	_ =	swait.ge [sflag:s20], $0xE00  }
0x3f7: {  	s21 =	simm.s32 $0x19830;
	[sflag:s20] =	ssyncset.done $0x0  }
0x3f8: {  	s15 =	simm.s32 $0x199F0;
	s24 =	simm.s32 $0x19A60;
	[sflag:s20] =	ssyncadd.s32 $0xFFFFF200  }
0x3f9: {  	p3 =	sne.s32 s25, $0x1;
	s25 =	sadd.s32 $0xFFFFFFFF, s25;
	_ =	swait.ge [sflag:s20], $0xE00  }
0x3fa: {  	s29 =	sadd.s32 $0xC40, s29;
	p2 =	por $0x1, $0x1;
	[sflag:s20] =	ssyncset.done $0x0  }
0x3fb: {  	s30 =	simm.s32 $0x19AD0;
	s26 =	simm.s32 $0x19910;
	[sflag:s20] =	ssyncadd.s32 $0xFFFFF200  }
.Ltmp7:
0x3fc: {  	s2 =	simm.s32 $0x19980;
	_ =	swait.ge [sflag:s20], $0xE00;
	(pc) =	sbr.rel @!p3 .LBB2_13-.Ltmp7, $4  }
0x3fd: {  	s4 =	simm.s32 $0x198A0;
	s9 =	simm.s32 $0x19440;
	[sflag:s20] =	ssyncset.done $0x0  }
0x3fe: {  	s10 =	simm.s32 $0x194B0;
	s13 =	simm.s32 $0x19BB0;
	[sflag:s20] =	ssyncadd.s32 $0xFFFFF200  }
0x3ff: {  	s14 =	sshrl.u32 s29, $0x3;
	s16 =	simm.s32 $0x19B40;
	_ =	swait.ge [sflag:s20], $0xE00  }
0x400: {  	s17 =	simm.s32 $0xC;
	s22 =	simm.s32 $0x19C20;
	[sflag:s20] =	ssyncset.done $0x0  }
.LBB2_14:
0x401: {  	p3 =	sne.s32 s25, $0x1  }
0x402: {  	s14 =	sadd.s32 s6, s14;
	[sflag:s20] =	ssyncadd.s32 $0xFFFFF200;
	s11 =	simm.s32 $0x0  }
0x403: {  	[tilespmem:s9], [sflag:$0xC] =	stream.linear.gather [hbm4b:s14+s11], $0xC40, $0x38;
	[tilespmem:$0x1FF00] =	vst v63  }
0x404: {  	s25 =	sadd.s32 $0xFFFFFFFF, s25;
	_ =	swait.ge [sflag:s17], $0xC40  }
0x405: {  	[sflag:s17] =	ssyncset.done $0x0  }
0x406: {  	[sflag:s17] =	ssyncadd.s32 $0xFFFFF3C0  }
0x407: {  	[spmem:s3] =	stream.indirect.scatter.add.f32 [tilespmem:s18], [sflag:$0x5], $0x20, s9, s0, $0xb8;
	[tilespmem:$0x1FF00] =	vst v63  }
0x408: {  	_ = 	snop  }
0x409: {  	[spmem:s3] =	stream.indirect.scatter.add.f32 [tilespmem:s18], [sflag:$0x5], $0x20, s10, s0, $0xb8;
	[tilespmem:$0x1FF00] =	vst v63  }
0x40a: {  	s11 =	simm.s32 $0x19520  }
0x40b: {  	[spmem:s3] =	stream.indirect.scatter.add.f32 [tilespmem:s18], [sflag:$0x5], $0x20, s11, s0, $0xb8;
	[tilespmem:$0x1FF00] =	vst v63  }
0x40c: {  	s11 =	simm.s32 $0x19590  }
0x40d: {  	[spmem:s3] =	stream.indirect.scatter.add.f32 [tilespmem:s18], [sflag:$0x5], $0x20, s11, s0, $0xb8;
	[tilespmem:$0x1FF00] =	vst v63  }
0x40e: {  	s11 =	simm.s32 $0x19600  }
0x40f: {  	[spmem:s3] =	stream.indirect.scatter.add.f32 [tilespmem:s18], [sflag:$0x5], $0x20, s11, s0, $0xb8;
	[tilespmem:$0x1FF00] =	vst v63  }
0x410: {  	s11 =	simm.s32 $0x19670  }
0x411: {  	[spmem:s3] =	stream.indirect.scatter.add.f32 [tilespmem:s18], [sflag:$0x5], $0x20, s11, s0, $0xb8;
	[tilespmem:$0x1FF00] =	vst v63  }
0x412: {  	s11 =	simm.s32 $0x196E0  }
0x413: {  	[spmem:s3] =	stream.indirect.scatter.add.f32 [tilespmem:s18], [sflag:$0x5], $0x20, s11, s0, $0xb8;
	[tilespmem:$0x1FF00] =	vst v63  }
0x414: {  	s11 =	simm.s32 $0x19750  }
0x415: {  	[spmem:s3] =	stream.indirect.scatter.add.f32 [tilespmem:s18], [sflag:$0x5], $0x20, s11, s0, $0xb8;
	[tilespmem:$0x1FF00] =	vst v63  }
0x416: {  	s11 =	simm.s32 $0x197C0  }
0x417: {  	[spmem:s3] =	stream.indirect.scatter.add.f32 [tilespmem:s18], [sflag:$0x5], $0x20, s11, s0, $0xb8;
	[tilespmem:$0x1FF00] =	vst v63  }
0x418: {  	_ = 	snop  }
0x419: {  	[spmem:s3] =	stream.indirect.scatter.add.f32 [tilespmem:s18], [sflag:$0x5], $0x20, s21, s0, $0xb8;
	[tilespmem:$0x1FF00] =	vst v63  }
0x41a: {  	_ = 	snop  }
0x41b: {  	[spmem:s3] =	stream.indirect.scatter.add.f32 [tilespmem:s18], [sflag:$0x5], $0x20, s4, s0, $0xb8;
	[tilespmem:$0x1FF00] =	vst v63  }
0x41c: {  	_ = 	snop  }
0x41d: {  	[spmem:s3] =	stream.indirect.scatter.add.f32 [tilespmem:s18], [sflag:$0x5], $0x20, s26, s0, $0xb8;
	[tilespmem:$0x1FF00] =	vst v63  }
0x41e: {  	_ = 	snop  }
0x41f: {  	[spmem:s3] =	stream.indirect.scatter.add.f32 [tilespmem:s18], [sflag:$0x5], $0x20, s2, s0, $0xb8;
	[tilespmem:$0x1FF00] =	vst v63  }
0x420: {  	_ = 	snop  }
0x421: {  	[spmem:s3] =	stream.indirect.scatter.add.f32 [tilespmem:s18], [sflag:$0x5], $0x20, s15, s0, $0xb8;
	[tilespmem:$0x1FF00] =	vst v63  }
0x422: {  	_ = 	snop  }
0x423: {  	[spmem:s3] =	stream.indirect.scatter.add.f32 [tilespmem:s18], [sflag:$0x5], $0x20, s24, s0, $0xb8;
	[tilespmem:$0x1FF00] =	vst v63  }
0x424: {  	_ = 	snop  }
0x425: {  	[spmem:s3] =	stream.indirect.scatter.add.f32 [tilespmem:s18], [sflag:$0x5], $0x20, s30, s0, $0xb8;
	[tilespmem:$0x1FF00] =	vst v63  }
0x426: {  	_ = 	snop  }
0x427: {  	[spmem:s3] =	stream.indirect.scatter.add.f32 [tilespmem:s18], [sflag:$0x5], $0x20, s16, s0, $0xb8;
	[tilespmem:$0x1FF00] =	vst v63  }
0x428: {  	_ = 	snop  }
0x429: {  	[spmem:s3] =	stream.indirect.scatter.add.f32 [tilespmem:s18], [sflag:$0x5], $0x20, s13, s0, $0xb8;
	[tilespmem:$0x1FF00] =	vst v63  }
0x42a: {  	_ = 	snop  }
0x42b: {  	[spmem:s3] =	stream.indirect.scatter.add.f32 [tilespmem:s18], [sflag:$0x5], $0x20, s22, s0, $0xb8;
	[tilespmem:$0x1FF00] =	vst v63  }
0x42c: {  	_ = 	snop  }
0x42d: {  	[spmem:s3] =	stream.indirect.scatter.add.f32 [tilespmem:s18], [sflag:$0x5], $0x20, s7, s0, $0xb8;
	[tilespmem:$0x1FF00] =	vst v63  }
0x42e: {  	_ = 	snop  }
0x42f: {  	[spmem:s3] =	stream.indirect.scatter.add.f32 [tilespmem:s18], [sflag:$0x5], $0x20, s1, s0, $0xb8;
	[tilespmem:$0x1FF00] =	vst v63  }
0x430: {  	_ = 	snop  }
0x431: {  	[spmem:s3] =	stream.indirect.scatter.add.f32 [tilespmem:s18], [sflag:$0x5], $0x20, s28, s0, $0xb8;
	[tilespmem:$0x1FF00] =	vst v63  }
0x432: {  	_ = 	snop  }
0x433: {  	[spmem:s3] =	stream.indirect.scatter.add.f32 [tilespmem:s18], [sflag:$0x5], $0x20, s31, s0, $0xb8;
	[tilespmem:$0x1FF00] =	vst v63  }
0x434: {  	_ = 	snop  }
0x435: {  	[spmem:s3] =	stream.indirect.scatter.add.f32 [tilespmem:s18], [sflag:$0x5], $0x20, s8, s0, $0xb8;
	[tilespmem:$0x1FF00] =	vst v63  }
0x436: {  	_ = 	snop  }
0x437: {  	[spmem:s3] =	stream.indirect.scatter.add.f32 [tilespmem:s18], [sflag:$0x5], $0x20, s5, s0, $0xb8;
	[tilespmem:$0x1FF00] =	vst v63  }
0x438: {  	_ = 	snop  }
0x439: {  	[spmem:s3] =	stream.indirect.scatter.add.f32 [tilespmem:s18], [sflag:$0x5], $0x20, s19, s0, $0xb8;
	[tilespmem:$0x1FF00] =	vst v63  }
0x43a: {  	_ = 	snop  }
0x43b: {  	[spmem:s3] =	stream.indirect.scatter.add.f32 [tilespmem:s18], [sflag:$0x5], $0x20, s23, s0, $0xb8;
	[tilespmem:$0x1FF00] =	vst v63  }
0x43c: {  	_ = 	snop  }
0x43d: {  	[spmem:s3] =	stream.indirect.scatter.add.f32 [tilespmem:s18], [sflag:$0x5], $0x20, s12, s0, $0xb8;
	[tilespmem:$0x1FF00] =	vst v63  }
0x43e: {  	_ =	swait.ge [sflag:s20], $0xE00  }
0x43f: {  	[sflag:s20] =	ssyncset.done $0x0  }
0x440: {  	[sflag:s20] =	ssyncadd.s32 $0xFFFFF200  }
0x441: {  	_ =	swait.ge [sflag:s20], $0xE00  }
0x442: {  	[sflag:s20] =	ssyncset.done $0x0  }
0x443: {  	[sflag:s20] =	ssyncadd.s32 $0xFFFFF200  }
0x444: {  	_ =	swait.ge [sflag:s20], $0xE00  }
0x445: {  	[sflag:s20] =	ssyncset.done $0x0  }
0x446: {  	[sflag:s20] =	ssyncadd.s32 $0xFFFFF200  }
0x447: {  	_ =	swait.ge [sflag:s20], $0xE00  }
0x448: {  	[sflag:s20] =	ssyncset.done $0x0  }
0x449: {  	[sflag:s20] =	ssyncadd.s32 $0xFFFFF200  }
0x44a: {  	_ =	swait.ge [sflag:s20], $0xE00  }
0x44b: {  	[sflag:s20] =	ssyncset.done $0x0  }
0x44c: {  	[sflag:s20] =	ssyncadd.s32 $0xFFFFF200  }
0x44d: {  	_ =	swait.ge [sflag:s20], $0xE00  }
0x44e: {  	[sflag:s20] =	ssyncset.done $0x0  }
0x44f: {  	[sflag:s20] =	ssyncadd.s32 $0xFFFFF200  }
0x450: {  	_ =	swait.ge [sflag:s20], $0xE00  }
0x451: {  	[sflag:s20] =	ssyncset.done $0x0  }
0x452: {  	[sflag:s20] =	ssyncadd.s32 $0xFFFFF200  }
0x453: {  	_ =	swait.ge [sflag:s20], $0xE00  }
0x454: {  	[sflag:s20] =	ssyncset.done $0x0  }
0x455: {  	[sflag:s20] =	ssyncadd.s32 $0xFFFFF200  }
0x456: {  	_ =	swait.ge [sflag:s20], $0xE00  }
0x457: {  	[sflag:s20] =	ssyncset.done $0x0  }
0x458: {  	[sflag:s20] =	ssyncadd.s32 $0xFFFFF200  }
0x459: {  	_ =	swait.ge [sflag:s20], $0xE00  }
0x45a: {  	[sflag:s20] =	ssyncset.done $0x0  }
0x45b: {  	[sflag:s20] =	ssyncadd.s32 $0xFFFFF200  }
0x45c: {  	_ =	swait.ge [sflag:s20], $0xE00  }
0x45d: {  	[sflag:s20] =	ssyncset.done $0x0  }
0x45e: {  	[sflag:s20] =	ssyncadd.s32 $0xFFFFF200  }
0x45f: {  	_ =	swait.ge [sflag:s20], $0xE00  }
0x460: {  	[sflag:s20] =	ssyncset.done $0x0  }
0x461: {  	[sflag:s20] =	ssyncadd.s32 $0xFFFFF200  }
0x462: {  	_ =	swait.ge [sflag:s20], $0xE00  }
0x463: {  	[sflag:s20] =	ssyncset.done $0x0  }
0x464: {  	[sflag:s20] =	ssyncadd.s32 $0xFFFFF200  }
0x465: {  	_ =	swait.ge [sflag:s20], $0xE00  }
0x466: {  	[sflag:s20] =	ssyncset.done $0x0  }
0x467: {  	[sflag:s20] =	ssyncadd.s32 $0xFFFFF200  }
0x468: {  	_ =	swait.ge [sflag:s20], $0xE00  }
0x469: {  	[sflag:s20] =	ssyncset.done $0x0  }
0x46a: {  	[sflag:s20] =	ssyncadd.s32 $0xFFFFF200  }
0x46b: {  	_ =	swait.ge [sflag:s20], $0xE00  }
0x46c: {  	[sflag:s20] =	ssyncset.done $0x0  }
0x46d: {  	[sflag:s20] =	ssyncadd.s32 $0xFFFFF200  }
0x46e: {  	_ =	swait.ge [sflag:s20], $0xE00  }
0x46f: {  	[sflag:s20] =	ssyncset.done $0x0  }
0x470: {  	[sflag:s20] =	ssyncadd.s32 $0xFFFFF200  }
0x471: {  	_ =	swait.ge [sflag:s20], $0xE00  }
0x472: {  	[sflag:s20] =	ssyncset.done $0x0  }
0x473: {  	[sflag:s20] =	ssyncadd.s32 $0xFFFFF200  }
0x474: {  	_ =	swait.ge [sflag:s20], $0xE00  }
0x475: {  	[sflag:s20] =	ssyncset.done $0x0  }
0x476: {  	[sflag:s20] =	ssyncadd.s32 $0xFFFFF200  }
0x477: {  	_ =	swait.ge [sflag:s20], $0xE00  }
0x478: {  	[sflag:s20] =	ssyncset.done $0x0  }
0x479: {  	[sflag:s20] =	ssyncadd.s32 $0xFFFFF200  }
0x47a: {  	_ =	swait.ge [sflag:s20], $0xE00  }
0x47b: {  	[sflag:s20] =	ssyncset.done $0x0  }
0x47c: {  	[sflag:s20] =	ssyncadd.s32 $0xFFFFF200  }
0x47d: {  	_ =	swait.ge [sflag:s20], $0xE00  }
0x47e: {  	[sflag:s20] =	ssyncset.done $0x0  }
0x47f: {  	[sflag:s20] =	ssyncadd.s32 $0xFFFFF200  }
0x480: {  	_ =	swait.ge [sflag:s20], $0xE00  }
0x481: {  	[sflag:s20] =	ssyncset.done $0x0  }
0x482: {  	[sflag:s20] =	ssyncadd.s32 $0xFFFFF200  }
0x483: {  	_ =	swait.ge [sflag:s20], $0xE00  }
0x484: {  	[sflag:s20] =	ssyncset.done $0x0  }
0x485: {  	[sflag:s20] =	ssyncadd.s32 $0xFFFFF200  }
0x486: {  	_ =	swait.ge [sflag:s20], $0xE00  }
0x487: {  	[sflag:s20] =	ssyncset.done $0x0  }
0x488: {  	[sflag:s20] =	ssyncadd.s32 $0xFFFFF200  }
0x489: {  	_ =	swait.ge [sflag:s20], $0xE00  }
0x48a: {  	[sflag:s20] =	ssyncset.done $0x0  }
0x48b: {  	[sflag:s20] =	ssyncadd.s32 $0xFFFFF200  }
.Ltmp8:
0x48c: {  	_ =	swait.ge [sflag:s20], $0xE00;
	(pc) =	sbr.rel @p3 .LBB2_14-.Ltmp8, $4  }
0x48d: {  	[sflag:s20] =	ssyncset.done $0x0  }
0x48e: {  	[sflag:s20] =	ssyncadd.s32 $0xFFFFF200  }
0x48f: {  	s29 =	sadd.s32 $0xC40, s29;
	_ =	swait.ge [sflag:s20], $0xE00  }
0x490: {  	s14 =	sshrl.u32 s29, $0x3;
	[sflag:s20] =	ssyncset.done $0x0  }
0x491: {  	s26 =	simm.s32 $0x19910;
	s4 =	simm.s32 $0x198A0;
	s21 =	simm.s32 $0x19830  }
0x492: {  	s10 =	simm.s32 $0x197C0;
	s17 =	simm.s32 $0x19750;
	s31 =	simm.s32 $0x196E0  }
0x493: {  	s23 =	simm.s32 $0x19670;
	s19 =	simm.s32 $0x19600;
	s16 =	simm.s32 $0x1  }
0x494: {  	s13 =	simm.s32 $0x2;
	s22 =	simm.s32 $0x3;
	s11 =	simm.s32 $0x6  }
0x495: {  	s15 =	simm.s32 $0x4;
	s7 =	simm.s32 $0x8;
	s2 =	smov.u32 s6  }
0x496: {  	s5 =	simm.s32 $0x19440;
	s25 =	simm.s32 $0x19DE0;
	s6 =	simm.s32 $0x19E50  }
0x497: {  	s29 =	simm.s32 $0x19EC0;
	s12 =	simm.s32 $0x19F30;
	s9 =	sld [smem:$0x7EA]  }
0x498: {  	s1 =	simm.s32 $0xC;
	s28 =	sld [smem:$0x7E9];
	s30 =	simm.s32 $0x194B0  }
.LBB2_16:
0x499: {  	s14 =	sadd.s32 s2, s14;
	[sflag:s20] =	ssyncadd.s32 @p2 $0xFFFFF200;
	s8 =	simm.s32 $0x0  }
0x49a: {  	[tilespmem:s5], [sflag:$0xC] =	stream.linear.gather [hbm4b:s14+s8], $0xC40, $0x38;
	[tilespmem:$0x1FF00] =	vst v63  }
0x49b: {  	_ =	swait.ge [sflag:s1], $0xC40  }
0x49c: {  	[sflag:s1] =	ssyncset.done $0x0  }
0x49d: {  	[sflag:s1] =	ssyncadd.s32 $0xFFFFF3C0  }
0x49e: {  	[spmem:s3] =	stream.indirect.scatter.add.f32 [tilespmem:s18], [sflag:$0x5], $0x20, s5, s0, $0xb8;
	[tilespmem:$0x1FF00] =	vst v63  }
0x49f: {  	_ = 	snop  }
0x4a0: {  	[spmem:s3] =	stream.indirect.scatter.add.f32 [tilespmem:s18], [sflag:$0x5], $0x20, s30, s0, $0xb8;
	[tilespmem:$0x1FF00] =	vst v63  }
0x4a1: {  	s24 =	simm.s32 $0x19520  }
0x4a2: {  	[spmem:s3] =	stream.indirect.scatter.add.f32 [tilespmem:s18], [sflag:$0x5], $0x20, s24, s0, $0xb8;
	[tilespmem:$0x1FF00] =	vst v63  }
0x4a3: {  	s1 =	simm.s32 $0x19590  }
0x4a4: {  	[spmem:s3] =	stream.indirect.scatter.add.f32 [tilespmem:s18], [sflag:$0x5], $0x20, s1, s0, $0xb8;
	[tilespmem:$0x1FF00] =	vst v63  }
0x4a5: {  	_ = 	snop  }
0x4a6: {  	[spmem:s3] =	stream.indirect.scatter.add.f32 [tilespmem:s18], [sflag:$0x5], $0x20, s19, s0, $0xb8;
	[tilespmem:$0x1FF00] =	vst v63  }
0x4a7: {  	_ = 	snop  }
0x4a8: {  	[spmem:s3] =	stream.indirect.scatter.add.f32 [tilespmem:s18], [sflag:$0x5], $0x20, s23, s0, $0xb8;
	[tilespmem:$0x1FF00] =	vst v63  }
0x4a9: {  	_ = 	snop  }
0x4aa: {  	[spmem:s3] =	stream.indirect.scatter.add.f32 [tilespmem:s18], [sflag:$0x5], $0x20, s31, s0, $0xb8;
	[tilespmem:$0x1FF00] =	vst v63  }
0x4ab: {  	_ = 	snop  }
0x4ac: {  	[spmem:s3] =	stream.indirect.scatter.add.f32 [tilespmem:s18], [sflag:$0x5], $0x20, s17, s0, $0xb8;
	[tilespmem:$0x1FF00] =	vst v63  }
0x4ad: {  	_ = 	snop  }
0x4ae: {  	[spmem:s3] =	stream.indirect.scatter.add.f32 [tilespmem:s18], [sflag:$0x5], $0x20, s10, s0, $0xb8;
	[tilespmem:$0x1FF00] =	vst v63  }
0x4af: {  	_ = 	snop  }
0x4b0: {  	[spmem:s3] =	stream.indirect.scatter.add.f32 [tilespmem:s18], [sflag:$0x5], $0x20, s21, s0, $0xb8;
	[tilespmem:$0x1FF00] =	vst v63  }
0x4b1: {  	_ = 	snop  }
0x4b2: {  	[spmem:s3] =	stream.indirect.scatter.add.f32 [tilespmem:s18], [sflag:$0x5], $0x20, s4, s0, $0xb8;
	[tilespmem:$0x1FF00] =	vst v63  }
0x4b3: {  	_ = 	snop  }
0x4b4: {  	[spmem:s3] =	stream.indirect.scatter.add.f32 [tilespmem:s18], [sflag:$0x5], $0x20, s26, s0, $0xb8;
	[tilespmem:$0x1FF00] =	vst v63  }
0x4b5: {  	s2 =	simm.s32 $0x19980  }
0x4b6: {  	[spmem:s3] =	stream.indirect.scatter.add.f32 [tilespmem:s18], [sflag:$0x5], $0x20, s2, s0, $0xb8;
	[tilespmem:$0x1FF00] =	vst v63  }
0x4b7: {  	s5 =	simm.s32 $0x199F0  }
0x4b8: {  	[spmem:s3] =	stream.indirect.scatter.add.f32 [tilespmem:s18], [sflag:$0x5], $0x20, s5, s0, $0xb8;
	[tilespmem:$0x1FF00] =	vst v63  }
0x4b9: {  	s8 =	simm.s32 $0x19A60  }
0x4ba: {  	[spmem:s3] =	stream.indirect.scatter.add.f32 [tilespmem:s18], [sflag:$0x5], $0x20, s8, s0, $0xb8;
	[tilespmem:$0x1FF00] =	vst v63  }
0x4bb: {  	s14 =	simm.s32 $0x19AD0  }
0x4bc: {  	[spmem:s3] =	stream.indirect.scatter.add.f32 [tilespmem:s18], [sflag:$0x5], $0x20, s14, s0, $0xb8;
	[tilespmem:$0x1FF00] =	vst v63  }
0x4bd: {  	s24 =	simm.s32 $0x19B40  }
0x4be: {  	[spmem:s3] =	stream.indirect.scatter.add.f32 [tilespmem:s18], [sflag:$0x5], $0x20, s24, s0, $0xb8;
	[tilespmem:$0x1FF00] =	vst v63  }
0x4bf: {  	s1 =	simm.s32 $0x19BB0  }
0x4c0: {  	[spmem:s3] =	stream.indirect.scatter.add.f32 [tilespmem:s18], [sflag:$0x5], $0x20, s1, s0, $0xb8;
	[tilespmem:$0x1FF00] =	vst v63  }
0x4c1: {  	s5 =	simm.s32 $0x19C20  }
0x4c2: {  	[spmem:s3] =	stream.indirect.scatter.add.f32 [tilespmem:s18], [sflag:$0x5], $0x20, s5, s0, $0xb8;
	[tilespmem:$0x1FF00] =	vst v63  }
0x4c3: {  	s8 =	simm.s32 $0x19C90  }
0x4c4: {  	[spmem:s3] =	stream.indirect.scatter.add.f32 [tilespmem:s18], [sflag:$0x5], $0x20, s8, s0, $0xb8;
	[tilespmem:$0x1FF00] =	vst v63  }
0x4c5: {  	s14 =	simm.s32 $0x19D00  }
0x4c6: {  	[spmem:s3] =	stream.indirect.scatter.add.f32 [tilespmem:s18], [sflag:$0x5], $0x20, s14, s0, $0xb8;
	[tilespmem:$0x1FF00] =	vst v63  }
0x4c7: {  	s24 =	simm.s32 $0x19D70  }
0x4c8: {  	[spmem:s3] =	stream.indirect.scatter.add.f32 [tilespmem:s18], [sflag:$0x5], $0x20, s24, s0, $0xb8;
	[tilespmem:$0x1FF00] =	vst v63  }
0x4c9: {  	_ = 	snop  }
0x4ca: {  	[spmem:s3] =	stream.indirect.scatter.add.f32 [tilespmem:s18], [sflag:$0x5], $0x20, s25, s0, $0xb8;
	[tilespmem:$0x1FF00] =	vst v63  }
0x4cb: {  	_ = 	snop  }
0x4cc: {  	[spmem:s3] =	stream.indirect.scatter.add.f32 [tilespmem:s18], [sflag:$0x5], $0x20, s6, s0, $0xb8;
	[tilespmem:$0x1FF00] =	vst v63  }
0x4cd: {  	_ = 	snop  }
0x4ce: {  	[spmem:s3] =	stream.indirect.scatter.add.f32 [tilespmem:s18], [sflag:$0x5], $0x20, s29, s0, $0xb8;
	[tilespmem:$0x1FF00] =	vst v63  }
0x4cf: {  	_ = 	snop  }
0x4d0: {  	[spmem:s3] =	stream.indirect.scatter.add.f32 [tilespmem:s18], [sflag:$0x5], $0x20, s12, s0, $0xb8;
	[tilespmem:$0x1FF00] =	vst v63  }
0x4d1: {  	s2 =	simm.s32 $0x19FA0  }
0x4d2: {  	[spmem:s3] =	stream.indirect.scatter.add.f32 [tilespmem:s18], [sflag:$0x5], $0x20, s2, s0, $0xb8;
	[tilespmem:$0x1FF00] =	vst v63  }
0x4d3: {  	s5 =	simm.s32 $0x1A010  }
0x4d4: {  	[spmem:s3] =	stream.indirect.scatter.add.f32 [tilespmem:s18], [sflag:$0x5], $0x20, s5, s0, $0xb8;
	[tilespmem:$0x1FF00] =	vst v63  }
0x4d5: {  	_ =	swait.ge [sflag:s20], $0xE00  }
0x4d6: {  	[sflag:s20] =	ssyncset.done $0x0  }
0x4d7: {  	[sflag:s20] =	ssyncadd.s32 $0xFFFFF200  }
0x4d8: {  	_ =	swait.ge [sflag:s20], $0xE00  }
0x4d9: {  	[sflag:s20] =	ssyncset.done $0x0  }
0x4da: {  	[sflag:s20] =	ssyncadd.s32 $0xFFFFF200  }
0x4db: {  	_ =	swait.ge [sflag:s20], $0xE00  }
0x4dc: {  	[sflag:s20] =	ssyncset.done $0x0  }
0x4dd: {  	[sflag:s20] =	ssyncadd.s32 $0xFFFFF200  }
0x4de: {  	_ =	swait.ge [sflag:s20], $0xE00  }
0x4df: {  	[sflag:s20] =	ssyncset.done $0x0  }
0x4e0: {  	[sflag:s20] =	ssyncadd.s32 $0xFFFFF200  }
0x4e1: {  	_ =	swait.ge [sflag:s20], $0xE00  }
0x4e2: {  	[sflag:s20] =	ssyncset.done $0x0  }
0x4e3: {  	[sflag:s20] =	ssyncadd.s32 $0xFFFFF200  }
0x4e4: {  	_ =	swait.ge [sflag:s20], $0xE00  }
0x4e5: {  	[sflag:s20] =	ssyncset.done $0x0  }
0x4e6: {  	[sflag:s20] =	ssyncadd.s32 $0xFFFFF200  }
0x4e7: {  	_ =	swait.ge [sflag:s20], $0xE00  }
0x4e8: {  	[sflag:s20] =	ssyncset.done $0x0  }
0x4e9: {  	[sflag:s20] =	ssyncadd.s32 $0xFFFFF200  }
0x4ea: {  	_ =	swait.ge [sflag:s20], $0xE00  }
0x4eb: {  	[sflag:s20] =	ssyncset.done $0x0  }
0x4ec: {  	[sflag:s20] =	ssyncadd.s32 $0xFFFFF200  }
0x4ed: {  	_ =	swait.ge [sflag:s20], $0xE00  }
0x4ee: {  	[sflag:s20] =	ssyncset.done $0x0  }
0x4ef: {  	[sflag:s20] =	ssyncadd.s32 $0xFFFFF200  }
0x4f0: {  	_ =	swait.ge [sflag:s20], $0xE00  }
0x4f1: {  	[sflag:s20] =	ssyncset.done $0x0  }
0x4f2: {  	[sflag:s20] =	ssyncadd.s32 $0xFFFFF200  }
0x4f3: {  	_ =	swait.ge [sflag:s20], $0xE00  }
0x4f4: {  	[sflag:s20] =	ssyncset.done $0x0  }
0x4f5: {  	[sflag:s20] =	ssyncadd.s32 $0xFFFFF200  }
0x4f6: {  	_ =	swait.ge [sflag:s20], $0xE00  }
0x4f7: {  	[sflag:s20] =	ssyncset.done $0x0  }
0x4f8: {  	[sflag:s20] =	ssyncadd.s32 $0xFFFFF200  }
0x4f9: {  	_ =	swait.ge [sflag:s20], $0xE00  }
0x4fa: {  	[sflag:s20] =	ssyncset.done $0x0  }
0x4fb: {  	[sflag:s20] =	ssyncadd.s32 $0xFFFFF200  }
0x4fc: {  	_ =	swait.ge [sflag:s20], $0xE00  }
0x4fd: {  	[sflag:s20] =	ssyncset.done $0x0  }
0x4fe: {  	[sflag:s20] =	ssyncadd.s32 $0xFFFFF200  }
0x4ff: {  	_ =	swait.ge [sflag:s20], $0xE00  }
0x500: {  	[sflag:s20] =	ssyncset.done $0x0  }
0x501: {  	[sflag:s20] =	ssyncadd.s32 $0xFFFFF200  }
0x502: {  	_ =	swait.ge [sflag:s20], $0xE00  }
0x503: {  	[sflag:s20] =	ssyncset.done $0x0  }
0x504: {  	[sflag:s20] =	ssyncadd.s32 $0xFFFFF200  }
0x505: {  	_ =	swait.ge [sflag:s20], $0xE00  }
0x506: {  	[sflag:s20] =	ssyncset.done $0x0  }
0x507: {  	[sflag:s20] =	ssyncadd.s32 $0xFFFFF200  }
0x508: {  	_ =	swait.ge [sflag:s20], $0xE00  }
0x509: {  	[sflag:s20] =	ssyncset.done $0x0  }
0x50a: {  	[sflag:s20] =	ssyncadd.s32 $0xFFFFF200  }
0x50b: {  	_ =	swait.ge [sflag:s20], $0xE00  }
0x50c: {  	[sflag:s20] =	ssyncset.done $0x0  }
0x50d: {  	[sflag:s20] =	ssyncadd.s32 $0xFFFFF200  }
0x50e: {  	_ =	swait.ge [sflag:s20], $0xE00  }
0x50f: {  	[sflag:s20] =	ssyncset.done $0x0  }
0x510: {  	[sflag:s20] =	ssyncadd.s32 $0xFFFFF200  }
0x511: {  	_ =	swait.ge [sflag:s20], $0xE00  }
0x512: {  	[sflag:s20] =	ssyncset.done $0x0  }
0x513: {  	[sflag:s20] =	ssyncadd.s32 $0xFFFFF200  }
0x514: {  	_ =	swait.ge [sflag:s20], $0xE00  }
0x515: {  	[sflag:s20] =	ssyncset.done $0x0  }
0x516: {  	[sflag:s20] =	ssyncadd.s32 $0xFFFFF200  }
0x517: {  	_ =	swait.ge [sflag:s20], $0xE00  }
0x518: {  	[sflag:s20] =	ssyncset.done $0x0  }
0x519: {  	[sflag:s20] =	ssyncadd.s32 $0xFFFFF200  }
0x51a: {  	_ =	swait.ge [sflag:s20], $0xE00  }
0x51b: {  	[sflag:s20] =	ssyncset.done $0x0  }
0x51c: {  	[sflag:s20] =	ssyncadd.s32 $0xFFFFF200  }
0x51d: {  	_ =	swait.ge [sflag:s20], $0xE00  }
0x51e: {  	[sflag:s20] =	ssyncset.done $0x0  }
0x51f: {  	[sflag:s20] =	ssyncadd.s32 $0xFFFFF200  }
0x520: {  	_ =	swait.ge [sflag:s20], $0xE00  }
0x521: {  	[sflag:s20] =	ssyncset.done $0x0  }
0x522: {  	[sflag:s20] =	ssyncadd.s32 $0xFFFFF200  }
0x523: {  	_ =	swait.ge [sflag:s20], $0xE00  }
0x524: {  	[sflag:s20] =	ssyncset.done $0x0  }
0x525: {  	s14 =	rddreg [dreg:$0xc];
	[sflag:s20] =	ssyncadd.s32 $0xFFFFF200  }
0x526: {  	s8 =	rddreg [dreg:$0x8];
	_ =	swait.ge [sflag:s20], $0xE00  }
0x527: {  	s14 =	smov.u32 @p0 s8;
	[sflag:s20] =	ssyncset.done $0x0  }
0x528: {  	s14 =	sshll.u32 s14, $0x5;
	s8 =	rddreg [dreg:$0x5];
	[sflag:s20] =	ssyncadd.s32 $0xFFFFF200  }
0x529: {  	s24 =	sor.u32 s8, s14;
	[bflag:$0x0] =	sbarrier.arrive $0xFFFF  }
0x52a: {  	s25 =	sshrl.u32 s24, $0x3;
	s24 =	sld [smem:$0x7F1]  }
0x52b: {  	s1 =	rddreg [dreg:$0x7]  }
0x52c: {  	s5 =	simm.s32 $0x10;
	s25 =	sadd.s32 s1, s25  }
0x52d: {  	[hbm:s25@s5], [sflag:s24] =	dma.strided [spmem:s9@s15], $0x1880, s16, $0x4   }
0x52e: {  	s25 =	rddreg [dreg:$0xb]  }
0x52f: {  	s29 =	sld [smem:$0x7EB];
	s14 =	sor.u32 s25, s14  }
0x530: {  	s14 =	sshrl.u32 s14, $0x3  }
0x531: {  	s25 =	simm.s32 $0xA;
	s14 =	sadd.s32 s1, s14  }
0x532: {  	[hbm:s14@s5], [sflag:s29] =	dma.strided [spmem:s28@s15], $0x1880, s16, $0x4   }
0x533: {  	_ =	swait.ge [sflag:s25], $0x1880  }
0x534: {  	[sflag:s25] =	ssyncset.done $0x0  }
0x535: {  	s14 =	simm.s32 $0x1F100;
	s1 =	rddreg [dreg:$0xa];
	[sflag:s25] =	ssyncadd.s32 $0xFFFFE780  }
0x536: {  	[spmem:s1] =	stream.linear.scatter [tilespmem:s14], [sflag:$0x9], $0xE00, $0x38;
	[tilespmem:$0x1FF00] =	vst v63  }
0x537: {  	s2 =	rddreg [dreg:$0x10]  }
0x538: {  	[spmem:s2] =	stream.linear.scatter [tilespmem:s14], [sflag:$0x9], $0xE00, $0x38;
	[tilespmem:$0x1FF00] =	vst v63  }
0x539: {  	s5 =	rddreg [dreg:$0x11]  }
0x53a: {  	[spmem:s5] =	stream.linear.scatter [tilespmem:s14], [sflag:$0x9], $0xE00, $0x38;
	[tilespmem:$0x1FF00] =	vst v63  }
0x53b: {  	s24 =	rddreg [dreg:$0x12]  }
0x53c: {  	[spmem:s24] =	stream.linear.scatter [tilespmem:s14], [sflag:$0x9], $0xE00, $0x38;
	[tilespmem:$0x1FF00] =	vst v63  }
0x53d: {  	s25 =	rddreg [dreg:$0x13]  }
0x53e: {  	[spmem:s25] =	stream.linear.scatter [tilespmem:s14], [sflag:$0x9], $0xE00, $0x38;
	[tilespmem:$0x1FF00] =	vst v63  }
0x53f: {  	s1 =	rddreg [dreg:$0x14]  }
0x540: {  	[spmem:s1] =	stream.linear.scatter [tilespmem:s14], [sflag:$0x9], $0xE00, $0x38;
	[tilespmem:$0x1FF00] =	vst v63  }
0x541: {  	s2 =	rddreg [dreg:$0x15]  }
0x542: {  	[spmem:s2] =	stream.linear.scatter [tilespmem:s14], [sflag:$0x9], $0xE00, $0x38;
	[tilespmem:$0x1FF00] =	vst v63  }
0x543: {  	s5 =	rddreg [dreg:$0x16]  }
0x544: {  	[spmem:s5] =	stream.linear.scatter [tilespmem:s14], [sflag:$0x9], $0xE00, $0x38;
	[tilespmem:$0x1FF00] =	vst v63  }
0x545: {  	s24 =	rddreg [dreg:$0x17]  }
0x546: {  	[spmem:s24] =	stream.linear.scatter [tilespmem:s14], [sflag:$0x9], $0xE00, $0x38;
	[tilespmem:$0x1FF00] =	vst v63  }
0x547: {  	s25 =	rddreg [dreg:$0x18]  }
0x548: {  	[spmem:s25] =	stream.linear.scatter [tilespmem:s14], [sflag:$0x9], $0xE00, $0x38;
	[tilespmem:$0x1FF00] =	vst v63  }
0x549: {  	s1 =	rddreg [dreg:$0x19]  }
0x54a: {  	[spmem:s1] =	stream.linear.scatter [tilespmem:s14], [sflag:$0x9], $0xE00, $0x38;
	[tilespmem:$0x1FF00] =	vst v63  }
0x54b: {  	s2 =	rddreg [dreg:$0x1a]  }
0x54c: {  	[spmem:s2] =	stream.linear.scatter [tilespmem:s14], [sflag:$0x9], $0xE00, $0x38;
	[tilespmem:$0x1FF00] =	vst v63  }
0x54d: {  	s5 =	rddreg [dreg:$0x1b]  }
0x54e: {  	[spmem:s5] =	stream.linear.scatter [tilespmem:s14], [sflag:$0x9], $0xE00, $0x38;
	[tilespmem:$0x1FF00] =	vst v63  }
0x54f: {  	s24 =	rddreg [dreg:$0x1c];
	s25 =	simm.s32 $0xB  }
0x550: {  	[spmem:s24] =	stream.linear.scatter [tilespmem:s14], [sflag:$0x9], $0xE00, $0x38;
	[tilespmem:$0x1FF00] =	vst v63  }
0x551: {  	_ =	swait.ge [sflag:s25], $0x1880  }
0x552: {  	[sflag:s25] =	ssyncset.done $0x0;
	s1 =	rddreg [dreg:$0xd]  }
0x553: {  	s2 =	rddreg [dreg:$0x1d];
	[sflag:s25] =	ssyncadd.s32 $0xFFFFE780  }
0x554: {  	[spmem:s1] =	stream.linear.scatter [tilespmem:s14], [sflag:$0x9], $0xE00, $0x38;
	[tilespmem:$0x1FF00] =	vst v63  }
0x555: {  	s5 =	rddreg [dreg:$0x1e]  }
0x556: {  	[spmem:s2] =	stream.linear.scatter [tilespmem:s14], [sflag:$0x9], $0xE00, $0x38;
	[tilespmem:$0x1FF00] =	vst v63  }
0x557: {  	s24 =	rddreg [dreg:$0x1f]  }
0x558: {  	[spmem:s5] =	stream.linear.scatter [tilespmem:s14], [sflag:$0x9], $0xE00, $0x38;
	[tilespmem:$0x1FF00] =	vst v63  }
0x559: {  	s25 =	sld [smem:$0x7F4]  }
0x55a: {  	[spmem:s24] =	stream.linear.scatter [tilespmem:s14], [sflag:$0x9], $0xE00, $0x38;
	[tilespmem:$0x1FF00] =	vst v63  }
0x55b: {  	s1 =	sld [smem:$0x7F5]  }
0x55c: {  	[spmem:s25] =	stream.linear.scatter [tilespmem:s14], [sflag:$0x9], $0xE00, $0x38;
	[tilespmem:$0x1FF00] =	vst v63  }
0x55d: {  	s2 =	sld [smem:$0x7F6]  }
0x55e: {  	[spmem:s1] =	stream.linear.scatter [tilespmem:s14], [sflag:$0x9], $0xE00, $0x38;
	[tilespmem:$0x1FF00] =	vst v63  }
0x55f: {  	s5 =	sld [smem:$0x7F7]  }
0x560: {  	[spmem:s2] =	stream.linear.scatter [tilespmem:s14], [sflag:$0x9], $0xE00, $0x38;
	[tilespmem:$0x1FF00] =	vst v63  }
0x561: {  	s24 =	sld [smem:$0x7F8]  }
0x562: {  	[spmem:s5] =	stream.linear.scatter [tilespmem:s14], [sflag:$0x9], $0xE00, $0x38;
	[tilespmem:$0x1FF00] =	vst v63  }
0x563: {  	s25 =	sld [smem:$0x7F9]  }
0x564: {  	[spmem:s24] =	stream.linear.scatter [tilespmem:s14], [sflag:$0x9], $0xE00, $0x38;
	[tilespmem:$0x1FF00] =	vst v63  }
0x565: {  	s1 =	sld [smem:$0x7FA]  }
0x566: {  	[spmem:s25] =	stream.linear.scatter [tilespmem:s14], [sflag:$0x9], $0xE00, $0x38;
	[tilespmem:$0x1FF00] =	vst v63  }
0x567: {  	s2 =	sld [smem:$0x7FB]  }
0x568: {  	[spmem:s1] =	stream.linear.scatter [tilespmem:s14], [sflag:$0x9], $0xE00, $0x38;
	[tilespmem:$0x1FF00] =	vst v63  }
0x569: {  	s5 =	sld [smem:$0x7FC]  }
0x56a: {  	[spmem:s2] =	stream.linear.scatter [tilespmem:s14], [sflag:$0x9], $0xE00, $0x38;
	[tilespmem:$0x1FF00] =	vst v63  }
0x56b: {  	s24 =	sld [smem:$0x7FD]  }
0x56c: {  	[spmem:s5] =	stream.linear.scatter [tilespmem:s14], [sflag:$0x9], $0xE00, $0x38;
	[tilespmem:$0x1FF00] =	vst v63  }
0x56d: {  	s25 =	simm.s32 $0x9  }
0x56e: {  	[spmem:s24] =	stream.linear.scatter [tilespmem:s14], [sflag:$0x9], $0xE00, $0x38;
	[tilespmem:$0x1FF00] =	vst v63  }
0x56f: {  	_ =	swait.ge [sflag:s25], $0xE00  }
0x570: {  	[sflag:s25] =	ssyncset.done $0x0  }
0x571: {  	[sflag:s25] =	ssyncadd.s32 $0xFFFFF200  }
0x572: {  	_ =	swait.ge [sflag:s25], $0xE00  }
0x573: {  	[sflag:s25] =	ssyncset.done $0x0  }
0x574: {  	[sflag:s25] =	ssyncadd.s32 $0xFFFFF200  }
0x575: {  	_ =	swait.ge [sflag:s25], $0xE00  }
0x576: {  	[sflag:s25] =	ssyncset.done $0x0  }
0x577: {  	[sflag:s25] =	ssyncadd.s32 $0xFFFFF200  }
0x578: {  	_ =	swait.ge [sflag:s25], $0xE00  }
0x579: {  	[sflag:s25] =	ssyncset.done $0x0  }
0x57a: {  	[sflag:s25] =	ssyncadd.s32 $0xFFFFF200  }
0x57b: {  	_ =	swait.ge [sflag:s25], $0xE00  }
0x57c: {  	[sflag:s25] =	ssyncset.done $0x0  }
0x57d: {  	[sflag:s25] =	ssyncadd.s32 $0xFFFFF200  }
0x57e: {  	_ =	swait.ge [sflag:s25], $0xE00  }
0x57f: {  	[sflag:s25] =	ssyncset.done $0x0  }
0x580: {  	[sflag:s25] =	ssyncadd.s32 $0xFFFFF200  }
0x581: {  	_ =	swait.ge [sflag:s25], $0xE00  }
0x582: {  	[sflag:s25] =	ssyncset.done $0x0  }
0x583: {  	[sflag:s25] =	ssyncadd.s32 $0xFFFFF200  }
0x584: {  	_ =	swait.ge [sflag:s25], $0xE00  }
0x585: {  	[sflag:s25] =	ssyncset.done $0x0  }
0x586: {  	[sflag:s25] =	ssyncadd.s32 $0xFFFFF200  }
0x587: {  	_ =	swait.ge [sflag:s25], $0xE00  }
0x588: {  	[sflag:s25] =	ssyncset.done $0x0  }
0x589: {  	[sflag:s25] =	ssyncadd.s32 $0xFFFFF200  }
0x58a: {  	_ =	swait.ge [sflag:s25], $0xE00  }
0x58b: {  	[sflag:s25] =	ssyncset.done $0x0  }
0x58c: {  	[sflag:s25] =	ssyncadd.s32 $0xFFFFF200  }
0x58d: {  	_ =	swait.ge [sflag:s25], $0xE00  }
0x58e: {  	[sflag:s25] =	ssyncset.done $0x0  }
0x58f: {  	[sflag:s25] =	ssyncadd.s32 $0xFFFFF200  }
0x590: {  	_ =	swait.ge [sflag:s25], $0xE00  }
0x591: {  	[sflag:s25] =	ssyncset.done $0x0  }
0x592: {  	[sflag:s25] =	ssyncadd.s32 $0xFFFFF200  }
0x593: {  	_ =	swait.ge [sflag:s25], $0xE00  }
0x594: {  	[sflag:s25] =	ssyncset.done $0x0  }
0x595: {  	[sflag:s25] =	ssyncadd.s32 $0xFFFFF200  }
0x596: {  	_ =	swait.ge [sflag:s25], $0xE00  }
0x597: {  	[sflag:s25] =	ssyncset.done $0x0  }
0x598: {  	[sflag:s25] =	ssyncadd.s32 $0xFFFFF200  }
0x599: {  	_ =	swait.ge [sflag:s25], $0xE00  }
0x59a: {  	[sflag:s25] =	ssyncset.done $0x0  }
0x59b: {  	[sflag:s25] =	ssyncadd.s32 $0xFFFFF200  }
0x59c: {  	_ =	swait.ge [sflag:s25], $0xE00  }
0x59d: {  	[sflag:s25] =	ssyncset.done $0x0  }
0x59e: {  	[sflag:s25] =	ssyncadd.s32 $0xFFFFF200  }
0x59f: {  	_ =	swait.ge [sflag:s25], $0xE00  }
0x5a0: {  	[sflag:s25] =	ssyncset.done $0x0  }
0x5a1: {  	[sflag:s25] =	ssyncadd.s32 $0xFFFFF200  }
0x5a2: {  	_ =	swait.ge [sflag:s25], $0xE00  }
0x5a3: {  	[sflag:s25] =	ssyncset.done $0x0  }
0x5a4: {  	[sflag:s25] =	ssyncadd.s32 $0xFFFFF200  }
0x5a5: {  	_ =	swait.ge [sflag:s25], $0xE00  }
0x5a6: {  	[sflag:s25] =	ssyncset.done $0x0  }
0x5a7: {  	[sflag:s25] =	ssyncadd.s32 $0xFFFFF200  }
0x5a8: {  	_ =	swait.ge [sflag:s25], $0xE00  }
0x5a9: {  	[sflag:s25] =	ssyncset.done $0x0  }
0x5aa: {  	[sflag:s25] =	ssyncadd.s32 $0xFFFFF200  }
0x5ab: {  	_ =	swait.ge [sflag:s25], $0xE00  }
0x5ac: {  	[sflag:s25] =	ssyncset.done $0x0  }
0x5ad: {  	[sflag:s25] =	ssyncadd.s32 $0xFFFFF200  }
0x5ae: {  	_ =	swait.ge [sflag:s25], $0xE00  }
0x5af: {  	[sflag:s25] =	ssyncset.done $0x0  }
0x5b0: {  	[sflag:s25] =	ssyncadd.s32 $0xFFFFF200  }
0x5b1: {  	_ =	swait.ge [sflag:s25], $0xE00  }
0x5b2: {  	[sflag:s25] =	ssyncset.done $0x0  }
0x5b3: {  	[sflag:s25] =	ssyncadd.s32 $0xFFFFF200  }
0x5b4: {  	_ =	swait.ge [sflag:s25], $0xE00  }
0x5b5: {  	[sflag:s25] =	ssyncset.done $0x0  }
0x5b6: {  	[sflag:s25] =	ssyncadd.s32 $0xFFFFF200  }
0x5b7: {  	_ =	swait.ge [sflag:s25], $0xE00  }
0x5b8: {  	[sflag:s25] =	ssyncset.done $0x0  }
0x5b9: {  	[sflag:s25] =	ssyncadd.s32 $0xFFFFF200  }
0x5ba: {  	_ =	swait.ge [sflag:s25], $0xE00  }
0x5bb: {  	[sflag:s25] =	ssyncset.done $0x0  }
0x5bc: {  	[sflag:s25] =	ssyncadd.s32 $0xFFFFF200  }
0x5bd: {  	_ =	swait.ge [sflag:s25], $0xE00  }
0x5be: {  	[sflag:s25] =	ssyncset.done $0x0  }
0x5bf: {  	[sflag:s25] =	ssyncadd.s32 $0xFFFFF200  }
.Ltmp9:
0x5c0: {  	_ =	swait.ge [sflag:s25], $0xE00;
	(pc) =	sbr.rel @p0 .LBB2_8-.Ltmp9, $4  }
.Ltmp10:
0x5c1: {  	[sflag:s25] =	ssyncset.done $0x0;
	(pc) =	sbr.rel @!p0 .LBB2_17-.Ltmp10, $4  }
0x5c2: {  	[sflag:s25] =	ssyncadd.s32 $0xFFFFF200  }
0x5c3: {  	[bflag:$0x0] =	sbarrier.arrive $0xFFFF  }
0x5c4: {  	s2 =	simm.s32 $0x7;
	s5 =	simm.s32 $0x18A30;
	s1 =	rddreg [dreg:$0x0]  }
0x5c5: {  	_ = 	snop  }
.LBB2_11:
.Ltmp11:
0x5c6: {  	(pc) =	sbr.rel .LBB2_16-.Ltmp11, $4  }
0x5c7: {  	_ = 	snop  }
0x5c8: {  	s2 =	sld [smem:$0x7F3]  }
0x5c9: {  	p2 =	por $0x0, $0x0  }
0x5ca: {  	s5 =	simm.s32 $0x19440;
	s25 =	simm.s32 $0x19DE0;
	s29 =	simm.s32 $0x19EC0  }
.LBB2_13:
0x5cb: {  	s26 =	simm.s32 $0x19910  }
0x5cc: {  	s4 =	simm.s32 $0x198A0;
	s21 =	simm.s32 $0x19830;
	s10 =	simm.s32 $0x197C0  }
0x5cd: {  	s17 =	simm.s32 $0x19750;
	s31 =	simm.s32 $0x196E0;
	s23 =	simm.s32 $0x19670  }
0x5ce: {  	s19 =	simm.s32 $0x19600;
	s16 =	simm.s32 $0x1;
	s13 =	simm.s32 $0x2  }
.Ltmp12:
0x5cf: {  	s22 =	simm.s32 $0x3;
	s11 =	simm.s32 $0x6;
	(pc) =	sbr.rel .LBB2_16-.Ltmp12, $4  }
0x5d0: {  	s15 =	simm.s32 $0x4;
	s7 =	simm.s32 $0x8;
	s2 =	smov.u32 s6  }
0x5d1: {  	s5 =	simm.s32 $0x19440;
	s25 =	simm.s32 $0x19DE0;
	s6 =	simm.s32 $0x19E50  }
0x5d2: {  	s29 =	simm.s32 $0x19EC0;
	s12 =	simm.s32 $0x19F30;
	s9 =	sld [smem:$0x7EA]  }
0x5d3: {  	s1 =	simm.s32 $0xC;
	s28 =	sld [smem:$0x7E9];
	s30 =	simm.s32 $0x194B0  }
.LBB2_18:
0x5d4: {  	_ =	sfence.sel $0x180000  }
0x5d5: {  	[bflag:$0x0] =	sbarrier.arrive $0xFFFF  }
0x5d6: {  	_ =	strace $0x90000047  }
0x5d7: {  	s0 =	stileid.u32;
	[bflag:$0x2] =	sbarrier.arrive $0xFFFF  }
0x5d8: {  	p0 =	sne.s32 s0, $0x0;
	s0 =	rddreg [dreg:$0x4]  }
0x5d9: {  	s0 =	sadd.s32 @!p0 $0x100000, s0  }
0x5da: {  	[sflag:s0] =	ssyncadd.tile.s32 @!p0 $0x1;
	_ =	shalt  }
.Lfunc_end2:
_tile_overlayer_lowered:
.L_overlay_start_2:
0x5db: {  	(tag) =	ssettag $0x2  }
0x5dc: {  	s0 =	rddreg [dreg:$0x0];
	s2 =	stileid.u32  }
0x5dd: {  	s1 =	rddreg [dreg:$0x1];
	p0 =	sne.s32 s2, $0x0  }
0x5de: {  	s3 =	rddreg [dreg:$0x2];
	[bflag:$0x3] =	sbarrier.arrive $0xFFFF;
	s2 =	simm.s32 @!p0 $0x1C0C  }
0x5df: {  	[timem:s3], [sflag:s2] =	dma.local @!p0 [hbm:s0], s1  }
0x5e0: {  	s0 =	simm.s32 @!p0 $0xC  }
0x5e1: {  	_ =	swait.ge @!p0 [sflag:s0], s1  }
0x5e2: {  	s1 =	ssub.s32 @!p0 $0x0, s1;
	[sflag:s0] =	ssyncset.done @!p0 $0x0  }
0x5e3: {  	[sflag:s0] =	ssyncadd.s32 @!p0 s1  }
0x5e4: {  	[bflag:$0x3] =	sbarrier.arrive $0xFFFF  }
0x5e5: {  	_ =	shalt  }

</sc_bundles>
